<compile_context>
chip_gen: v7x
topology: tpu7x:2x2x1
jax: 0.10.2.dev20260603
libtpu: 0.0.44.dev20260713+nightly
codegen_flags: <defaults>
</compile_context>

<pallas_src>
import numpy as _np

import jax
import jax.numpy as jnp
from jax import lax
from jax.experimental import pallas as pl
from jax.experimental.pallas import tpu as pltpu
from jax.experimental.pallas import tpu_sc as plsc

N = 10000
D = 128
H = D // 2
E = 320000
NC = 2
NS = 16
EPW = E // NS
C = 80
B = 2000
CPB = B // C
NCHUNK = EPW // C
R = 4
RPW = 624
LANES = 16
HV = H // LANES

_ROWS = _np.arange(60)
_COMBO_I0 = _np.minimum(_ROWS // 12, 4).astype(_np.int32)
_COMBO_I1 = ((_ROWS % 12) // 2).astype(_np.int32)
_COMBO_I2 = (_ROWS % 2).astype(_np.int32)


def _sc_body(xa_hbm, xb_hbm, src_hbm, dst_hbm, a0_hbm, a1_hbm, a2_hbm,
             e0a_hbm, e0b_hbm, e1a_hbm, e1b_hbm, e2a_hbm, e2b_hbm,
             parta_hbm, partb_hbm,
             acc, xsp, combo_sp,
             srcb, cib, a2b,
             dst_v0, dst_v1, dst_v2, dst_v3,
             xrows0, xrows1, xrows2, xrows3,
             erows0, erows1, erows2, erows3,
             sem_i,
             sem_x0, sem_x1, sem_x2, sem_x3,
             sem_e0, sem_e1, sem_e2, sem_e3,
             sem_s0, sem_s1, sem_s2, sem_s3,
             sem_d0, sem_d1, sem_d2, sem_d3):
    c = lax.axis_index("c")
    s = lax.axis_index("s")

    dst_v = (dst_v0, dst_v1, dst_v2, dst_v3)
    xrows = (xrows0, xrows1, xrows2, xrows3)
    erows = (erows0, erows1, erows2, erows3)
    sem_x = (sem_x0, sem_x1, sem_x2, sem_x3)
    sem_e = (sem_e0, sem_e1, sem_e2, sem_e3)
    sem_s = (sem_s0, sem_s1, sem_s2, sem_s3)
    sem_d = (sem_d0, sem_d1, sem_d2, sem_d3)

    r0 = s * RPW
    t0 = NS * RPW + s * 8

    zero = jnp.zeros((LANES,), jnp.float32)

    def zrow(r, carry):
        for j in range(HV):
            xrows0[r, pl.ds(j * LANES, LANES)] = zero
        return carry

    lax.fori_loop(0, C, zrow, 0)
    for t in range(RPW // C):
        pltpu.sync_copy(xrows0, acc.at[pl.ds(r0 + t * C, C)])
    pltpu.sync_copy(xrows0.at[pl.ds(0, RPW % C)],
                    acc.at[pl.ds(r0 + (RPW // C) * C, RPW % C)])

    @pl.when(s < 2)
    def _zero_tail():
        pltpu.sync_copy(xrows0.at[pl.ds(0, 8)], acc.at[pl.ds(t0, 8)])

    @pl.when(c == 0)
    def _stage_xa():
        pltpu.sync_copy(xa_hbm.at[pl.ds(r0, RPW)], xsp.at[pl.ds(r0, RPW)])

        @pl.when(s < 2)
        def _tail():
            pltpu.sync_copy(xa_hbm.at[pl.ds(t0, 8)], xsp.at[pl.ds(t0, 8)])

    @pl.when(c == 1)
    def _stage_xb():
        pltpu.sync_copy(xb_hbm.at[pl.ds(r0, RPW)], xsp.at[pl.ds(r0, RPW)])

        @pl.when(s < 2)
        def _tail():
            pltpu.sync_copy(xb_hbm.at[pl.ds(t0, 8)], xsp.at[pl.ds(t0, 8)])

    @pl.when(s == 0)
    def _build_combo():
        def stage_tables(ta_hbm, tb_hbm, tc_hbm):
            pltpu.sync_copy(ta_hbm, erows0.at[pl.ds(0, 5)])
            pltpu.sync_copy(tb_hbm, erows0.at[pl.ds(5, 6)])
            pltpu.sync_copy(tc_hbm, erows0.at[pl.ds(11, 2)])

        @pl.when(c == 0)
        def _tabs_a():
            stage_tables(e0a_hbm, e1a_hbm, e2a_hbm)

        @pl.when(c == 1)
        def _tabs_b():
            stage_tables(e0b_hbm, e1b_hbm, e2b_hbm)

        def combo_row(r, carry):
            ia = jnp.minimum(r // 12, 4)
            ib = 5 + (r % 12) // 2
            ic = 11 + r % 2
            for j in range(HV):
                sl = pl.ds(j * LANES, LANES)
                xrows0[r, sl] = (erows0[ia, sl] + erows0[ib, sl]
                                 + erows0[ic, sl])
            return carry

        lax.fori_loop(0, 60, combo_row, 0)
        pltpu.sync_copy(xrows0.at[pl.ds(0, 64)], combo_sp)

    plsc.subcore_barrier()

    ebase = s * EPW

    def refresh_block(k):
        b0 = ebase + k * C
        cpa = pltpu.async_copy(a0_hbm.at[pl.ds(b0, B)], cib, sem_i)
        cpb = pltpu.async_copy(a1_hbm.at[pl.ds(b0, B)], srcb, sem_i)
        cpc = pltpu.async_copy(a2_hbm.at[pl.ds(b0, B)], a2b, sem_i)
        cpa.wait()
        cpb.wait()
        cpc.wait()

        @plsc.parallel_loop(0, B // LANES, step=1, unroll=2)
        def _cirow(t):
            sl = pl.ds(t * LANES, LANES)
            cib[sl] = cib[sl] * 12 + srcb[sl] * 2 + a2b[sl]

        pltpu.sync_copy(src_hbm.at[pl.ds(b0, B)], srcb)

    def start_gathers(k, p):
        off = (k % CPB) * C
        pltpu.async_copy(xsp.at[srcb.at[pl.ds(off, C)]], xrows[p], sem_x[p])
        pltpu.async_copy(combo_sp.at[cib.at[pl.ds(off, C)]], erows[p],
                         sem_e[p])

    def start_dst(k, p):
        pltpu.async_copy(dst_hbm.at[pl.ds(ebase + k * C, C)], dst_v[p],
                         sem_d[p])

    def wait_gathers(p):
        pltpu.make_async_copy(xsp.at[srcb.at[pl.ds(0, C)]],
                              xrows[p], sem_x[p]).wait()
        pltpu.make_async_copy(combo_sp.at[cib.at[pl.ds(0, C)]],
                              erows[p], sem_e[p]).wait()

    def wait_scatter(q):
        pltpu.make_async_copy(xrows[q], acc.at[dst_v[q]], sem_s[q]).wait()

    def wait_dst(p):
        pltpu.make_async_copy(dst_hbm.at[pl.ds(0, C)], dst_v[p],
                              sem_d[p]).wait()

    def chunk(k, carry):
        p = k % R

        @pl.when(k % CPB == 0)
        def _refresh():
            refresh_block(k)

        for pp in range(R):
            @pl.when(p == pp)
            def _pipe(pp=pp):
                p1 = (pp + 1) % R
                p2 = (pp + 2) % R

                @pl.when(k == 0)
                def _prime():
                    start_dst(0, pp)
                    start_dst(1, p1)
                    start_gathers(0, pp)
                    start_gathers(1, p1)

                @pl.when(jnp.logical_and(k > 0, k % CPB == 0))
                def _gather_here():
                    start_gathers(k, pp)
                    start_gathers(k + 1, p1)

                @pl.when(k < NCHUNK - 2)
                def _prefetch():
                    @pl.when(k >= 2)
                    def _drain():
                        wait_scatter(p2)

                    start_dst(k + 2, p2)

                    @pl.when((k + 2) % CPB >= 2)
                    def _pref_gather():
                        start_gathers(k + 2, p2)

                wait_gathers(pp)

                @plsc.parallel_loop(0, C, step=1, unroll=2)
                def _row(r):
                    for j in range(HV):
                        sl = pl.ds(j * LANES, LANES)
                        xrows[pp][r, sl] = jnp.maximum(
                            xrows[pp][r, sl] + erows[pp][r, sl], 0.0)

                wait_dst(pp)
                pltpu.async_copy(xrows[pp], acc.at[dst_v[pp]], sem_s[pp],
                                 add=True)

        return carry

    lax.fori_loop(0, NCHUNK, chunk, 0)
    wait_scatter(0)
    wait_scatter(1)
    wait_scatter(2)
    wait_scatter(3)
    plsc.subcore_barrier()

    @pl.when(c == 0)
    def _out0():
        pltpu.sync_copy(acc.at[pl.ds(r0, RPW)], parta_hbm.at[pl.ds(r0, RPW)])

        @pl.when(s < 2)
        def _tail0():
            pltpu.sync_copy(acc.at[pl.ds(t0, 8)], parta_hbm.at[pl.ds(t0, 8)])

    @pl.when(c == 1)
    def _out1():
        pltpu.sync_copy(acc.at[pl.ds(r0, RPW)], partb_hbm.at[pl.ds(r0, RPW)])

        @pl.when(s < 2)
        def _tail1():
            pltpu.sync_copy(acc.at[pl.ds(t0, 8)], partb_hbm.at[pl.ds(t0, 8)])


_sc_segment = pl.kernel(
    _sc_body,
    out_type=(jax.ShapeDtypeStruct((N, H), jnp.float32),
              jax.ShapeDtypeStruct((N, H), jnp.float32)),
    mesh=plsc.VectorSubcoreMesh(core_axis_name="c", subcore_axis_name="s",
                                num_cores=NC, num_subcores=NS),
    compiler_params=pltpu.CompilerParams(use_tc_tiling_on_sc=False),
    scratch_types=[
        pltpu.VMEM_SHARED((N, H), jnp.float32),
        pltpu.VMEM_SHARED((N, H), jnp.float32),
        pltpu.VMEM_SHARED((64, H), jnp.float32),
        pltpu.VMEM((B,), jnp.int32),
        pltpu.VMEM((B,), jnp.int32),
        pltpu.VMEM((B,), jnp.int32),
        pltpu.VMEM((C,), jnp.int32),
        pltpu.VMEM((C,), jnp.int32),
        pltpu.VMEM((C,), jnp.int32),
        pltpu.VMEM((C,), jnp.int32),
        pltpu.VMEM((C, H), jnp.float32),
        pltpu.VMEM((C, H), jnp.float32),
        pltpu.VMEM((C, H), jnp.float32),
        pltpu.VMEM((C, H), jnp.float32),
        pltpu.VMEM((C, H), jnp.float32),
        pltpu.VMEM((C, H), jnp.float32),
        pltpu.VMEM((C, H), jnp.float32),
        pltpu.VMEM((C, H), jnp.float32),
        pltpu.SemaphoreType.DMA,
        pltpu.SemaphoreType.DMA,
        pltpu.SemaphoreType.DMA,
        pltpu.SemaphoreType.DMA,
        pltpu.SemaphoreType.DMA,
        pltpu.SemaphoreType.DMA,
        pltpu.SemaphoreType.DMA,
        pltpu.SemaphoreType.DMA,
        pltpu.SemaphoreType.DMA,
        pltpu.SemaphoreType.DMA,
        pltpu.SemaphoreType.DMA,
        pltpu.SemaphoreType.DMA,
        pltpu.SemaphoreType.DMA,
        pltpu.SemaphoreType.DMA,
        pltpu.SemaphoreType.DMA,
        pltpu.SemaphoreType.DMA,
        pltpu.SemaphoreType.DMA,
    ],
)


def _mlp_body(x_ref, pa_ref, pb_ref, w1t_ref, b1_ref, gamma_ref, beta_ref,
              w2t_ref, b2_ref, eps_ref, out_ref):
    newx = jnp.concatenate([pa_ref[...], pb_ref[...]], axis=1)
    h = (1.0 + eps_ref[0, 0]) * x_ref[...] + newx
    h1 = jnp.dot(h, w1t_ref[...], preferred_element_type=jnp.float32) + b1_ref[...]
    mean = jnp.mean(h1, axis=0, keepdims=True)
    var = jnp.mean((h1 - mean) ** 2, axis=0, keepdims=True)
    hn = (h1 - mean) / jnp.sqrt(var + 1e-5) * gamma_ref[...] + beta_ref[...]
    h2 = jnp.maximum(hn, 0.0)
    out_ref[...] = (jnp.dot(h2, w2t_ref[...], preferred_element_type=jnp.float32)
                    + b2_ref[...])


_mlp = pl.pallas_call(
    _mlp_body,
    out_shape=jax.ShapeDtypeStruct((N, D), jnp.float32),
    in_specs=[pl.BlockSpec(memory_space=pltpu.VMEM)] * 9
    + [pl.BlockSpec(memory_space=pltpu.SMEM)],
    out_specs=pl.BlockSpec(memory_space=pltpu.VMEM),
)


@jax.jit
def kernel(x, edge_index, edge_attr, emb0, emb1, emb2,
           W1, b1, gamma, beta, W2, b2, eps):
    ei = edge_index.astype(jnp.int32)
    ea = edge_attr.astype(jnp.int32)
    parta, partb = _sc_segment(
        x[:, :H], x[:, H:], ei[0], ei[1], ea[:, 0], ea[:, 1], ea[:, 2],
        emb0[:, :H], emb0[:, H:], emb1[:, :H], emb1[:, H:],
        emb2[:, :H], emb2[:, H:])
    return _mlp(x, parta, partb,
                W1.T, b1.reshape(1, D), gamma.reshape(1, D),
                beta.reshape(1, D), W2.T, b2.reshape(1, D),
                eps.reshape(1, 1))

# --- scband reference (transcript-rebuilt; emitter-appended) ---
"""Pipeline reference for scband-ginconv-78417512891179 (READ-ONLY COPY).

The authoritative reference and input builder live on the scoring server;
editing this copy changes nothing except your own understanding.
"""

import jax, jax.numpy as jnp
import numpy as np

N = 10000
E = 320000
D = 128
BOND_DIMS = [5, 6, 2]
BN_EPS = 1e-5


def setup_inputs(seed: int = 0) -> dict:
    key = jax.random.key(seed)
    ks = jax.random.split(key, 16)
    x = jax.random.normal(ks[0], (N, D), dtype=jnp.float32)
    edge_index = jax.random.randint(ks[1], (2, E), 0, N, dtype=jnp.int64)
    edge_attr = jax.random.randint(ks[2], (E, 3), 0, 2, dtype=jnp.int64)
    # bond embedding tables (xavier-uniform-ish)
    emb0 = jax.random.uniform(ks[3], (BOND_DIMS[0], D), jnp.float32, -1.0, 1.0) * np.sqrt(6.0 / (BOND_DIMS[0] + D))
    emb1 = jax.random.uniform(ks[4], (BOND_DIMS[1], D), jnp.float32, -1.0, 1.0) * np.sqrt(6.0 / (BOND_DIMS[1] + D))
    emb2 = jax.random.uniform(ks[5], (BOND_DIMS[2], D), jnp.float32, -1.0, 1.0) * np.sqrt(6.0 / (BOND_DIMS[2] + D))
    # MLP params: Linear(D,D) -> BatchNorm1d(D) -> ReLU -> Linear(D,D)
    s = 1.0 / np.sqrt(D)
    W1 = jax.random.uniform(ks[6], (D, D), jnp.float32, -s, s)
    b1 = jax.random.uniform(ks[7], (D,), jnp.float32, -s, s)
    gamma = jnp.ones((D,), jnp.float32)
    beta = jnp.zeros((D,), jnp.float32)
    W2 = jax.random.uniform(ks[8], (D, D), jnp.float32, -s, s)
    b2 = jax.random.uniform(ks[9], (D,), jnp.float32, -s, s)
    eps = jnp.zeros((), jnp.float32)
    return {"x": x, "edge_index": edge_index, "edge_attr": edge_attr,
            "emb0": emb0, "emb1": emb1, "emb2": emb2,
            "W1": W1, "b1": b1, "gamma": gamma, "beta": beta,
            "W2": W2, "b2": b2, "eps": eps}


def reference(x, edge_index, edge_attr, emb0, emb1, emb2, W1, b1, gamma, beta, W2, b2, eps):
    # BondEncoder: sum of per-feature embedding lookups
    edge_embedding = (jnp.take(emb0, edge_attr[:, 0], axis=0)
                      + jnp.take(emb1, edge_attr[:, 1], axis=0)
                      + jnp.take(emb2, edge_attr[:, 2], axis=0))
    src = edge_index[0]
    dst = edge_index[1]
    # copy_u: m = x[src]; then relu(m + edge_embedding)
    m = jax.nn.relu(jnp.take(x, src, axis=0) + edge_embedding)
    # update_all copy_e + sum -> scatter-add into dst
    new_x = jax.ops.segment_sum(m, dst, num_segments=x.shape[0])
    h = (1.0 + eps) * x + new_x
    # MLP: Linear -> BatchNorm1d (training-mode batch stats) -> ReLU -> Linear
    h1 = h @ W1.T + b1
    mean = jnp.mean(h1, axis=0)
    var = jnp.var(h1, axis=0)
    hn = (h1 - mean) / jnp.sqrt(var + BN_EPS) * gamma + beta
    h2 = jax.nn.relu(hn)
    out = h2 @ W2.T + b2
    return out

if __name__ == "__main__":
    import jax
    _d = setup_inputs()
    print(jax.jit(kernel)(*tuple(_d.values())))

</pallas_src>

<mosaic_0001>
#map = affine_map<(d0, d1) -> (0, 0)>
#map1 = affine_map<(d0, d1) -> (0)>
module attributes {stable_mosaic.version = 14 : i64} {
  func.func @_sc_body(%arg0: i32, %arg1: i32, %arg2: memref<10000x64xf32, #tpu.memory_space<hbm>>, %arg3: memref<10000x64xf32, #tpu.memory_space<hbm>>, %arg4: memref<320000xi32, #tpu.memory_space<hbm>>, %arg5: memref<320000xi32, #tpu.memory_space<hbm>>, %arg6: memref<320000xi32, #tpu.memory_space<hbm>>, %arg7: memref<320000xi32, #tpu.memory_space<hbm>>, %arg8: memref<320000xi32, #tpu.memory_space<hbm>>, %arg9: memref<5x64xf32, #tpu.memory_space<hbm>>, %arg10: memref<5x64xf32, #tpu.memory_space<hbm>>, %arg11: memref<6x64xf32, #tpu.memory_space<hbm>>, %arg12: memref<6x64xf32, #tpu.memory_space<hbm>>, %arg13: memref<2x64xf32, #tpu.memory_space<hbm>>, %arg14: memref<2x64xf32, #tpu.memory_space<hbm>>, %arg15: memref<10000x64xf32, #tpu.memory_space<hbm>>, %arg16: memref<10000x64xf32, #tpu.memory_space<hbm>>, %arg17: memref<10000x64xf32, #tpu.memory_space<vmem_shared>>, %arg18: memref<10000x64xf32, #tpu.memory_space<vmem_shared>>, %arg19: memref<64x64xf32, #tpu.memory_space<vmem_shared>>, %arg20: memref<2000xi32, #tpu.memory_space<vmem>>, %arg21: memref<2000xi32, #tpu.memory_space<vmem>>, %arg22: memref<2000xi32, #tpu.memory_space<vmem>>, %arg23: memref<80xi32, #tpu.memory_space<vmem>>, %arg24: memref<80xi32, #tpu.memory_space<vmem>>, %arg25: memref<80xi32, #tpu.memory_space<vmem>>, %arg26: memref<80xi32, #tpu.memory_space<vmem>>, %arg27: memref<80x64xf32, #tpu.memory_space<vmem>>, %arg28: memref<80x64xf32, #tpu.memory_space<vmem>>, %arg29: memref<80x64xf32, #tpu.memory_space<vmem>>, %arg30: memref<80x64xf32, #tpu.memory_space<vmem>>, %arg31: memref<80x64xf32, #tpu.memory_space<vmem>>, %arg32: memref<80x64xf32, #tpu.memory_space<vmem>>, %arg33: memref<80x64xf32, #tpu.memory_space<vmem>>, %arg34: memref<80x64xf32, #tpu.memory_space<vmem>>, %arg35: memref<!tpu.dma_semaphore, #tpu.memory_space<semaphore_mem>>, %arg36: memref<!tpu.dma_semaphore, #tpu.memory_space<semaphore_mem>>, %arg37: memref<!tpu.dma_semaphore, #tpu.memory_space<semaphore_mem>>, %arg38: memref<!tpu.dma_semaphore, #tpu.memory_space<semaphore_mem>>, %arg39: memref<!tpu.dma_semaphore, #tpu.memory_space<semaphore_mem>>, %arg40: memref<!tpu.dma_semaphore, #tpu.memory_space<semaphore_mem>>, %arg41: memref<!tpu.dma_semaphore, #tpu.memory_space<semaphore_mem>>, %arg42: memref<!tpu.dma_semaphore, #tpu.memory_space<semaphore_mem>>, %arg43: memref<!tpu.dma_semaphore, #tpu.memory_space<semaphore_mem>>, %arg44: memref<!tpu.dma_semaphore, #tpu.memory_space<semaphore_mem>>, %arg45: memref<!tpu.dma_semaphore, #tpu.memory_space<semaphore_mem>>, %arg46: memref<!tpu.dma_semaphore, #tpu.memory_space<semaphore_mem>>, %arg47: memref<!tpu.dma_semaphore, #tpu.memory_space<semaphore_mem>>, %arg48: memref<!tpu.dma_semaphore, #tpu.memory_space<semaphore_mem>>, %arg49: memref<!tpu.dma_semaphore, #tpu.memory_space<semaphore_mem>>, %arg50: memref<!tpu.dma_semaphore, #tpu.memory_space<semaphore_mem>>, %arg51: memref<!tpu.dma_semaphore, #tpu.memory_space<semaphore_mem>>) attributes {dimension_semantics = [#tpu.dimension_semantics<core_parallel>, #tpu.dimension_semantics<subcore_parallel>], iteration_bounds = array<i64: 2, 16>, scalar_prefetch = 0 : i64, scratch_operands = 35 : i64, tpu.core_type = #tpu.core_type<sc_vector_subcore>, window_params = [{transform_indices = #map}, {transform_indices = #map}, {transform_indices = #map1}, {transform_indices = #map1}, {transform_indices = #map1}, {transform_indices = #map1}, {transform_indices = #map1}, {transform_indices = #map}, {transform_indices = #map}, {transform_indices = #map}, {transform_indices = #map}, {transform_indices = #map}, {transform_indices = #map}, {transform_indices = #map}, {transform_indices = #map}]} {
    %mul3A = arith.constant 624 : i32
    %mul3A_0 = arith.muli %arg1, %mul3A : i32
    %mul3A_1 = arith.constant 8 : i32
    %mul3A_2 = arith.muli %arg1, %mul3A_1 : i32
    %add3A = arith.constant 9984 : i32
    %add3A_3 = arith.addi %add3A, %mul3A_2 : i32
    %broadcast_in_dim3A = arith.constant 0.000000e+00 : f32
    %broadcast_in_dim3A_4 = vector.broadcast %broadcast_in_dim3A : f32 to vector<16xf32>
    %scan3A = arith.constant 0 : i32
    %scan3A_5 = arith.constant 0 : i32
    %scan3A_6 = arith.constant 80 : i32
    %scan3A_7 = arith.addi %scan3A_5, %scan3A_6 : i32
    %scan3A_8 = arith.constant 1 : i32
    scf.for %scan3A_72 = %scan3A_5 to %scan3A_7 step %scan3A_8  : i32 {
      %swap3A = arith.index_cast %scan3A_72 : i32 to index
      %swap3A_73 = arith.constant 0 : index
      %swap3A_74 = tpu.vector_load %arg27[%swap3A, %swap3A_73] {strides = array<i32>} : memref<80x64xf32, #tpu.memory_space<vmem>>, vector<1x16xf32>,
      %swap3A_75 = vector.shape_cast %swap3A_74 : vector<1x16xf32> to vector<16xf32>
      %swap3A_76 = vector.shape_cast %broadcast_in_dim3A_4 : vector<16xf32> to vector<1x16xf32>
      tpu.vector_store %arg27[%swap3A, %swap3A_73], %swap3A_76 {strides = array<i32>} : memref<80x64xf32, #tpu.memory_space<vmem>>, vector<1x16xf32>,
      %swap3A_77 = arith.index_cast %scan3A_72 : i32 to index
      %swap3A_78 = arith.constant 16 : index
      %swap3A_79 = tpu.vector_load %arg27[%swap3A_77, %swap3A_78] {strides = array<i32>} : memref<80x64xf32, #tpu.memory_space<vmem>>, vector<1x16xf32>,
      %swap3A_80 = vector.shape_cast %swap3A_79 : vector<1x16xf32> to vector<16xf32>
      %swap3A_81 = vector.shape_cast %broadcast_in_dim3A_4 : vector<16xf32> to vector<1x16xf32>
      tpu.vector_store %arg27[%swap3A_77, %swap3A_78], %swap3A_81 {strides = array<i32>} : memref<80x64xf32, #tpu.memory_space<vmem>>, vector<1x16xf32>,
      %swap3A_82 = arith.index_cast %scan3A_72 : i32 to index
      %swap3A_83 = arith.constant 32 : index
      %swap3A_84 = tpu.vector_load %arg27[%swap3A_82, %swap3A_83] {strides = array<i32>} : memref<80x64xf32, #tpu.memory_space<vmem>>, vector<1x16xf32>,
      %swap3A_85 = vector.shape_cast %swap3A_84 : vector<1x16xf32> to vector<16xf32>
      %swap3A_86 = vector.shape_cast %broadcast_in_dim3A_4 : vector<16xf32> to vector<1x16xf32>
      tpu.vector_store %arg27[%swap3A_82, %swap3A_83], %swap3A_86 {strides = array<i32>} : memref<80x64xf32, #tpu.memory_space<vmem>>, vector<1x16xf32>,
      %swap3A_87 = arith.index_cast %scan3A_72 : i32 to index
      %swap3A_88 = arith.constant 48 : index
      %swap3A_89 = tpu.vector_load %arg27[%swap3A_87, %swap3A_88] {strides = array<i32>} : memref<80x64xf32, #tpu.memory_space<vmem>>, vector<1x16xf32>,
      %swap3A_90 = vector.shape_cast %swap3A_89 : vector<1x16xf32> to vector<16xf32>
      %swap3A_91 = vector.shape_cast %broadcast_in_dim3A_4 : vector<16xf32> to vector<1x16xf32>
      tpu.vector_store %arg27[%swap3A_87, %swap3A_88], %swap3A_91 {strides = array<i32>} : memref<80x64xf32, #tpu.memory_space<vmem>>, vector<1x16xf32>,
    }
    %scan3A_9 = arith.constant 80 : i32
    %add3A_10 = arith.constant 0 : i32
    %add3A_11 = arith.addi %mul3A_0, %add3A_10 : i32
    "tpu.region"() ({
      %run_scoped3A = tpu.sem_alloc : memref<!tpu.dma_semaphore, #tpu.memory_space<semaphore_mem>>
      %dma_start3A = arith.constant 0 : i32
      %dma_start3A_72 = tpu.memref_slice %arg17[%add3A_11, %dma_start3A] : memref<10000x64xf32, #tpu.memory_space<vmem_shared>> -> memref<80x64xf32, #tpu.memory_space<vmem_shared>>
      %dma_start3A_73 = arith.constant 0 : i32
      %dma_start3A_74 = tpu.memref_slice %arg17[%add3A_11, %dma_start3A_73] : memref<10000x64xf32, #tpu.memory_space<vmem_shared>> -> memref<80x64xf32, #tpu.memory_space<vmem_shared>>
      tpu.enqueue_dma source(%arg27 : memref<80x64xf32, #tpu.memory_space<vmem>>) target(%dma_start3A_74 : memref<80x64xf32, #tpu.memory_space<vmem_shared>>) target_semaphore(%run_scoped3A : memref<!tpu.dma_semaphore, #tpu.memory_space<semaphore_mem>>)
      %dma_wait3A_75 = arith.constant 0 : i32
      %dma_wait3A_76 = tpu.memref_slice %arg17[%add3A_11, %dma_wait3A_75] : memref<10000x64xf32, #tpu.memory_space<vmem_shared>> -> memref<80x64xf32, #tpu.memory_space<vmem_shared>>
      %dma_wait3A_77 = arith.constant 0 : i32
      %dma_wait3A_78 = tpu.memref_slice %arg17[%add3A_11, %dma_wait3A_77] : memref<10000x64xf32, #tpu.memory_space<vmem_shared>> -> memref<80x64xf32, #tpu.memory_space<vmem_shared>>
      tpu.wait_dma2 semaphore(%run_scoped3A : memref<!tpu.dma_semaphore, #tpu.memory_space<semaphore_mem>>) src(%arg27 : memref<80x64xf32, #tpu.memory_space<vmem>>) dst(%dma_wait3A_78 : memref<80x64xf32, #tpu.memory_space<vmem_shared>>)
      tpu.yield
    }) : () -> ()
    %add3A_12 = arith.constant 80 : i32
    %add3A_13 = arith.addi %mul3A_0, %add3A_12 : i32
    "tpu.region"() ({
      %run_scoped3A = tpu.sem_alloc : memref<!tpu.dma_semaphore, #tpu.memory_space<semaphore_mem>>
      %dma_start3A = arith.constant 0 : i32
      %dma_start3A_72 = tpu.memref_slice %arg17[%add3A_13, %dma_start3A] : memref<10000x64xf32, #tpu.memory_space<vmem_shared>> -> memref<80x64xf32, #tpu.memory_space<vmem_shared>>
      %dma_start3A_73 = arith.constant 0 : i32
      %dma_start3A_74 = tpu.memref_slice %arg17[%add3A_13, %dma_start3A_73] : memref<10000x64xf32, #tpu.memory_space<vmem_shared>> -> memref<80x64xf32, #tpu.memory_space<vmem_shared>>
      tpu.enqueue_dma source(%arg27 : memref<80x64xf32, #tpu.memory_space<vmem>>) target(%dma_start3A_74 : memref<80x64xf32, #tpu.memory_space<vmem_shared>>) target_semaphore(%run_scoped3A : memref<!tpu.dma_semaphore, #tpu.memory_space<semaphore_mem>>)
      %dma_wait3A_75 = arith.constant 0 : i32
      %dma_wait3A_76 = tpu.memref_slice %arg17[%add3A_13, %dma_wait3A_75] : memref<10000x64xf32, #tpu.memory_space<vmem_shared>> -> memref<80x64xf32, #tpu.memory_space<vmem_shared>>
      %dma_wait3A_77 = arith.constant 0 : i32
      %dma_wait3A_78 = tpu.memref_slice %arg17[%add3A_13, %dma_wait3A_77] : memref<10000x64xf32, #tpu.memory_space<vmem_shared>> -> memref<80x64xf32, #tpu.memory_space<vmem_shared>>
      tpu.wait_dma2 semaphore(%run_scoped3A : memref<!tpu.dma_semaphore, #tpu.memory_space<semaphore_mem>>) src(%arg27 : memref<80x64xf32, #tpu.memory_space<vmem>>) dst(%dma_wait3A_78 : memref<80x64xf32, #tpu.memory_space<vmem_shared>>)
      tpu.yield
    }) : () -> ()
    %add3A_14 = arith.constant 160 : i32
    %add3A_15 = arith.addi %mul3A_0, %add3A_14 : i32
    "tpu.region"() ({
      %run_scoped3A = tpu.sem_alloc : memref<!tpu.dma_semaphore, #tpu.memory_space<semaphore_mem>>
      %dma_start3A = arith.constant 0 : i32
      %dma_start3A_72 = tpu.memref_slice %arg17[%add3A_15, %dma_start3A] : memref<10000x64xf32, #tpu.memory_space<vmem_shared>> -> memref<80x64xf32, #tpu.memory_space<vmem_shared>>
      %dma_start3A_73 = arith.constant 0 : i32
      %dma_start3A_74 = tpu.memref_slice %arg17[%add3A_15, %dma_start3A_73] : memref<10000x64xf32, #tpu.memory_space<vmem_shared>> -> memref<80x64xf32, #tpu.memory_space<vmem_shared>>
      tpu.enqueue_dma source(%arg27 : memref<80x64xf32, #tpu.memory_space<vmem>>) target(%dma_start3A_74 : memref<80x64xf32, #tpu.memory_space<vmem_shared>>) target_semaphore(%run_scoped3A : memref<!tpu.dma_semaphore, #tpu.memory_space<semaphore_mem>>)
      %dma_wait3A_75 = arith.constant 0 : i32
      %dma_wait3A_76 = tpu.memref_slice %arg17[%add3A_15, %dma_wait3A_75] : memref<10000x64xf32, #tpu.memory_space<vmem_shared>> -> memref<80x64xf32, #tpu.memory_space<vmem_shared>>
      %dma_wait3A_77 = arith.constant 0 : i32
      %dma_wait3A_78 = tpu.memref_slice %arg17[%add3A_15, %dma_wait3A_77] : memref<10000x64xf32, #tpu.memory_space<vmem_shared>> -> memref<80x64xf32, #tpu.memory_space<vmem_shared>>
      tpu.wait_dma2 semaphore(%run_scoped3A : memref<!tpu.dma_semaphore, #tpu.memory_space<semaphore_mem>>) src(%arg27 : memref<80x64xf32, #tpu.memory_space<vmem>>) dst(%dma_wait3A_78 : memref<80x64xf32, #tpu.memory_space<vmem_shared>>)
      tpu.yield
    }) : () -> ()
    %add3A_16 = arith.constant 240 : i32
    %add3A_17 = arith.addi %mul3A_0, %add3A_16 : i32
    "tpu.region"() ({
      %run_scoped3A = tpu.sem_alloc : memref<!tpu.dma_semaphore, #tpu.memory_space<semaphore_mem>>
      %dma_start3A = arith.constant 0 : i32
      %dma_start3A_72 = tpu.memref_slice %arg17[%add3A_17, %dma_start3A] : memref<10000x64xf32, #tpu.memory_space<vmem_shared>> -> memref<80x64xf32, #tpu.memory_space<vmem_shared>>
      %dma_start3A_73 = arith.constant 0 : i32
      %dma_start3A_74 = tpu.memref_slice %arg17[%add3A_17, %dma_start3A_73] : memref<10000x64xf32, #tpu.memory_space<vmem_shared>> -> memref<80x64xf32, #tpu.memory_space<vmem_shared>>
      tpu.enqueue_dma source(%arg27 : memref<80x64xf32, #tpu.memory_space<vmem>>) target(%dma_start3A_74 : memref<80x64xf32, #tpu.memory_space<vmem_shared>>) target_semaphore(%run_scoped3A : memref<!tpu.dma_semaphore, #tpu.memory_space<semaphore_mem>>)
      %dma_wait3A_75 = arith.constant 0 : i32
      %dma_wait3A_76 = tpu.memref_slice %arg17[%add3A_17, %dma_wait3A_75] : memref<10000x64xf32, #tpu.memory_space<vmem_shared>> -> memref<80x64xf32, #tpu.memory_space<vmem_shared>>
      %dma_wait3A_77 = arith.constant 0 : i32
      %dma_wait3A_78 = tpu.memref_slice %arg17[%add3A_17, %dma_wait3A_77] : memref<10000x64xf32, #tpu.memory_space<vmem_shared>> -> memref<80x64xf32, #tpu.memory_space<vmem_shared>>
      tpu.wait_dma2 semaphore(%run_scoped3A : memref<!tpu.dma_semaphore, #tpu.memory_space<semaphore_mem>>) src(%arg27 : memref<80x64xf32, #tpu.memory_space<vmem>>) dst(%dma_wait3A_78 : memref<80x64xf32, #tpu.memory_space<vmem_shared>>)
      tpu.yield
    }) : () -> ()
    %add3A_18 = arith.constant 320 : i32
    %add3A_19 = arith.addi %mul3A_0, %add3A_18 : i32
    "tpu.region"() ({
      %run_scoped3A = tpu.sem_alloc : memref<!tpu.dma_semaphore, #tpu.memory_space<semaphore_mem>>
      %dma_start3A = arith.constant 0 : i32
      %dma_start3A_72 = tpu.memref_slice %arg17[%add3A_19, %dma_start3A] : memref<10000x64xf32, #tpu.memory_space<vmem_shared>> -> memref<80x64xf32, #tpu.memory_space<vmem_shared>>
      %dma_start3A_73 = arith.constant 0 : i32
      %dma_start3A_74 = tpu.memref_slice %arg17[%add3A_19, %dma_start3A_73] : memref<10000x64xf32, #tpu.memory_space<vmem_shared>> -> memref<80x64xf32, #tpu.memory_space<vmem_shared>>
      tpu.enqueue_dma source(%arg27 : memref<80x64xf32, #tpu.memory_space<vmem>>) target(%dma_start3A_74 : memref<80x64xf32, #tpu.memory_space<vmem_shared>>) target_semaphore(%run_scoped3A : memref<!tpu.dma_semaphore, #tpu.memory_space<semaphore_mem>>)
      %dma_wait3A_75 = arith.constant 0 : i32
      %dma_wait3A_76 = tpu.memref_slice %arg17[%add3A_19, %dma_wait3A_75] : memref<10000x64xf32, #tpu.memory_space<vmem_shared>> -> memref<80x64xf32, #tpu.memory_space<vmem_shared>>
      %dma_wait3A_77 = arith.constant 0 : i32
      %dma_wait3A_78 = tpu.memref_slice %arg17[%add3A_19, %dma_wait3A_77] : memref<10000x64xf32, #tpu.memory_space<vmem_shared>> -> memref<80x64xf32, #tpu.memory_space<vmem_shared>>
      tpu.wait_dma2 semaphore(%run_scoped3A : memref<!tpu.dma_semaphore, #tpu.memory_space<semaphore_mem>>) src(%arg27 : memref<80x64xf32, #tpu.memory_space<vmem>>) dst(%dma_wait3A_78 : memref<80x64xf32, #tpu.memory_space<vmem_shared>>)
      tpu.yield
    }) : () -> ()
    %add3A_20 = arith.constant 400 : i32
    %add3A_21 = arith.addi %mul3A_0, %add3A_20 : i32
    "tpu.region"() ({
      %run_scoped3A = tpu.sem_alloc : memref<!tpu.dma_semaphore, #tpu.memory_space<semaphore_mem>>
      %dma_start3A = arith.constant 0 : i32
      %dma_start3A_72 = tpu.memref_slice %arg17[%add3A_21, %dma_start3A] : memref<10000x64xf32, #tpu.memory_space<vmem_shared>> -> memref<80x64xf32, #tpu.memory_space<vmem_shared>>
      %dma_start3A_73 = arith.constant 0 : i32
      %dma_start3A_74 = tpu.memref_slice %arg17[%add3A_21, %dma_start3A_73] : memref<10000x64xf32, #tpu.memory_space<vmem_shared>> -> memref<80x64xf32, #tpu.memory_space<vmem_shared>>
      tpu.enqueue_dma source(%arg27 : memref<80x64xf32, #tpu.memory_space<vmem>>) target(%dma_start3A_74 : memref<80x64xf32, #tpu.memory_space<vmem_shared>>) target_semaphore(%run_scoped3A : memref<!tpu.dma_semaphore, #tpu.memory_space<semaphore_mem>>)
      %dma_wait3A_75 = arith.constant 0 : i32
      %dma_wait3A_76 = tpu.memref_slice %arg17[%add3A_21, %dma_wait3A_75] : memref<10000x64xf32, #tpu.memory_space<vmem_shared>> -> memref<80x64xf32, #tpu.memory_space<vmem_shared>>
      %dma_wait3A_77 = arith.constant 0 : i32
      %dma_wait3A_78 = tpu.memref_slice %arg17[%add3A_21, %dma_wait3A_77] : memref<10000x64xf32, #tpu.memory_space<vmem_shared>> -> memref<80x64xf32, #tpu.memory_space<vmem_shared>>
      tpu.wait_dma2 semaphore(%run_scoped3A : memref<!tpu.dma_semaphore, #tpu.memory_space<semaphore_mem>>) src(%arg27 : memref<80x64xf32, #tpu.memory_space<vmem>>) dst(%dma_wait3A_78 : memref<80x64xf32, #tpu.memory_space<vmem_shared>>)
      tpu.yield
    }) : () -> ()
    %add3A_22 = arith.constant 480 : i32
    %add3A_23 = arith.addi %mul3A_0, %add3A_22 : i32
    "tpu.region"() ({
      %run_scoped3A = tpu.sem_alloc : memref<!tpu.dma_semaphore, #tpu.memory_space<semaphore_mem>>
      %dma_start3A = arith.constant 0 : i32
      %dma_start3A_72 = tpu.memref_slice %arg17[%add3A_23, %dma_start3A] : memref<10000x64xf32, #tpu.memory_space<vmem_shared>> -> memref<80x64xf32, #tpu.memory_space<vmem_shared>>
      %dma_start3A_73 = arith.constant 0 : i32
      %dma_start3A_74 = tpu.memref_slice %arg17[%add3A_23, %dma_start3A_73] : memref<10000x64xf32, #tpu.memory_space<vmem_shared>> -> memref<80x64xf32, #tpu.memory_space<vmem_shared>>
      tpu.enqueue_dma source(%arg27 : memref<80x64xf32, #tpu.memory_space<vmem>>) target(%dma_start3A_74 : memref<80x64xf32, #tpu.memory_space<vmem_shared>>) target_semaphore(%run_scoped3A : memref<!tpu.dma_semaphore, #tpu.memory_space<semaphore_mem>>)
      %dma_wait3A_75 = arith.constant 0 : i32
      %dma_wait3A_76 = tpu.memref_slice %arg17[%add3A_23, %dma_wait3A_75] : memref<10000x64xf32, #tpu.memory_space<vmem_shared>> -> memref<80x64xf32, #tpu.memory_space<vmem_shared>>
      %dma_wait3A_77 = arith.constant 0 : i32
      %dma_wait3A_78 = tpu.memref_slice %arg17[%add3A_23, %dma_wait3A_77] : memref<10000x64xf32, #tpu.memory_space<vmem_shared>> -> memref<80x64xf32, #tpu.memory_space<vmem_shared>>
      tpu.wait_dma2 semaphore(%run_scoped3A : memref<!tpu.dma_semaphore, #tpu.memory_space<semaphore_mem>>) src(%arg27 : memref<80x64xf32, #tpu.memory_space<vmem>>) dst(%dma_wait3A_78 : memref<80x64xf32, #tpu.memory_space<vmem_shared>>)
      tpu.yield
    }) : () -> ()
    %add3A_24 = arith.constant 560 : i32
    %add3A_25 = arith.addi %mul3A_0, %add3A_24 : i32
    "tpu.region"() ({
      %run_scoped3A = tpu.sem_alloc : memref<!tpu.dma_semaphore, #tpu.memory_space<semaphore_mem>>
      %dma_start3A = arith.constant 0 : i32
      %dma_start3A_72 = arith.constant 0 : i32
      %dma_start3A_73 = tpu.memref_slice %arg27[%dma_start3A, %dma_start3A_72] : memref<80x64xf32, #tpu.memory_space<vmem>> -> memref<64x64xf32, #tpu.memory_space<vmem>>
      %dma_start3A_74 = arith.constant 0 : i32
      %dma_start3A_75 = tpu.memref_slice %arg17[%add3A_25, %dma_start3A_74] : memref<10000x64xf32, #tpu.memory_space<vmem_shared>> -> memref<64x64xf32, #tpu.memory_space<vmem_shared>>
      %dma_start3A_76 = arith.constant 0 : i32
      %dma_start3A_77 = tpu.memref_slice %arg17[%add3A_25, %dma_start3A_76] : memref<10000x64xf32, #tpu.memory_space<vmem_shared>> -> memref<64x64xf32, #tpu.memory_space<vmem_shared>>
      %dma_start3A_78 = arith.constant 0 : i32
      %dma_start3A_79 = arith.constant 0 : i32
      %dma_start3A_80 = tpu.memref_slice %arg27[%dma_start3A_78, %dma_start3A_79] : memref<80x64xf32, #tpu.memory_space<vmem>> -> memref<64x64xf32, #tpu.memory_space<vmem>>
      tpu.enqueue_dma source(%dma_start3A_80 : memref<64x64xf32, #tpu.memory_space<vmem>>) target(%dma_start3A_77 : memref<64x64xf32, #tpu.memory_space<vmem_shared>>) target_semaphore(%run_scoped3A : memref<!tpu.dma_semaphore, #tpu.memory_space<semaphore_mem>>)
      %dma_wait3A_81 = arith.constant 0 : i32
      %dma_wait3A_82 = arith.constant 0 : i32
      %dma_wait3A_83 = tpu.memref_slice %arg27[%dma_wait3A_81, %dma_wait3A_82] : memref<80x64xf32, #tpu.memory_space<vmem>> -> memref<64x64xf32, #tpu.memory_space<vmem>>
      %dma_wait3A_84 = arith.constant 0 : i32
      %dma_wait3A_85 = tpu.memref_slice %arg17[%add3A_25, %dma_wait3A_84] : memref<10000x64xf32, #tpu.memory_space<vmem_shared>> -> memref<64x64xf32, #tpu.memory_space<vmem_shared>>
      %dma_wait3A_86 = arith.constant 0 : i32
      %dma_wait3A_87 = tpu.memref_slice %arg17[%add3A_25, %dma_wait3A_86] : memref<10000x64xf32, #tpu.memory_space<vmem_shared>> -> memref<64x64xf32, #tpu.memory_space<vmem_shared>>
      %dma_wait3A_88 = arith.constant 0 : i32
      %dma_wait3A_89 = arith.constant 0 : i32
      %dma_wait3A_90 = tpu.memref_slice %arg27[%dma_wait3A_88, %dma_wait3A_89] : memref<80x64xf32, #tpu.memory_space<vmem>> -> memref<64x64xf32, #tpu.memory_space<vmem>>
      tpu.wait_dma2 semaphore(%run_scoped3A : memref<!tpu.dma_semaphore, #tpu.memory_space<semaphore_mem>>) src(%dma_wait3A_90 : memref<64x64xf32, #tpu.memory_space<vmem>>) dst(%dma_wait3A_87 : memref<64x64xf32, #tpu.memory_space<vmem_shared>>)
      tpu.yield
    }) : () -> ()
    %lt3A = arith.constant 2 : i32
    %lt3A_26 = arith.cmpi slt, %arg1, %lt3A : i32
    %convert_element_type3A = arith.extui %lt3A_26 : i1 to i32
    %cond3A = arith.constant 0 : i32
    %cond3A_27 = arith.cmpi ne, %convert_element_type3A, %cond3A : i32
    scf.if %cond3A_27 {
      "tpu.region"() ({
        %run_scoped3A = tpu.sem_alloc : memref<!tpu.dma_semaphore, #tpu.memory_space<semaphore_mem>>
        %dma_start3A = arith.constant 0 : i32
        %dma_start3A_72 = arith.constant 0 : i32
        %dma_start3A_73 = tpu.memref_slice %arg27[%dma_start3A, %dma_start3A_72] : memref<80x64xf32, #tpu.memory_space<vmem>> -> memref<8x64xf32, #tpu.memory_space<vmem>>
        %dma_start3A_74 = arith.constant 0 : i32
        %dma_start3A_75 = tpu.memref_slice %arg17[%add3A_3, %dma_start3A_74] : memref<10000x64xf32, #tpu.memory_space<vmem_shared>> -> memref<8x64xf32, #tpu.memory_space<vmem_shared>>
        %dma_start3A_76 = arith.constant 0 : i32
        %dma_start3A_77 = tpu.memref_slice %arg17[%add3A_3, %dma_start3A_76] : memref<10000x64xf32, #tpu.memory_space<vmem_shared>> -> memref<8x64xf32, #tpu.memory_space<vmem_shared>>
        %dma_start3A_78 = arith.constant 0 : i32
        %dma_start3A_79 = arith.constant 0 : i32
        %dma_start3A_80 = tpu.memref_slice %arg27[%dma_start3A_78, %dma_start3A_79] : memref<80x64xf32, #tpu.memory_space<vmem>> -> memref<8x64xf32, #tpu.memory_space<vmem>>
        tpu.enqueue_dma source(%dma_start3A_80 : memref<8x64xf32, #tpu.memory_space<vmem>>) target(%dma_start3A_77 : memref<8x64xf32, #tpu.memory_space<vmem_shared>>) target_semaphore(%run_scoped3A : memref<!tpu.dma_semaphore, #tpu.memory_space<semaphore_mem>>)
        %dma_wait3A_81 = arith.constant 0 : i32
        %dma_wait3A_82 = arith.constant 0 : i32
        %dma_wait3A_83 = tpu.memref_slice %arg27[%dma_wait3A_81, %dma_wait3A_82] : memref<80x64xf32, #tpu.memory_space<vmem>> -> memref<8x64xf32, #tpu.memory_space<vmem>>
        %dma_wait3A_84 = arith.constant 0 : i32
        %dma_wait3A_85 = tpu.memref_slice %arg17[%add3A_3, %dma_wait3A_84] : memref<10000x64xf32, #tpu.memory_space<vmem_shared>> -> memref<8x64xf32, #tpu.memory_space<vmem_shared>>
        %dma_wait3A_86 = arith.constant 0 : i32
        %dma_wait3A_87 = tpu.memref_slice %arg17[%add3A_3, %dma_wait3A_86] : memref<10000x64xf32, #tpu.memory_space<vmem_shared>> -> memref<8x64xf32, #tpu.memory_space<vmem_shared>>
        %dma_wait3A_88 = arith.constant 0 : i32
        %dma_wait3A_89 = arith.constant 0 : i32
        %dma_wait3A_90 = tpu.memref_slice %arg27[%dma_wait3A_88, %dma_wait3A_89] : memref<80x64xf32, #tpu.memory_space<vmem>> -> memref<8x64xf32, #tpu.memory_space<vmem>>
        tpu.wait_dma2 semaphore(%run_scoped3A : memref<!tpu.dma_semaphore, #tpu.memory_space<semaphore_mem>>) src(%dma_wait3A_90 : memref<8x64xf32, #tpu.memory_space<vmem>>) dst(%dma_wait3A_87 : memref<8x64xf32, #tpu.memory_space<vmem_shared>>)
        tpu.yield
      }) : () -> ()
    } else {
    }
    %eq3A = arith.constant 0 : i32
    %eq3A_28 = arith.cmpi eq, %arg0, %eq3A : i32
    %convert_element_type3A_29 = arith.extui %eq3A_28 : i1 to i32
    %cond3A_30 = arith.constant 0 : i32
    %cond3A_31 = arith.cmpi ne, %convert_element_type3A_29, %cond3A_30 : i32
    scf.if %cond3A_31 {
      "tpu.region"() ({
        %run_scoped3A = tpu.sem_alloc : memref<!tpu.dma_semaphore, #tpu.memory_space<semaphore_mem>>
        %dma_start3A = arith.constant 0 : i32
        %dma_start3A_77 = tpu.memref_slice %arg18[%mul3A_0, %dma_start3A] : memref<10000x64xf32, #tpu.memory_space<vmem_shared>> -> memref<624x64xf32, #tpu.memory_space<vmem_shared>>
        %dma_start3A_78 = arith.constant 0 : i32
        %dma_start3A_79 = tpu.memref_slice %arg2[%mul3A_0, %dma_start3A_78] : memref<10000x64xf32, #tpu.memory_space<hbm>> -> memref<624x64xf32, #tpu.memory_space<hbm>>
        tpu.enqueue_dma source(%dma_start3A_79 : memref<624x64xf32, #tpu.memory_space<hbm>>) target(%dma_start3A_77 : memref<624x64xf32, #tpu.memory_space<vmem_shared>>) target_semaphore(%run_scoped3A : memref<!tpu.dma_semaphore, #tpu.memory_space<semaphore_mem>>)
        %dma_wait3A_80 = arith.constant 0 : i32
        %dma_wait3A_81 = tpu.memref_slice %arg18[%mul3A_0, %dma_wait3A_80] : memref<10000x64xf32, #tpu.memory_space<vmem_shared>> -> memref<624x64xf32, #tpu.memory_space<vmem_shared>>
        %dma_wait3A_82 = arith.constant 0 : i32
        %dma_wait3A_83 = tpu.memref_slice %arg2[%mul3A_0, %dma_wait3A_82] : memref<10000x64xf32, #tpu.memory_space<hbm>> -> memref<624x64xf32, #tpu.memory_space<hbm>>
        tpu.wait_dma2 semaphore(%run_scoped3A : memref<!tpu.dma_semaphore, #tpu.memory_space<semaphore_mem>>) src(%dma_wait3A_83 : memref<624x64xf32, #tpu.memory_space<hbm>>) dst(%dma_wait3A_81 : memref<624x64xf32, #tpu.memory_space<vmem_shared>>)
        tpu.yield
      }) : () -> ()
      %lt3A_72 = arith.constant 2 : i32
      %lt3A_73 = arith.cmpi slt, %arg1, %lt3A_72 : i32
      %convert_element_type3A_74 = arith.extui %lt3A_73 : i1 to i32
      %cond3A_75 = arith.constant 0 : i32
      %cond3A_76 = arith.cmpi ne, %convert_element_type3A_74, %cond3A_75 : i32
      scf.if %cond3A_76 {
        "tpu.region"() ({
          %run_scoped3A = tpu.sem_alloc : memref<!tpu.dma_semaphore, #tpu.memory_space<semaphore_mem>>
          %dma_start3A = arith.constant 0 : i32
          %dma_start3A_77 = tpu.memref_slice %arg18[%add3A_3, %dma_start3A] : memref<10000x64xf32, #tpu.memory_space<vmem_shared>> -> memref<8x64xf32, #tpu.memory_space<vmem_shared>>
          %dma_start3A_78 = arith.constant 0 : i32
          %dma_start3A_79 = tpu.memref_slice %arg2[%add3A_3, %dma_start3A_78] : memref<10000x64xf32, #tpu.memory_space<hbm>> -> memref<8x64xf32, #tpu.memory_space<hbm>>
          tpu.enqueue_dma source(%dma_start3A_79 : memref<8x64xf32, #tpu.memory_space<hbm>>) target(%dma_start3A_77 : memref<8x64xf32, #tpu.memory_space<vmem_shared>>) target_semaphore(%run_scoped3A : memref<!tpu.dma_semaphore, #tpu.memory_space<semaphore_mem>>)
          %dma_wait3A_80 = arith.constant 0 : i32
          %dma_wait3A_81 = tpu.memref_slice %arg18[%add3A_3, %dma_wait3A_80] : memref<10000x64xf32, #tpu.memory_space<vmem_shared>> -> memref<8x64xf32, #tpu.memory_space<vmem_shared>>
          %dma_wait3A_82 = arith.constant 0 : i32
          %dma_wait3A_83 = tpu.memref_slice %arg2[%add3A_3, %dma_wait3A_82] : memref<10000x64xf32, #tpu.memory_space<hbm>> -> memref<8x64xf32, #tpu.memory_space<hbm>>
          tpu.wait_dma2 semaphore(%run_scoped3A : memref<!tpu.dma_semaphore, #tpu.memory_space<semaphore_mem>>) src(%dma_wait3A_83 : memref<8x64xf32, #tpu.memory_space<hbm>>) dst(%dma_wait3A_81 : memref<8x64xf32, #tpu.memory_space<vmem_shared>>)
          tpu.yield
        }) : () -> ()
      } else {
      }
    } else {
    }
    %eq3A_32 = arith.constant 1 : i32
    %eq3A_33 = arith.cmpi eq, %arg0, %eq3A_32 : i32
    %convert_element_type3A_34 = arith.extui %eq3A_33 : i1 to i32
    %cond3A_35 = arith.constant 0 : i32
    %cond3A_36 = arith.cmpi ne, %convert_element_type3A_34, %cond3A_35 : i32
    scf.if %cond3A_36 {
      "tpu.region"() ({
        %run_scoped3A = tpu.sem_alloc : memref<!tpu.dma_semaphore, #tpu.memory_space<semaphore_mem>>
        %dma_start3A = arith.constant 0 : i32
        %dma_start3A_77 = tpu.memref_slice %arg18[%mul3A_0, %dma_start3A] : memref<10000x64xf32, #tpu.memory_space<vmem_shared>> -> memref<624x64xf32, #tpu.memory_space<vmem_shared>>
        %dma_start3A_78 = arith.constant 0 : i32
        %dma_start3A_79 = tpu.memref_slice %arg3[%mul3A_0, %dma_start3A_78] : memref<10000x64xf32, #tpu.memory_space<hbm>> -> memref<624x64xf32, #tpu.memory_space<hbm>>
        tpu.enqueue_dma source(%dma_start3A_79 : memref<624x64xf32, #tpu.memory_space<hbm>>) target(%dma_start3A_77 : memref<624x64xf32, #tpu.memory_space<vmem_shared>>) target_semaphore(%run_scoped3A : memref<!tpu.dma_semaphore, #tpu.memory_space<semaphore_mem>>)
        %dma_wait3A_80 = arith.constant 0 : i32
        %dma_wait3A_81 = tpu.memref_slice %arg18[%mul3A_0, %dma_wait3A_80] : memref<10000x64xf32, #tpu.memory_space<vmem_shared>> -> memref<624x64xf32, #tpu.memory_space<vmem_shared>>
        %dma_wait3A_82 = arith.constant 0 : i32
        %dma_wait3A_83 = tpu.memref_slice %arg3[%mul3A_0, %dma_wait3A_82] : memref<10000x64xf32, #tpu.memory_space<hbm>> -> memref<624x64xf32, #tpu.memory_space<hbm>>
        tpu.wait_dma2 semaphore(%run_scoped3A : memref<!tpu.dma_semaphore, #tpu.memory_space<semaphore_mem>>) src(%dma_wait3A_83 : memref<624x64xf32, #tpu.memory_space<hbm>>) dst(%dma_wait3A_81 : memref<624x64xf32, #tpu.memory_space<vmem_shared>>)
        tpu.yield
      }) : () -> ()
      %lt3A_72 = arith.constant 2 : i32
      %lt3A_73 = arith.cmpi slt, %arg1, %lt3A_72 : i32
      %convert_element_type3A_74 = arith.extui %lt3A_73 : i1 to i32
      %cond3A_75 = arith.constant 0 : i32
      %cond3A_76 = arith.cmpi ne, %convert_element_type3A_74, %cond3A_75 : i32
      scf.if %cond3A_76 {
        "tpu.region"() ({
          %run_scoped3A = tpu.sem_alloc : memref<!tpu.dma_semaphore, #tpu.memory_space<semaphore_mem>>
          %dma_start3A = arith.constant 0 : i32
          %dma_start3A_77 = tpu.memref_slice %arg18[%add3A_3, %dma_start3A] : memref<10000x64xf32, #tpu.memory_space<vmem_shared>> -> memref<8x64xf32, #tpu.memory_space<vmem_shared>>
          %dma_start3A_78 = arith.constant 0 : i32
          %dma_start3A_79 = tpu.memref_slice %arg3[%add3A_3, %dma_start3A_78] : memref<10000x64xf32, #tpu.memory_space<hbm>> -> memref<8x64xf32, #tpu.memory_space<hbm>>
          tpu.enqueue_dma source(%dma_start3A_79 : memref<8x64xf32, #tpu.memory_space<hbm>>) target(%dma_start3A_77 : memref<8x64xf32, #tpu.memory_space<vmem_shared>>) target_semaphore(%run_scoped3A : memref<!tpu.dma_semaphore, #tpu.memory_space<semaphore_mem>>)
          %dma_wait3A_80 = arith.constant 0 : i32
          %dma_wait3A_81 = tpu.memref_slice %arg18[%add3A_3, %dma_wait3A_80] : memref<10000x64xf32, #tpu.memory_space<vmem_shared>> -> memref<8x64xf32, #tpu.memory_space<vmem_shared>>
          %dma_wait3A_82 = arith.constant 0 : i32
          %dma_wait3A_83 = tpu.memref_slice %arg3[%add3A_3, %dma_wait3A_82] : memref<10000x64xf32, #tpu.memory_space<hbm>> -> memref<8x64xf32, #tpu.memory_space<hbm>>
          tpu.wait_dma2 semaphore(%run_scoped3A : memref<!tpu.dma_semaphore, #tpu.memory_space<semaphore_mem>>) src(%dma_wait3A_83 : memref<8x64xf32, #tpu.memory_space<hbm>>) dst(%dma_wait3A_81 : memref<8x64xf32, #tpu.memory_space<vmem_shared>>)
          tpu.yield
        }) : () -> ()
      } else {
      }
    } else {
    }
    %eq3A_37 = arith.constant 0 : i32
    %eq3A_38 = arith.cmpi eq, %arg1, %eq3A_37 : i32
    %convert_element_type3A_39 = arith.extui %eq3A_38 : i1 to i32
    %cond3A_40 = arith.constant 0 : i32
    %cond3A_41 = arith.cmpi ne, %convert_element_type3A_39, %cond3A_40 : i32
    scf.if %cond3A_41 {
      %eq3A_72 = arith.constant 0 : i32
      %eq3A_73 = arith.cmpi eq, %arg0, %eq3A_72 : i32
      %convert_element_type3A_74 = arith.extui %eq3A_73 : i1 to i32
      %cond3A_75 = arith.constant 0 : i32
      %cond3A_76 = arith.cmpi ne, %convert_element_type3A_74, %cond3A_75 : i32
      scf.if %cond3A_76 {
        "tpu.region"() ({
          %run_scoped3A = tpu.sem_alloc : memref<!tpu.dma_semaphore, #tpu.memory_space<semaphore_mem>>
          %dma_start3A = arith.constant 0 : i32
          %dma_start3A_88 = arith.constant 0 : i32
          %dma_start3A_89 = tpu.memref_slice %arg31[%dma_start3A, %dma_start3A_88] : memref<80x64xf32, #tpu.memory_space<vmem>> -> memref<5x64xf32, #tpu.memory_space<vmem>>
          %dma_start3A_90 = arith.constant 0 : i32
          %dma_start3A_91 = arith.constant 0 : i32
          %dma_start3A_92 = tpu.memref_slice %arg31[%dma_start3A_90, %dma_start3A_91] : memref<80x64xf32, #tpu.memory_space<vmem>> -> memref<5x64xf32, #tpu.memory_space<vmem>>
          tpu.enqueue_dma source(%arg9 : memref<5x64xf32, #tpu.memory_space<hbm>>) target(%dma_start3A_92 : memref<5x64xf32, #tpu.memory_space<vmem>>) target_semaphore(%run_scoped3A : memref<!tpu.dma_semaphore, #tpu.memory_space<semaphore_mem>>)
          %dma_wait3A_93 = arith.constant 0 : i32
          %dma_wait3A_94 = arith.constant 0 : i32
          %dma_wait3A_95 = tpu.memref_slice %arg31[%dma_wait3A_93, %dma_wait3A_94] : memref<80x64xf32, #tpu.memory_space<vmem>> -> memref<5x64xf32, #tpu.memory_space<vmem>>
          %dma_wait3A_96 = arith.constant 0 : i32
          %dma_wait3A_97 = arith.constant 0 : i32
          %dma_wait3A_98 = tpu.memref_slice %arg31[%dma_wait3A_96, %dma_wait3A_97] : memref<80x64xf32, #tpu.memory_space<vmem>> -> memref<5x64xf32, #tpu.memory_space<vmem>>
          tpu.wait_dma2 semaphore(%run_scoped3A : memref<!tpu.dma_semaphore, #tpu.memory_space<semaphore_mem>>) src(%arg9 : memref<5x64xf32, #tpu.memory_space<hbm>>) dst(%dma_wait3A_98 : memref<5x64xf32, #tpu.memory_space<vmem>>)
          tpu.yield
        }) : () -> ()
        "tpu.region"() ({
          %run_scoped3A = tpu.sem_alloc : memref<!tpu.dma_semaphore, #tpu.memory_space<semaphore_mem>>
          %dma_start3A = arith.constant 5 : i32
          %dma_start3A_88 = arith.constant 0 : i32
          %dma_start3A_89 = tpu.memref_slice %arg31[%dma_start3A, %dma_start3A_88] : memref<80x64xf32, #tpu.memory_space<vmem>> -> memref<6x64xf32, #tpu.memory_space<vmem>>
          %dma_start3A_90 = arith.constant 5 : i32
          %dma_start3A_91 = arith.constant 0 : i32
          %dma_start3A_92 = tpu.memref_slice %arg31[%dma_start3A_90, %dma_start3A_91] : memref<80x64xf32, #tpu.memory_space<vmem>> -> memref<6x64xf32, #tpu.memory_space<vmem>>
          tpu.enqueue_dma source(%arg11 : memref<6x64xf32, #tpu.memory_space<hbm>>) target(%dma_start3A_92 : memref<6x64xf32, #tpu.memory_space<vmem>>) target_semaphore(%run_scoped3A : memref<!tpu.dma_semaphore, #tpu.memory_space<semaphore_mem>>)
          %dma_wait3A_93 = arith.constant 5 : i32
          %dma_wait3A_94 = arith.constant 0 : i32
          %dma_wait3A_95 = tpu.memref_slice %arg31[%dma_wait3A_93, %dma_wait3A_94] : memref<80x64xf32, #tpu.memory_space<vmem>> -> memref<6x64xf32, #tpu.memory_space<vmem>>
          %dma_wait3A_96 = arith.constant 5 : i32
          %dma_wait3A_97 = arith.constant 0 : i32
          %dma_wait3A_98 = tpu.memref_slice %arg31[%dma_wait3A_96, %dma_wait3A_97] : memref<80x64xf32, #tpu.memory_space<vmem>> -> memref<6x64xf32, #tpu.memory_space<vmem>>
          tpu.wait_dma2 semaphore(%run_scoped3A : memref<!tpu.dma_semaphore, #tpu.memory_space<semaphore_mem>>) src(%arg11 : memref<6x64xf32, #tpu.memory_space<hbm>>) dst(%dma_wait3A_98 : memref<6x64xf32, #tpu.memory_space<vmem>>)
          tpu.yield
        }) : () -> ()
        "tpu.region"() ({
          %run_scoped3A = tpu.sem_alloc : memref<!tpu.dma_semaphore, #tpu.memory_space<semaphore_mem>>
          %dma_start3A = arith.constant 11 : i32
          %dma_start3A_88 = arith.constant 0 : i32
          %dma_start3A_89 = tpu.memref_slice %arg31[%dma_start3A, %dma_start3A_88] : memref<80x64xf32, #tpu.memory_space<vmem>> -> memref<2x64xf32, #tpu.memory_space<vmem>>
          %dma_start3A_90 = arith.constant 11 : i32
          %dma_start3A_91 = arith.constant 0 : i32
          %dma_start3A_92 = tpu.memref_slice %arg31[%dma_start3A_90, %dma_start3A_91] : memref<80x64xf32, #tpu.memory_space<vmem>> -> memref<2x64xf32, #tpu.memory_space<vmem>>
          tpu.enqueue_dma source(%arg13 : memref<2x64xf32, #tpu.memory_space<hbm>>) target(%dma_start3A_92 : memref<2x64xf32, #tpu.memory_space<vmem>>) target_semaphore(%run_scoped3A : memref<!tpu.dma_semaphore, #tpu.memory_space<semaphore_mem>>)
          %dma_wait3A_93 = arith.constant 11 : i32
          %dma_wait3A_94 = arith.constant 0 : i32
          %dma_wait3A_95 = tpu.memref_slice %arg31[%dma_wait3A_93, %dma_wait3A_94] : memref<80x64xf32, #tpu.memory_space<vmem>> -> memref<2x64xf32, #tpu.memory_space<vmem>>
          %dma_wait3A_96 = arith.constant 11 : i32
          %dma_wait3A_97 = arith.constant 0 : i32
          %dma_wait3A_98 = tpu.memref_slice %arg31[%dma_wait3A_96, %dma_wait3A_97] : memref<80x64xf32, #tpu.memory_space<vmem>> -> memref<2x64xf32, #tpu.memory_space<vmem>>
          tpu.wait_dma2 semaphore(%run_scoped3A : memref<!tpu.dma_semaphore, #tpu.memory_space<semaphore_mem>>) src(%arg13 : memref<2x64xf32, #tpu.memory_space<hbm>>) dst(%dma_wait3A_98 : memref<2x64xf32, #tpu.memory_space<vmem>>)
          tpu.yield
        }) : () -> ()
      } else {
      }
      %eq3A_77 = arith.constant 1 : i32
      %eq3A_78 = arith.cmpi eq, %arg0, %eq3A_77 : i32
      %convert_element_type3A_79 = arith.extui %eq3A_78 : i1 to i32
      %cond3A_80 = arith.constant 0 : i32
      %cond3A_81 = arith.cmpi ne, %convert_element_type3A_79, %cond3A_80 : i32
      scf.if %cond3A_81 {
        "tpu.region"() ({
          %run_scoped3A = tpu.sem_alloc : memref<!tpu.dma_semaphore, #tpu.memory_space<semaphore_mem>>
          %dma_start3A = arith.constant 0 : i32
          %dma_start3A_88 = arith.constant 0 : i32
          %dma_start3A_89 = tpu.memref_slice %arg31[%dma_start3A, %dma_start3A_88] : memref<80x64xf32, #tpu.memory_space<vmem>> -> memref<5x64xf32, #tpu.memory_space<vmem>>
          %dma_start3A_90 = arith.constant 0 : i32
          %dma_start3A_91 = arith.constant 0 : i32
          %dma_start3A_92 = tpu.memref_slice %arg31[%dma_start3A_90, %dma_start3A_91] : memref<80x64xf32, #tpu.memory_space<vmem>> -> memref<5x64xf32, #tpu.memory_space<vmem>>
          tpu.enqueue_dma source(%arg10 : memref<5x64xf32, #tpu.memory_space<hbm>>) target(%dma_start3A_92 : memref<5x64xf32, #tpu.memory_space<vmem>>) target_semaphore(%run_scoped3A : memref<!tpu.dma_semaphore, #tpu.memory_space<semaphore_mem>>)
          %dma_wait3A_93 = arith.constant 0 : i32
          %dma_wait3A_94 = arith.constant 0 : i32
          %dma_wait3A_95 = tpu.memref_slice %arg31[%dma_wait3A_93, %dma_wait3A_94] : memref<80x64xf32, #tpu.memory_space<vmem>> -> memref<5x64xf32, #tpu.memory_space<vmem>>
          %dma_wait3A_96 = arith.constant 0 : i32
          %dma_wait3A_97 = arith.constant 0 : i32
          %dma_wait3A_98 = tpu.memref_slice %arg31[%dma_wait3A_96, %dma_wait3A_97] : memref<80x64xf32, #tpu.memory_space<vmem>> -> memref<5x64xf32, #tpu.memory_space<vmem>>
          tpu.wait_dma2 semaphore(%run_scoped3A : memref<!tpu.dma_semaphore, #tpu.memory_space<semaphore_mem>>) src(%arg10 : memref<5x64xf32, #tpu.memory_space<hbm>>) dst(%dma_wait3A_98 : memref<5x64xf32, #tpu.memory_space<vmem>>)
          tpu.yield
        }) : () -> ()
        "tpu.region"() ({
          %run_scoped3A = tpu.sem_alloc : memref<!tpu.dma_semaphore, #tpu.memory_space<semaphore_mem>>
          %dma_start3A = arith.constant 5 : i32
          %dma_start3A_88 = arith.constant 0 : i32
          %dma_start3A_89 = tpu.memref_slice %arg31[%dma_start3A, %dma_start3A_88] : memref<80x64xf32, #tpu.memory_space<vmem>> -> memref<6x64xf32, #tpu.memory_space<vmem>>
          %dma_start3A_90 = arith.constant 5 : i32
          %dma_start3A_91 = arith.constant 0 : i32
          %dma_start3A_92 = tpu.memref_slice %arg31[%dma_start3A_90, %dma_start3A_91] : memref<80x64xf32, #tpu.memory_space<vmem>> -> memref<6x64xf32, #tpu.memory_space<vmem>>
          tpu.enqueue_dma source(%arg12 : memref<6x64xf32, #tpu.memory_space<hbm>>) target(%dma_start3A_92 : memref<6x64xf32, #tpu.memory_space<vmem>>) target_semaphore(%run_scoped3A : memref<!tpu.dma_semaphore, #tpu.memory_space<semaphore_mem>>)
          %dma_wait3A_93 = arith.constant 5 : i32
          %dma_wait3A_94 = arith.constant 0 : i32
          %dma_wait3A_95 = tpu.memref_slice %arg31[%dma_wait3A_93, %dma_wait3A_94] : memref<80x64xf32, #tpu.memory_space<vmem>> -> memref<6x64xf32, #tpu.memory_space<vmem>>
          %dma_wait3A_96 = arith.constant 5 : i32
          %dma_wait3A_97 = arith.constant 0 : i32
          %dma_wait3A_98 = tpu.memref_slice %arg31[%dma_wait3A_96, %dma_wait3A_97] : memref<80x64xf32, #tpu.memory_space<vmem>> -> memref<6x64xf32, #tpu.memory_space<vmem>>
          tpu.wait_dma2 semaphore(%run_scoped3A : memref<!tpu.dma_semaphore, #tpu.memory_space<semaphore_mem>>) src(%arg12 : memref<6x64xf32, #tpu.memory_space<hbm>>) dst(%dma_wait3A_98 : memref<6x64xf32, #tpu.memory_space<vmem>>)
          tpu.yield
        }) : () -> ()
        "tpu.region"() ({
          %run_scoped3A = tpu.sem_alloc : memref<!tpu.dma_semaphore, #tpu.memory_space<semaphore_mem>>
          %dma_start3A = arith.constant 11 : i32
          %dma_start3A_88 = arith.constant 0 : i32
          %dma_start3A_89 = tpu.memref_slice %arg31[%dma_start3A, %dma_start3A_88] : memref<80x64xf32, #tpu.memory_space<vmem>> -> memref<2x64xf32, #tpu.memory_space<vmem>>
          %dma_start3A_90 = arith.constant 11 : i32
          %dma_start3A_91 = arith.constant 0 : i32
          %dma_start3A_92 = tpu.memref_slice %arg31[%dma_start3A_90, %dma_start3A_91] : memref<80x64xf32, #tpu.memory_space<vmem>> -> memref<2x64xf32, #tpu.memory_space<vmem>>
          tpu.enqueue_dma source(%arg14 : memref<2x64xf32, #tpu.memory_space<hbm>>) target(%dma_start3A_92 : memref<2x64xf32, #tpu.memory_space<vmem>>) target_semaphore(%run_scoped3A : memref<!tpu.dma_semaphore, #tpu.memory_space<semaphore_mem>>)
          %dma_wait3A_93 = arith.constant 11 : i32
          %dma_wait3A_94 = arith.constant 0 : i32
          %dma_wait3A_95 = tpu.memref_slice %arg31[%dma_wait3A_93, %dma_wait3A_94] : memref<80x64xf32, #tpu.memory_space<vmem>> -> memref<2x64xf32, #tpu.memory_space<vmem>>
          %dma_wait3A_96 = arith.constant 11 : i32
          %dma_wait3A_97 = arith.constant 0 : i32
          %dma_wait3A_98 = tpu.memref_slice %arg31[%dma_wait3A_96, %dma_wait3A_97] : memref<80x64xf32, #tpu.memory_space<vmem>> -> memref<2x64xf32, #tpu.memory_space<vmem>>
          tpu.wait_dma2 semaphore(%run_scoped3A : memref<!tpu.dma_semaphore, #tpu.memory_space<semaphore_mem>>) src(%arg14 : memref<2x64xf32, #tpu.memory_space<hbm>>) dst(%dma_wait3A_98 : memref<2x64xf32, #tpu.memory_space<vmem>>)
          tpu.yield
        }) : () -> ()
      } else {
      }
      %scan3A_82 = arith.constant 0 : i32
      %scan3A_83 = arith.constant 0 : i32
      %scan3A_84 = arith.constant 60 : i32
      %scan3A_85 = arith.addi %scan3A_83, %scan3A_84 : i32
      %scan3A_86 = arith.constant 1 : i32
      scf.for %scan3A_88 = %scan3A_83 to %scan3A_85 step %scan3A_86  : i32 {
        %jit3A = arith.constant 12 : i32
        %div3A = arith.divsi %scan3A_88, %jit3A : i32
        %sign3A = arith.constant 0 : i32
        %sign3A_89 = arith.cmpi sgt, %scan3A_88, %sign3A : i32
        %sign3A_90 = arith.extui %sign3A_89 : i1 to i32
        %sign3A_91 = arith.constant 0 : i32
        %sign3A_92 = arith.cmpi slt, %scan3A_88, %sign3A_91 : i32
        %sign3A_93 = arith.extui %sign3A_92 : i1 to i32
        %sign3A_94 = arith.subi %sign3A_90, %sign3A_93 : i32
        %sign3A_95 = arith.constant 0 : i32
        %sign3A_96 = arith.cmpi sgt, %jit3A, %sign3A_95 : i32
        %sign3A_97 = arith.extui %sign3A_96 : i1 to i32
        %sign3A_98 = arith.constant 0 : i32
        %sign3A_99 = arith.cmpi slt, %jit3A, %sign3A_98 : i32
        %sign3A_100 = arith.extui %sign3A_99 : i1 to i32
        %sign3A_101 = arith.subi %sign3A_97, %sign3A_100 : i32
        %ne3A = arith.cmpi ne, %sign3A_94, %sign3A_101 : i32
        %rem3A = arith.remsi %scan3A_88, %jit3A : i32
        %ne3A_102 = arith.constant 0 : i32
        %ne3A_103 = arith.cmpi ne, %rem3A, %ne3A_102 : i32
        %and3A = arith.andi %ne3A, %ne3A_103 : i1
        %sub3A = arith.constant 1 : i32
        %sub3A_104 = arith.subi %div3A, %sub3A : i32
        %select_n3A = arith.select %and3A, %sub3A_104, %div3A : i32
        %min3A = arith.constant 4 : i32
        %min3A_105 = arith.minsi %select_n3A, %min3A : i32
        %jit3A_106 = arith.constant 12 : i32
        %eq3A_107 = arith.constant 0 : i32
        %eq3A_108 = arith.cmpi eq, %jit3A_106, %eq3A_107 : i32
        %jit3A_109 = arith.constant 1 : i32
        %select_n3A_110 = arith.select %eq3A_108, %jit3A_109, %jit3A_106 : i32
        %rem3A_111 = arith.remsi %scan3A_88, %select_n3A_110 : i32
        %ne3A_112 = arith.constant 0 : i32
        %ne3A_113 = arith.cmpi ne, %rem3A_111, %ne3A_112 : i32
        %lt3A_114 = arith.constant 0 : i32
        %lt3A_115 = arith.cmpi slt, %rem3A_111, %lt3A_114 : i32
        %lt3A_116 = arith.constant 0 : i32
        %lt3A_117 = arith.cmpi slt, %select_n3A_110, %lt3A_116 : i32
        %ne3A_118 = arith.xori %lt3A_115, %lt3A_117 : i1
        %and3A_119 = arith.andi %ne3A_118, %ne3A_113 : i1
        %add3A_120 = arith.addi %rem3A_111, %select_n3A_110 : i32
        %select_n3A_121 = arith.select %and3A_119, %add3A_120, %rem3A_111 : i32
        %jit3A_122 = arith.constant 2 : i32
        %div3A_123 = arith.divsi %select_n3A_121, %jit3A_122 : i32
        %sign3A_124 = arith.constant 0 : i32
        %sign3A_125 = arith.cmpi sgt, %select_n3A_121, %sign3A_124 : i32
        %sign3A_126 = arith.extui %sign3A_125 : i1 to i32
        %sign3A_127 = arith.constant 0 : i32
        %sign3A_128 = arith.cmpi slt, %select_n3A_121, %sign3A_127 : i32
        %sign3A_129 = arith.extui %sign3A_128 : i1 to i32
        %sign3A_130 = arith.subi %sign3A_126, %sign3A_129 : i32
        %sign3A_131 = arith.constant 0 : i32
        %sign3A_132 = arith.cmpi sgt, %jit3A_122, %sign3A_131 : i32
        %sign3A_133 = arith.extui %sign3A_132 : i1 to i32
        %sign3A_134 = arith.constant 0 : i32
        %sign3A_135 = arith.cmpi slt, %jit3A_122, %sign3A_134 : i32
        %sign3A_136 = arith.extui %sign3A_135 : i1 to i32
        %sign3A_137 = arith.subi %sign3A_133, %sign3A_136 : i32
        %ne3A_138 = arith.cmpi ne, %sign3A_130, %sign3A_137 : i32
        %rem3A_139 = arith.remsi %select_n3A_121, %jit3A_122 : i32
        %ne3A_140 = arith.constant 0 : i32
        %ne3A_141 = arith.cmpi ne, %rem3A_139, %ne3A_140 : i32
        %and3A_142 = arith.andi %ne3A_138, %ne3A_141 : i1
        %sub3A_143 = arith.constant 1 : i32
        %sub3A_144 = arith.subi %div3A_123, %sub3A_143 : i32
        %select_n3A_145 = arith.select %and3A_142, %sub3A_144, %div3A_123 : i32
        %add3A_146 = arith.constant 5 : i32
        %add3A_147 = arith.addi %add3A_146, %select_n3A_145 : i32
        %jit3A_148 = arith.constant 2 : i32
        %eq3A_149 = arith.constant 0 : i32
        %eq3A_150 = arith.cmpi eq, %jit3A_148, %eq3A_149 : i32
        %jit3A_151 = arith.constant 1 : i32
        %select_n3A_152 = arith.select %eq3A_150, %jit3A_151, %jit3A_148 : i32
        %rem3A_153 = arith.remsi %scan3A_88, %select_n3A_152 : i32
        %ne3A_154 = arith.constant 0 : i32
        %ne3A_155 = arith.cmpi ne, %rem3A_153, %ne3A_154 : i32
        %lt3A_156 = arith.constant 0 : i32
        %lt3A_157 = arith.cmpi slt, %rem3A_153, %lt3A_156 : i32
        %lt3A_158 = arith.constant 0 : i32
        %lt3A_159 = arith.cmpi slt, %select_n3A_152, %lt3A_158 : i32
        %ne3A_160 = arith.xori %lt3A_157, %lt3A_159 : i1
        %and3A_161 = arith.andi %ne3A_160, %ne3A_155 : i1
        %add3A_162 = arith.addi %rem3A_153, %select_n3A_152 : i32
        %select_n3A_163 = arith.select %and3A_161, %add3A_162, %rem3A_153 : i32
        %add3A_164 = arith.constant 11 : i32
        %add3A_165 = arith.addi %add3A_164, %select_n3A_163 : i32
        %get3A = arith.index_cast %min3A_105 : i32 to index
        %get3A_166 = arith.constant 0 : index
        %get3A_167 = tpu.vector_load %arg31[%get3A, %get3A_166] {strides = array<i32>} : memref<80x64xf32, #tpu.memory_space<vmem>>, vector<1x16xf32>,
        %get3A_168 = vector.shape_cast %get3A_167 : vector<1x16xf32> to vector<16xf32>
        %get3A_169 = arith.index_cast %add3A_147 : i32 to index
        %get3A_170 = arith.constant 0 : index
        %get3A_171 = tpu.vector_load %arg31[%get3A_169, %get3A_170] {strides = array<i32>} : memref<80x64xf32, #tpu.memory_space<vmem>>, vector<1x16xf32>,
        %get3A_172 = vector.shape_cast %get3A_171 : vector<1x16xf32> to vector<16xf32>
        %add3A_173 = arith.addf %get3A_168, %get3A_172 : vector<16xf32>
        %get3A_174 = arith.index_cast %add3A_165 : i32 to index
        %get3A_175 = arith.constant 0 : index
        %get3A_176 = tpu.vector_load %arg31[%get3A_174, %get3A_175] {strides = array<i32>} : memref<80x64xf32, #tpu.memory_space<vmem>>, vector<1x16xf32>,
        %get3A_177 = vector.shape_cast %get3A_176 : vector<1x16xf32> to vector<16xf32>
        %add3A_178 = arith.addf %add3A_173, %get3A_177 : vector<16xf32>
        %swap3A = arith.index_cast %scan3A_88 : i32 to index
        %swap3A_179 = arith.constant 0 : index
        %swap3A_180 = tpu.vector_load %arg27[%swap3A, %swap3A_179] {strides = array<i32>} : memref<80x64xf32, #tpu.memory_space<vmem>>, vector<1x16xf32>,
        %swap3A_181 = vector.shape_cast %swap3A_180 : vector<1x16xf32> to vector<16xf32>
        %swap3A_182 = vector.shape_cast %add3A_178 : vector<16xf32> to vector<1x16xf32>
        tpu.vector_store %arg27[%swap3A, %swap3A_179], %swap3A_182 {strides = array<i32>} : memref<80x64xf32, #tpu.memory_space<vmem>>, vector<1x16xf32>,
        %get3A_183 = arith.index_cast %min3A_105 : i32 to index
        %get3A_184 = arith.constant 16 : index
        %get3A_185 = tpu.vector_load %arg31[%get3A_183, %get3A_184] {strides = array<i32>} : memref<80x64xf32, #tpu.memory_space<vmem>>, vector<1x16xf32>,
        %get3A_186 = vector.shape_cast %get3A_185 : vector<1x16xf32> to vector<16xf32>
        %get3A_187 = arith.index_cast %add3A_147 : i32 to index
        %get3A_188 = arith.constant 16 : index
        %get3A_189 = tpu.vector_load %arg31[%get3A_187, %get3A_188] {strides = array<i32>} : memref<80x64xf32, #tpu.memory_space<vmem>>, vector<1x16xf32>,
        %get3A_190 = vector.shape_cast %get3A_189 : vector<1x16xf32> to vector<16xf32>
        %add3A_191 = arith.addf %get3A_186, %get3A_190 : vector<16xf32>
        %get3A_192 = arith.index_cast %add3A_165 : i32 to index
        %get3A_193 = arith.constant 16 : index
        %get3A_194 = tpu.vector_load %arg31[%get3A_192, %get3A_193] {strides = array<i32>} : memref<80x64xf32, #tpu.memory_space<vmem>>, vector<1x16xf32>,
        %get3A_195 = vector.shape_cast %get3A_194 : vector<1x16xf32> to vector<16xf32>
        %add3A_196 = arith.addf %add3A_191, %get3A_195 : vector<16xf32>
        %swap3A_197 = arith.index_cast %scan3A_88 : i32 to index
        %swap3A_198 = arith.constant 16 : index
        %swap3A_199 = tpu.vector_load %arg27[%swap3A_197, %swap3A_198] {strides = array<i32>} : memref<80x64xf32, #tpu.memory_space<vmem>>, vector<1x16xf32>,
        %swap3A_200 = vector.shape_cast %swap3A_199 : vector<1x16xf32> to vector<16xf32>
        %swap3A_201 = vector.shape_cast %add3A_196 : vector<16xf32> to vector<1x16xf32>
        tpu.vector_store %arg27[%swap3A_197, %swap3A_198], %swap3A_201 {strides = array<i32>} : memref<80x64xf32, #tpu.memory_space<vmem>>, vector<1x16xf32>,
        %get3A_202 = arith.index_cast %min3A_105 : i32 to index
        %get3A_203 = arith.constant 32 : index
        %get3A_204 = tpu.vector_load %arg31[%get3A_202, %get3A_203] {strides = array<i32>} : memref<80x64xf32, #tpu.memory_space<vmem>>, vector<1x16xf32>,
        %get3A_205 = vector.shape_cast %get3A_204 : vector<1x16xf32> to vector<16xf32>
        %get3A_206 = arith.index_cast %add3A_147 : i32 to index
        %get3A_207 = arith.constant 32 : index
        %get3A_208 = tpu.vector_load %arg31[%get3A_206, %get3A_207] {strides = array<i32>} : memref<80x64xf32, #tpu.memory_space<vmem>>, vector<1x16xf32>,
        %get3A_209 = vector.shape_cast %get3A_208 : vector<1x16xf32> to vector<16xf32>
        %add3A_210 = arith.addf %get3A_205, %get3A_209 : vector<16xf32>
        %get3A_211 = arith.index_cast %add3A_165 : i32 to index
        %get3A_212 = arith.constant 32 : index
        %get3A_213 = tpu.vector_load %arg31[%get3A_211, %get3A_212] {strides = array<i32>} : memref<80x64xf32, #tpu.memory_space<vmem>>, vector<1x16xf32>,
        %get3A_214 = vector.shape_cast %get3A_213 : vector<1x16xf32> to vector<16xf32>
        %add3A_215 = arith.addf %add3A_210, %get3A_214 : vector<16xf32>
        %swap3A_216 = arith.index_cast %scan3A_88 : i32 to index
        %swap3A_217 = arith.constant 32 : index
        %swap3A_218 = tpu.vector_load %arg27[%swap3A_216, %swap3A_217] {strides = array<i32>} : memref<80x64xf32, #tpu.memory_space<vmem>>, vector<1x16xf32>,
        %swap3A_219 = vector.shape_cast %swap3A_218 : vector<1x16xf32> to vector<16xf32>
        %swap3A_220 = vector.shape_cast %add3A_215 : vector<16xf32> to vector<1x16xf32>
        tpu.vector_store %arg27[%swap3A_216, %swap3A_217], %swap3A_220 {strides = array<i32>} : memref<80x64xf32, #tpu.memory_space<vmem>>, vector<1x16xf32>,
        %get3A_221 = arith.index_cast %min3A_105 : i32 to index
        %get3A_222 = arith.constant 48 : index
        %get3A_223 = tpu.vector_load %arg31[%get3A_221, %get3A_222] {strides = array<i32>} : memref<80x64xf32, #tpu.memory_space<vmem>>, vector<1x16xf32>,
        %get3A_224 = vector.shape_cast %get3A_223 : vector<1x16xf32> to vector<16xf32>
        %get3A_225 = arith.index_cast %add3A_147 : i32 to index
        %get3A_226 = arith.constant 48 : index
        %get3A_227 = tpu.vector_load %arg31[%get3A_225, %get3A_226] {strides = array<i32>} : memref<80x64xf32, #tpu.memory_space<vmem>>, vector<1x16xf32>,
        %get3A_228 = vector.shape_cast %get3A_227 : vector<1x16xf32> to vector<16xf32>
        %add3A_229 = arith.addf %get3A_224, %get3A_228 : vector<16xf32>
        %get3A_230 = arith.index_cast %add3A_165 : i32 to index
        %get3A_231 = arith.constant 48 : index
        %get3A_232 = tpu.vector_load %arg31[%get3A_230, %get3A_231] {strides = array<i32>} : memref<80x64xf32, #tpu.memory_space<vmem>>, vector<1x16xf32>,
        %get3A_233 = vector.shape_cast %get3A_232 : vector<1x16xf32> to vector<16xf32>
        %add3A_234 = arith.addf %add3A_229, %get3A_233 : vector<16xf32>
        %swap3A_235 = arith.index_cast %scan3A_88 : i32 to index
        %swap3A_236 = arith.constant 48 : index
        %swap3A_237 = tpu.vector_load %arg27[%swap3A_235, %swap3A_236] {strides = array<i32>} : memref<80x64xf32, #tpu.memory_space<vmem>>, vector<1x16xf32>,
        %swap3A_238 = vector.shape_cast %swap3A_237 : vector<1x16xf32> to vector<16xf32>
        %swap3A_239 = vector.shape_cast %add3A_234 : vector<16xf32> to vector<1x16xf32>
        tpu.vector_store %arg27[%swap3A_235, %swap3A_236], %swap3A_239 {strides = array<i32>} : memref<80x64xf32, #tpu.memory_space<vmem>>, vector<1x16xf32>,
      }
      %scan3A_87 = arith.constant 60 : i32
      "tpu.region"() ({
        %run_scoped3A = tpu.sem_alloc : memref<!tpu.dma_semaphore, #tpu.memory_space<semaphore_mem>>
        %dma_start3A = arith.constant 0 : i32
        %dma_start3A_88 = arith.constant 0 : i32
        %dma_start3A_89 = tpu.memref_slice %arg27[%dma_start3A, %dma_start3A_88] : memref<80x64xf32, #tpu.memory_space<vmem>> -> memref<64x64xf32, #tpu.memory_space<vmem>>
        %dma_start3A_90 = arith.constant 0 : i32
        %dma_start3A_91 = arith.constant 0 : i32
        %dma_start3A_92 = tpu.memref_slice %arg27[%dma_start3A_90, %dma_start3A_91] : memref<80x64xf32, #tpu.memory_space<vmem>> -> memref<64x64xf32, #tpu.memory_space<vmem>>
        tpu.enqueue_dma source(%dma_start3A_92 : memref<64x64xf32, #tpu.memory_space<vmem>>) target(%arg19 : memref<64x64xf32, #tpu.memory_space<vmem_shared>>) target_semaphore(%run_scoped3A : memref<!tpu.dma_semaphore, #tpu.memory_space<semaphore_mem>>)
        %dma_wait3A_93 = arith.constant 0 : i32
        %dma_wait3A_94 = arith.constant 0 : i32
        %dma_wait3A_95 = tpu.memref_slice %arg27[%dma_wait3A_93, %dma_wait3A_94] : memref<80x64xf32, #tpu.memory_space<vmem>> -> memref<64x64xf32, #tpu.memory_space<vmem>>
        %dma_wait3A_96 = arith.constant 0 : i32
        %dma_wait3A_97 = arith.constant 0 : i32
        %dma_wait3A_98 = tpu.memref_slice %arg27[%dma_wait3A_96, %dma_wait3A_97] : memref<80x64xf32, #tpu.memory_space<vmem>> -> memref<64x64xf32, #tpu.memory_space<vmem>>
        tpu.wait_dma2 semaphore(%run_scoped3A : memref<!tpu.dma_semaphore, #tpu.memory_space<semaphore_mem>>) src(%dma_wait3A_98 : memref<64x64xf32, #tpu.memory_space<vmem>>) dst(%arg19 : memref<64x64xf32, #tpu.memory_space<vmem_shared>>)
        tpu.yield
      }) : () -> ()
    } else {
    }
    %barrier3A = arith.constant 0 : index
    tpu.barrier barrier_id(%barrier3A)
    %mul3A_42 = arith.constant 20000 : i32
    %mul3A_43 = arith.muli %arg1, %mul3A_42 : i32
    %scan3A_44 = arith.constant 0 : i32
    %scan3A_45 = arith.constant 0 : i32
    %scan3A_46 = arith.constant 250 : i32
    %scan3A_47 = arith.addi %scan3A_45, %scan3A_46 : i32
    %scan3A_48 = arith.constant 1 : i32
    scf.for %scan3A_72 = %scan3A_45 to %scan3A_47 step %scan3A_48  : i32 {
      %jit3A = arith.constant 4 : i32
      %eq3A_73 = arith.constant 0 : i32
      %eq3A_74 = arith.cmpi eq, %jit3A, %eq3A_73 : i32
      %jit3A_75 = arith.constant 1 : i32
      %select_n3A = arith.select %eq3A_74, %jit3A_75, %jit3A : i32
      %rem3A = arith.remsi %scan3A_72, %select_n3A : i32
      %ne3A = arith.constant 0 : i32
      %ne3A_76 = arith.cmpi ne, %rem3A, %ne3A : i32
      %lt3A_77 = arith.constant 0 : i32
      %lt3A_78 = arith.cmpi slt, %rem3A, %lt3A_77 : i32
      %lt3A_79 = arith.constant 0 : i32
      %lt3A_80 = arith.cmpi slt, %select_n3A, %lt3A_79 : i32
      %ne3A_81 = arith.xori %lt3A_78, %lt3A_80 : i1
      %and3A = arith.andi %ne3A_81, %ne3A_76 : i1
      %add3A_82 = arith.addi %rem3A, %select_n3A : i32
      %select_n3A_83 = arith.select %and3A, %add3A_82, %rem3A : i32
      %jit3A_84 = arith.constant 25 : i32
      %eq3A_85 = arith.constant 0 : i32
      %eq3A_86 = arith.cmpi eq, %jit3A_84, %eq3A_85 : i32
      %jit3A_87 = arith.constant 1 : i32
      %select_n3A_88 = arith.select %eq3A_86, %jit3A_87, %jit3A_84 : i32
      %rem3A_89 = arith.remsi %scan3A_72, %select_n3A_88 : i32
      %ne3A_90 = arith.constant 0 : i32
      %ne3A_91 = arith.cmpi ne, %rem3A_89, %ne3A_90 : i32
      %lt3A_92 = arith.constant 0 : i32
      %lt3A_93 = arith.cmpi slt, %rem3A_89, %lt3A_92 : i32
      %lt3A_94 = arith.constant 0 : i32
      %lt3A_95 = arith.cmpi slt, %select_n3A_88, %lt3A_94 : i32
      %ne3A_96 = arith.xori %lt3A_93, %lt3A_95 : i1
      %and3A_97 = arith.andi %ne3A_96, %ne3A_91 : i1
      %add3A_98 = arith.addi %rem3A_89, %select_n3A_88 : i32
      %select_n3A_99 = arith.select %and3A_97, %add3A_98, %rem3A_89 : i32
      %eq3A_100 = arith.constant 0 : i32
      %eq3A_101 = arith.cmpi eq, %select_n3A_99, %eq3A_100 : i32
      %convert_element_type3A_102 = arith.extui %eq3A_101 : i1 to i32
      %cond3A_103 = arith.constant 0 : i32
      %cond3A_104 = arith.cmpi ne, %convert_element_type3A_102, %cond3A_103 : i32
      scf.if %cond3A_104 {
        %mul3A_125 = arith.constant 80 : i32
        %mul3A_126 = arith.muli %scan3A_72, %mul3A_125 : i32
        %add3A_127 = arith.addi %mul3A_43, %mul3A_126 : i32
        %dma_start3A = tpu.memref_slice %arg6[%add3A_127] : memref<320000xi32, #tpu.memory_space<hbm>> -> memref<2000xi32, #tpu.memory_space<hbm>>
        %dma_start3A_128 = tpu.memref_slice %arg6[%add3A_127] : memref<320000xi32, #tpu.memory_space<hbm>> -> memref<2000xi32, #tpu.memory_space<hbm>>
        tpu.enqueue_dma source(%dma_start3A_128 : memref<2000xi32, #tpu.memory_space<hbm>>) target(%arg21 : memref<2000xi32, #tpu.memory_space<vmem>>) target_semaphore(%arg35 : memref<!tpu.dma_semaphore, #tpu.memory_space<semaphore_mem>>)
        %dma_start3A_129 = tpu.memref_slice %arg7[%add3A_127] : memref<320000xi32, #tpu.memory_space<hbm>> -> memref<2000xi32, #tpu.memory_space<hbm>>
        %dma_start3A_130 = tpu.memref_slice %arg7[%add3A_127] : memref<320000xi32, #tpu.memory_space<hbm>> -> memref<2000xi32, #tpu.memory_space<hbm>>
        tpu.enqueue_dma source(%dma_start3A_130 : memref<2000xi32, #tpu.memory_space<hbm>>) target(%arg20 : memref<2000xi32, #tpu.memory_space<vmem>>) target_semaphore(%arg35 : memref<!tpu.dma_semaphore, #tpu.memory_space<semaphore_mem>>)
        %dma_start3A_131 = tpu.memref_slice %arg8[%add3A_127] : memref<320000xi32, #tpu.memory_space<hbm>> -> memref<2000xi32, #tpu.memory_space<hbm>>
        %dma_start3A_132 = tpu.memref_slice %arg8[%add3A_127] : memref<320000xi32, #tpu.memory_space<hbm>> -> memref<2000xi32, #tpu.memory_space<hbm>>
        tpu.enqueue_dma source(%dma_start3A_132 : memref<2000xi32, #tpu.memory_space<hbm>>) target(%arg22 : memref<2000xi32, #tpu.memory_space<vmem>>) target_semaphore(%arg35 : memref<!tpu.dma_semaphore, #tpu.memory_space<semaphore_mem>>)
        %dma_wait3A_133 = tpu.memref_slice %arg6[%add3A_127] : memref<320000xi32, #tpu.memory_space<hbm>> -> memref<2000xi32, #tpu.memory_space<hbm>>
        %dma_wait3A_134 = tpu.memref_slice %arg6[%add3A_127] : memref<320000xi32, #tpu.memory_space<hbm>> -> memref<2000xi32, #tpu.memory_space<hbm>>
        tpu.wait_dma2 semaphore(%arg35 : memref<!tpu.dma_semaphore, #tpu.memory_space<semaphore_mem>>) src(%dma_wait3A_134 : memref<2000xi32, #tpu.memory_space<hbm>>) dst(%arg21 : memref<2000xi32, #tpu.memory_space<vmem>>)
        %dma_wait3A_135 = tpu.memref_slice %arg7[%add3A_127] : memref<320000xi32, #tpu.memory_space<hbm>> -> memref<2000xi32, #tpu.memory_space<hbm>>
        %dma_wait3A_136 = tpu.memref_slice %arg7[%add3A_127] : memref<320000xi32, #tpu.memory_space<hbm>> -> memref<2000xi32, #tpu.memory_space<hbm>>
        tpu.wait_dma2 semaphore(%arg35 : memref<!tpu.dma_semaphore, #tpu.memory_space<semaphore_mem>>) src(%dma_wait3A_136 : memref<2000xi32, #tpu.memory_space<hbm>>) dst(%arg20 : memref<2000xi32, #tpu.memory_space<vmem>>)
        %dma_wait3A_137 = tpu.memref_slice %arg8[%add3A_127] : memref<320000xi32, #tpu.memory_space<hbm>> -> memref<2000xi32, #tpu.memory_space<hbm>>
        %dma_wait3A_138 = tpu.memref_slice %arg8[%add3A_127] : memref<320000xi32, #tpu.memory_space<hbm>> -> memref<2000xi32, #tpu.memory_space<hbm>>
        tpu.wait_dma2 semaphore(%arg35 : memref<!tpu.dma_semaphore, #tpu.memory_space<semaphore_mem>>) src(%dma_wait3A_138 : memref<2000xi32, #tpu.memory_space<hbm>>) dst(%arg22 : memref<2000xi32, #tpu.memory_space<vmem>>)
        %parallel_loop3A = arith.constant 0 : i32
        %parallel_loop3A_139 = arith.constant 125 : i32
        %parallel_loop3A_140 = arith.constant 1 : i32
        scf.for %parallel_loop3A_141 = %parallel_loop3A to %parallel_loop3A_139 step %parallel_loop3A_140  : i32 {
          %parallel_loop3A_142 = arith.constant 16 : i32
          %parallel_loop3A_143 = arith.muli %parallel_loop3A_141, %parallel_loop3A_142 : i32
          %parallel_loop3A_144 = arith.index_cast %parallel_loop3A_143 : i32 to index
          %parallel_loop3A_145 = tpu.vector_load %arg21[%parallel_loop3A_144] {strides = array<i32>} : memref<2000xi32, #tpu.memory_space<vmem>>, vector<16xi32>,
          %parallel_loop3A_146 = vector.shape_cast %parallel_loop3A_145 : vector<16xi32> to vector<16xi32>
          %parallel_loop3A_147 = arith.constant 12 : i32
          %parallel_loop3A_148 = vector.broadcast %parallel_loop3A_147 : i32 to vector<16xi32>
          %parallel_loop3A_149 = arith.muli %parallel_loop3A_146, %parallel_loop3A_148 : vector<16xi32>
          %parallel_loop3A_150 = arith.index_cast %parallel_loop3A_143 : i32 to index
          %parallel_loop3A_151 = tpu.vector_load %arg20[%parallel_loop3A_150] {strides = array<i32>} : memref<2000xi32, #tpu.memory_space<vmem>>, vector<16xi32>,
          %parallel_loop3A_152 = vector.shape_cast %parallel_loop3A_151 : vector<16xi32> to vector<16xi32>
          %parallel_loop3A_153 = arith.constant 2 : i32
          %parallel_loop3A_154 = vector.broadcast %parallel_loop3A_153 : i32 to vector<16xi32>
          %parallel_loop3A_155 = arith.muli %parallel_loop3A_152, %parallel_loop3A_154 : vector<16xi32>
          %parallel_loop3A_156 = arith.addi %parallel_loop3A_149, %parallel_loop3A_155 : vector<16xi32>
          %parallel_loop3A_157 = arith.index_cast %parallel_loop3A_143 : i32 to index
          %parallel_loop3A_158 = tpu.vector_load %arg22[%parallel_loop3A_157] {strides = array<i32>} : memref<2000xi32, #tpu.memory_space<vmem>>, vector<16xi32>,
          %parallel_loop3A_159 = vector.shape_cast %parallel_loop3A_158 : vector<16xi32> to vector<16xi32>
          %parallel_loop3A_160 = arith.addi %parallel_loop3A_156, %parallel_loop3A_159 : vector<16xi32>
          %parallel_loop3A_161 = arith.index_cast %parallel_loop3A_143 : i32 to index
          %parallel_loop3A_162 = tpu.vector_load %arg21[%parallel_loop3A_161] {strides = array<i32>} : memref<2000xi32, #tpu.memory_space<vmem>>, vector<16xi32>,
          %parallel_loop3A_163 = vector.shape_cast %parallel_loop3A_162 : vector<16xi32> to vector<16xi32>
          %parallel_loop3A_164 = vector.shape_cast %parallel_loop3A_160 : vector<16xi32> to vector<16xi32>
          tpu.vector_store %arg21[%parallel_loop3A_161], %parallel_loop3A_164 {strides = array<i32>} : memref<2000xi32, #tpu.memory_space<vmem>>, vector<16xi32>,
        } {sc.loop_unroll_factor = 2 : i64, sc.parallel_access}
        "tpu.region"() ({
          %run_scoped3A = tpu.sem_alloc : memref<!tpu.dma_semaphore, #tpu.memory_space<semaphore_mem>>
          %dma_start3A_141 = tpu.memref_slice %arg4[%add3A_127] : memref<320000xi32, #tpu.memory_space<hbm>> -> memref<2000xi32, #tpu.memory_space<hbm>>
          %dma_start3A_142 = tpu.memref_slice %arg4[%add3A_127] : memref<320000xi32, #tpu.memory_space<hbm>> -> memref<2000xi32, #tpu.memory_space<hbm>>
          tpu.enqueue_dma source(%dma_start3A_142 : memref<2000xi32, #tpu.memory_space<hbm>>) target(%arg20 : memref<2000xi32, #tpu.memory_space<vmem>>) target_semaphore(%run_scoped3A : memref<!tpu.dma_semaphore, #tpu.memory_space<semaphore_mem>>)
          %dma_wait3A_143 = tpu.memref_slice %arg4[%add3A_127] : memref<320000xi32, #tpu.memory_space<hbm>> -> memref<2000xi32, #tpu.memory_space<hbm>>
          %dma_wait3A_144 = tpu.memref_slice %arg4[%add3A_127] : memref<320000xi32, #tpu.memory_space<hbm>> -> memref<2000xi32, #tpu.memory_space<hbm>>
          tpu.wait_dma2 semaphore(%run_scoped3A : memref<!tpu.dma_semaphore, #tpu.memory_space<semaphore_mem>>) src(%dma_wait3A_144 : memref<2000xi32, #tpu.memory_space<hbm>>) dst(%arg20 : memref<2000xi32, #tpu.memory_space<vmem>>)
          tpu.yield
        }) : () -> ()
      } else {
      }
      %eq3A_105 = arith.constant 0 : i32
      %eq3A_106 = arith.cmpi eq, %select_n3A_83, %eq3A_105 : i32
      %convert_element_type3A_107 = arith.extui %eq3A_106 : i1 to i32
      %cond3A_108 = arith.constant 0 : i32
      %cond3A_109 = arith.cmpi ne, %convert_element_type3A_107, %cond3A_108 : i32
      scf.if %cond3A_109 {
        %eq3A_125 = arith.constant 0 : i32
        %eq3A_126 = arith.cmpi eq, %scan3A_72, %eq3A_125 : i32
        %convert_element_type3A_127 = arith.extui %eq3A_126 : i1 to i32
        %cond3A_128 = arith.constant 0 : i32
        %cond3A_129 = arith.cmpi ne, %convert_element_type3A_127, %cond3A_128 : i32
        scf.if %cond3A_129 {
          %add3A_176 = arith.constant 0 : i32
          %add3A_177 = arith.addi %mul3A_43, %add3A_176 : i32
          %dma_start3A_178 = tpu.memref_slice %arg5[%add3A_177] : memref<320000xi32, #tpu.memory_space<hbm>> -> memref<80xi32, #tpu.memory_space<hbm>>
          %dma_start3A_179 = tpu.memref_slice %arg5[%add3A_177] : memref<320000xi32, #tpu.memory_space<hbm>> -> memref<80xi32, #tpu.memory_space<hbm>>
          tpu.enqueue_dma source(%dma_start3A_179 : memref<80xi32, #tpu.memory_space<hbm>>) target(%arg23 : memref<80xi32, #tpu.memory_space<vmem>>) target_semaphore(%arg48 : memref<!tpu.dma_semaphore, #tpu.memory_space<semaphore_mem>>)
          %add3A_180 = arith.constant 80 : i32
          %add3A_181 = arith.addi %mul3A_43, %add3A_180 : i32
          %dma_start3A_182 = tpu.memref_slice %arg5[%add3A_181] : memref<320000xi32, #tpu.memory_space<hbm>> -> memref<80xi32, #tpu.memory_space<hbm>>
          %dma_start3A_183 = tpu.memref_slice %arg5[%add3A_181] : memref<320000xi32, #tpu.memory_space<hbm>> -> memref<80xi32, #tpu.memory_space<hbm>>
          tpu.enqueue_dma source(%dma_start3A_183 : memref<80xi32, #tpu.memory_space<hbm>>) target(%arg24 : memref<80xi32, #tpu.memory_space<vmem>>) target_semaphore(%arg49 : memref<!tpu.dma_semaphore, #tpu.memory_space<semaphore_mem>>)
          %dma_start3A_184 = arith.constant 0 : i32
          %dma_start3A_185 = tpu.memref_slice %arg20[%dma_start3A_184] : memref<2000xi32, #tpu.memory_space<vmem>> -> memref<80xi32, #tpu.memory_space<vmem>>
          %dma_start3A_186 = arith.constant 0 : i32
          %dma_start3A_187 = arith.constant 0 : i32
          %dma_start3A_188 = tpu.memref_slice %arg18[%dma_start3A_186, %dma_start3A_187] : memref<10000x64xf32, #tpu.memory_space<vmem_shared>> -> memref<10000x64xf32, #tpu.memory_space<vmem_shared>>
          tpu.enqueue_indirect_dma source(%dma_start3A_188 : memref<10000x64xf32, #tpu.memory_space<vmem_shared>>) target(%arg27 : memref<80x64xf32, #tpu.memory_space<vmem>>) offsets(%dma_start3A_185 : memref<80xi32, #tpu.memory_space<vmem>>) semaphore(%arg36 : memref<!tpu.dma_semaphore, #tpu.memory_space<semaphore_mem>>)
          %dma_start3A_189 = arith.constant 0 : i32
          %dma_start3A_190 = tpu.memref_slice %arg21[%dma_start3A_189] : memref<2000xi32, #tpu.memory_space<vmem>> -> memref<80xi32, #tpu.memory_space<vmem>>
          %dma_start3A_191 = arith.constant 0 : i32
          %dma_start3A_192 = arith.constant 0 : i32
          %dma_start3A_193 = tpu.memref_slice %arg19[%dma_start3A_191, %dma_start3A_192] : memref<64x64xf32, #tpu.memory_space<vmem_shared>> -> memref<64x64xf32, #tpu.memory_space<vmem_shared>>
          tpu.enqueue_indirect_dma source(%dma_start3A_193 : memref<64x64xf32, #tpu.memory_space<vmem_shared>>) target(%arg31 : memref<80x64xf32, #tpu.memory_space<vmem>>) offsets(%dma_start3A_190 : memref<80xi32, #tpu.memory_space<vmem>>) semaphore(%arg40 : memref<!tpu.dma_semaphore, #tpu.memory_space<semaphore_mem>>)
          %dma_start3A_194 = arith.constant 80 : i32
          %dma_start3A_195 = tpu.memref_slice %arg20[%dma_start3A_194] : memref<2000xi32, #tpu.memory_space<vmem>> -> memref<80xi32, #tpu.memory_space<vmem>>
          %dma_start3A_196 = arith.constant 0 : i32
          %dma_start3A_197 = arith.constant 0 : i32
          %dma_start3A_198 = tpu.memref_slice %arg18[%dma_start3A_196, %dma_start3A_197] : memref<10000x64xf32, #tpu.memory_space<vmem_shared>> -> memref<10000x64xf32, #tpu.memory_space<vmem_shared>>
          tpu.enqueue_indirect_dma source(%dma_start3A_198 : memref<10000x64xf32, #tpu.memory_space<vmem_shared>>) target(%arg28 : memref<80x64xf32, #tpu.memory_space<vmem>>) offsets(%dma_start3A_195 : memref<80xi32, #tpu.memory_space<vmem>>) semaphore(%arg37 : memref<!tpu.dma_semaphore, #tpu.memory_space<semaphore_mem>>)
          %dma_start3A_199 = arith.constant 80 : i32
          %dma_start3A_200 = tpu.memref_slice %arg21[%dma_start3A_199] : memref<2000xi32, #tpu.memory_space<vmem>> -> memref<80xi32, #tpu.memory_space<vmem>>
          %dma_start3A_201 = arith.constant 0 : i32
          %dma_start3A_202 = arith.constant 0 : i32
          %dma_start3A_203 = tpu.memref_slice %arg19[%dma_start3A_201, %dma_start3A_202] : memref<64x64xf32, #tpu.memory_space<vmem_shared>> -> memref<64x64xf32, #tpu.memory_space<vmem_shared>>
          tpu.enqueue_indirect_dma source(%dma_start3A_203 : memref<64x64xf32, #tpu.memory_space<vmem_shared>>) target(%arg32 : memref<80x64xf32, #tpu.memory_space<vmem>>) offsets(%dma_start3A_200 : memref<80xi32, #tpu.memory_space<vmem>>) semaphore(%arg41 : memref<!tpu.dma_semaphore, #tpu.memory_space<semaphore_mem>>)
        } else {
        }
        %gt3A = arith.constant 0 : i32
        %gt3A_130 = arith.cmpi sgt, %scan3A_72, %gt3A : i32
        %jit3A_131 = arith.constant 25 : i32
        %eq3A_132 = arith.constant 0 : i32
        %eq3A_133 = arith.cmpi eq, %jit3A_131, %eq3A_132 : i32
        %jit3A_134 = arith.constant 1 : i32
        %select_n3A_135 = arith.select %eq3A_133, %jit3A_134, %jit3A_131 : i32
        %rem3A_136 = arith.remsi %scan3A_72, %select_n3A_135 : i32
        %ne3A_137 = arith.constant 0 : i32
        %ne3A_138 = arith.cmpi ne, %rem3A_136, %ne3A_137 : i32
        %lt3A_139 = arith.constant 0 : i32
        %lt3A_140 = arith.cmpi slt, %rem3A_136, %lt3A_139 : i32
        %lt3A_141 = arith.constant 0 : i32
        %lt3A_142 = arith.cmpi slt, %select_n3A_135, %lt3A_141 : i32
        %ne3A_143 = arith.xori %lt3A_140, %lt3A_142 : i1
        %and3A_144 = arith.andi %ne3A_143, %ne3A_138 : i1
        %add3A_145 = arith.addi %rem3A_136, %select_n3A_135 : i32
        %select_n3A_146 = arith.select %and3A_144, %add3A_145, %rem3A_136 : i32
        %eq3A_147 = arith.constant 0 : i32
        %eq3A_148 = arith.cmpi eq, %select_n3A_146, %eq3A_147 : i32
        %and3A_149 = arith.andi %gt3A_130, %eq3A_148 : i1
        %convert_element_type3A_150 = arith.extui %and3A_149 : i1 to i32
        %cond3A_151 = arith.constant 0 : i32
        %cond3A_152 = arith.cmpi ne, %convert_element_type3A_150, %cond3A_151 : i32
        scf.if %cond3A_152 {
          %jit3A_176 = arith.constant 25 : i32
          %eq3A_177 = arith.constant 0 : i32
          %eq3A_178 = arith.cmpi eq, %jit3A_176, %eq3A_177 : i32
          %jit3A_179 = arith.constant 1 : i32
          %select_n3A_180 = arith.select %eq3A_178, %jit3A_179, %jit3A_176 : i32
          %rem3A_181 = arith.remsi %scan3A_72, %select_n3A_180 : i32
          %ne3A_182 = arith.constant 0 : i32
          %ne3A_183 = arith.cmpi ne, %rem3A_181, %ne3A_182 : i32
          %lt3A_184 = arith.constant 0 : i32
          %lt3A_185 = arith.cmpi slt, %rem3A_181, %lt3A_184 : i32
          %lt3A_186 = arith.constant 0 : i32
          %lt3A_187 = arith.cmpi slt, %select_n3A_180, %lt3A_186 : i32
          %ne3A_188 = arith.xori %lt3A_185, %lt3A_187 : i1
          %and3A_189 = arith.andi %ne3A_188, %ne3A_183 : i1
          %add3A_190 = arith.addi %rem3A_181, %select_n3A_180 : i32
          %select_n3A_191 = arith.select %and3A_189, %add3A_190, %rem3A_181 : i32
          %mul3A_192 = arith.constant 80 : i32
          %mul3A_193 = arith.muli %select_n3A_191, %mul3A_192 : i32
          %dma_start3A_194 = tpu.memref_slice %arg20[%mul3A_193] : memref<2000xi32, #tpu.memory_space<vmem>> -> memref<80xi32, #tpu.memory_space<vmem>>
          %dma_start3A_195 = arith.constant 0 : i32
          %dma_start3A_196 = arith.constant 0 : i32
          %dma_start3A_197 = tpu.memref_slice %arg18[%dma_start3A_195, %dma_start3A_196] : memref<10000x64xf32, #tpu.memory_space<vmem_shared>> -> memref<10000x64xf32, #tpu.memory_space<vmem_shared>>
          tpu.enqueue_indirect_dma source(%dma_start3A_197 : memref<10000x64xf32, #tpu.memory_space<vmem_shared>>) target(%arg27 : memref<80x64xf32, #tpu.memory_space<vmem>>) offsets(%dma_start3A_194 : memref<80xi32, #tpu.memory_space<vmem>>) semaphore(%arg36 : memref<!tpu.dma_semaphore, #tpu.memory_space<semaphore_mem>>)
          %dma_start3A_198 = tpu.memref_slice %arg21[%mul3A_193] : memref<2000xi32, #tpu.memory_space<vmem>> -> memref<80xi32, #tpu.memory_space<vmem>>
          %dma_start3A_199 = arith.constant 0 : i32
          %dma_start3A_200 = arith.constant 0 : i32
          %dma_start3A_201 = tpu.memref_slice %arg19[%dma_start3A_199, %dma_start3A_200] : memref<64x64xf32, #tpu.memory_space<vmem_shared>> -> memref<64x64xf32, #tpu.memory_space<vmem_shared>>
          tpu.enqueue_indirect_dma source(%dma_start3A_201 : memref<64x64xf32, #tpu.memory_space<vmem_shared>>) target(%arg31 : memref<80x64xf32, #tpu.memory_space<vmem>>) offsets(%dma_start3A_198 : memref<80xi32, #tpu.memory_space<vmem>>) semaphore(%arg40 : memref<!tpu.dma_semaphore, #tpu.memory_space<semaphore_mem>>)
          %add3A_202 = arith.constant 1 : i32
          %add3A_203 = arith.addi %scan3A_72, %add3A_202 : i32
          %jit3A_204 = arith.constant 25 : i32
          %eq3A_205 = arith.constant 0 : i32
          %eq3A_206 = arith.cmpi eq, %jit3A_204, %eq3A_205 : i32
          %jit3A_207 = arith.constant 1 : i32
          %select_n3A_208 = arith.select %eq3A_206, %jit3A_207, %jit3A_204 : i32
          %rem3A_209 = arith.remsi %add3A_203, %select_n3A_208 : i32
          %ne3A_210 = arith.constant 0 : i32
          %ne3A_211 = arith.cmpi ne, %rem3A_209, %ne3A_210 : i32
          %lt3A_212 = arith.constant 0 : i32
          %lt3A_213 = arith.cmpi slt, %rem3A_209, %lt3A_212 : i32
          %lt3A_214 = arith.constant 0 : i32
          %lt3A_215 = arith.cmpi slt, %select_n3A_208, %lt3A_214 : i32
          %ne3A_216 = arith.xori %lt3A_213, %lt3A_215 : i1
          %and3A_217 = arith.andi %ne3A_216, %ne3A_211 : i1
          %add3A_218 = arith.addi %rem3A_209, %select_n3A_208 : i32
          %select_n3A_219 = arith.select %and3A_217, %add3A_218, %rem3A_209 : i32
          %mul3A_220 = arith.constant 80 : i32
          %mul3A_221 = arith.muli %select_n3A_219, %mul3A_220 : i32
          %dma_start3A_222 = tpu.memref_slice %arg20[%mul3A_221] : memref<2000xi32, #tpu.memory_space<vmem>> -> memref<80xi32, #tpu.memory_space<vmem>>
          %dma_start3A_223 = arith.constant 0 : i32
          %dma_start3A_224 = arith.constant 0 : i32
          %dma_start3A_225 = tpu.memref_slice %arg18[%dma_start3A_223, %dma_start3A_224] : memref<10000x64xf32, #tpu.memory_space<vmem_shared>> -> memref<10000x64xf32, #tpu.memory_space<vmem_shared>>
          tpu.enqueue_indirect_dma source(%dma_start3A_225 : memref<10000x64xf32, #tpu.memory_space<vmem_shared>>) target(%arg28 : memref<80x64xf32, #tpu.memory_space<vmem>>) offsets(%dma_start3A_222 : memref<80xi32, #tpu.memory_space<vmem>>) semaphore(%arg37 : memref<!tpu.dma_semaphore, #tpu.memory_space<semaphore_mem>>)
          %dma_start3A_226 = tpu.memref_slice %arg21[%mul3A_221] : memref<2000xi32, #tpu.memory_space<vmem>> -> memref<80xi32, #tpu.memory_space<vmem>>
          %dma_start3A_227 = arith.constant 0 : i32
          %dma_start3A_228 = arith.constant 0 : i32
          %dma_start3A_229 = tpu.memref_slice %arg19[%dma_start3A_227, %dma_start3A_228] : memref<64x64xf32, #tpu.memory_space<vmem_shared>> -> memref<64x64xf32, #tpu.memory_space<vmem_shared>>
          tpu.enqueue_indirect_dma source(%dma_start3A_229 : memref<64x64xf32, #tpu.memory_space<vmem_shared>>) target(%arg32 : memref<80x64xf32, #tpu.memory_space<vmem>>) offsets(%dma_start3A_226 : memref<80xi32, #tpu.memory_space<vmem>>) semaphore(%arg41 : memref<!tpu.dma_semaphore, #tpu.memory_space<semaphore_mem>>)
        } else {
        }
        %lt3A_153 = arith.constant 248 : i32
        %lt3A_154 = arith.cmpi slt, %scan3A_72, %lt3A_153 : i32
        %convert_element_type3A_155 = arith.extui %lt3A_154 : i1 to i32
        %cond3A_156 = arith.constant 0 : i32
        %cond3A_157 = arith.cmpi ne, %convert_element_type3A_155, %cond3A_156 : i32
        scf.if %cond3A_157 {
          %ge3A = arith.constant 2 : i32
          %ge3A_176 = arith.cmpi sge, %scan3A_72, %ge3A : i32
          %convert_element_type3A_177 = arith.extui %ge3A_176 : i1 to i32
          %cond3A_178 = arith.constant 0 : i32
          %cond3A_179 = arith.cmpi ne, %convert_element_type3A_177, %cond3A_178 : i32
          scf.if %cond3A_179 {
            %dma_wait3A_210 = arith.constant 0 : i32
            %dma_wait3A_211 = arith.constant 0 : i32
            %dma_wait3A_212 = tpu.memref_slice %arg17[%dma_wait3A_210, %dma_wait3A_211] : memref<10000x64xf32, #tpu.memory_space<vmem_shared>> -> memref<10000x64xf32, #tpu.memory_space<vmem_shared>>
            tpu.wait_indirect_dma semaphore(%arg46 : memref<!tpu.dma_semaphore, #tpu.memory_space<semaphore_mem>>) src(%arg29 : memref<80x64xf32, #tpu.memory_space<vmem>>) dst(%dma_wait3A_212 : memref<10000x64xf32, #tpu.memory_space<vmem_shared>>)
          } else {
          }
          %add3A_180 = arith.constant 2 : i32
          %add3A_181 = arith.addi %scan3A_72, %add3A_180 : i32
          %mul3A_182 = arith.constant 80 : i32
          %mul3A_183 = arith.muli %add3A_181, %mul3A_182 : i32
          %add3A_184 = arith.addi %mul3A_43, %mul3A_183 : i32
          %dma_start3A_185 = tpu.memref_slice %arg5[%add3A_184] : memref<320000xi32, #tpu.memory_space<hbm>> -> memref<80xi32, #tpu.memory_space<hbm>>
          %dma_start3A_186 = tpu.memref_slice %arg5[%add3A_184] : memref<320000xi32, #tpu.memory_space<hbm>> -> memref<80xi32, #tpu.memory_space<hbm>>
          tpu.enqueue_dma source(%dma_start3A_186 : memref<80xi32, #tpu.memory_space<hbm>>) target(%arg25 : memref<80xi32, #tpu.memory_space<vmem>>) target_semaphore(%arg50 : memref<!tpu.dma_semaphore, #tpu.memory_space<semaphore_mem>>)
          %add3A_187 = arith.constant 2 : i32
          %add3A_188 = arith.addi %scan3A_72, %add3A_187 : i32
          %jit3A_189 = arith.constant 25 : i32
          %eq3A_190 = arith.constant 0 : i32
          %eq3A_191 = arith.cmpi eq, %jit3A_189, %eq3A_190 : i32
          %jit3A_192 = arith.constant 1 : i32
          %select_n3A_193 = arith.select %eq3A_191, %jit3A_192, %jit3A_189 : i32
          %rem3A_194 = arith.remsi %add3A_188, %select_n3A_193 : i32
          %ne3A_195 = arith.constant 0 : i32
          %ne3A_196 = arith.cmpi ne, %rem3A_194, %ne3A_195 : i32
          %lt3A_197 = arith.constant 0 : i32
          %lt3A_198 = arith.cmpi slt, %rem3A_194, %lt3A_197 : i32
          %lt3A_199 = arith.constant 0 : i32
          %lt3A_200 = arith.cmpi slt, %select_n3A_193, %lt3A_199 : i32
          %ne3A_201 = arith.xori %lt3A_198, %lt3A_200 : i1
          %and3A_202 = arith.andi %ne3A_201, %ne3A_196 : i1
          %add3A_203 = arith.addi %rem3A_194, %select_n3A_193 : i32
          %select_n3A_204 = arith.select %and3A_202, %add3A_203, %rem3A_194 : i32
          %ge3A_205 = arith.constant 2 : i32
          %ge3A_206 = arith.cmpi sge, %select_n3A_204, %ge3A_205 : i32
          %convert_element_type3A_207 = arith.extui %ge3A_206 : i1 to i32
          %cond3A_208 = arith.constant 0 : i32
          %cond3A_209 = arith.cmpi ne, %convert_element_type3A_207, %cond3A_208 : i32
          scf.if %cond3A_209 {
            %add3A_210 = arith.constant 2 : i32
            %add3A_211 = arith.addi %scan3A_72, %add3A_210 : i32
            %jit3A_212 = arith.constant 25 : i32
            %eq3A_213 = arith.constant 0 : i32
            %eq3A_214 = arith.cmpi eq, %jit3A_212, %eq3A_213 : i32
            %jit3A_215 = arith.constant 1 : i32
            %select_n3A_216 = arith.select %eq3A_214, %jit3A_215, %jit3A_212 : i32
            %rem3A_217 = arith.remsi %add3A_211, %select_n3A_216 : i32
            %ne3A_218 = arith.constant 0 : i32
            %ne3A_219 = arith.cmpi ne, %rem3A_217, %ne3A_218 : i32
            %lt3A_220 = arith.constant 0 : i32
            %lt3A_221 = arith.cmpi slt, %rem3A_217, %lt3A_220 : i32
            %lt3A_222 = arith.constant 0 : i32
            %lt3A_223 = arith.cmpi slt, %select_n3A_216, %lt3A_222 : i32
            %ne3A_224 = arith.xori %lt3A_221, %lt3A_223 : i1
            %and3A_225 = arith.andi %ne3A_224, %ne3A_219 : i1
            %add3A_226 = arith.addi %rem3A_217, %select_n3A_216 : i32
            %select_n3A_227 = arith.select %and3A_225, %add3A_226, %rem3A_217 : i32
            %mul3A_228 = arith.constant 80 : i32
            %mul3A_229 = arith.muli %select_n3A_227, %mul3A_228 : i32
            %dma_start3A_230 = tpu.memref_slice %arg20[%mul3A_229] : memref<2000xi32, #tpu.memory_space<vmem>> -> memref<80xi32, #tpu.memory_space<vmem>>
            %dma_start3A_231 = arith.constant 0 : i32
            %dma_start3A_232 = arith.constant 0 : i32
            %dma_start3A_233 = tpu.memref_slice %arg18[%dma_start3A_231, %dma_start3A_232] : memref<10000x64xf32, #tpu.memory_space<vmem_shared>> -> memref<10000x64xf32, #tpu.memory_space<vmem_shared>>
            tpu.enqueue_indirect_dma source(%dma_start3A_233 : memref<10000x64xf32, #tpu.memory_space<vmem_shared>>) target(%arg29 : memref<80x64xf32, #tpu.memory_space<vmem>>) offsets(%dma_start3A_230 : memref<80xi32, #tpu.memory_space<vmem>>) semaphore(%arg38 : memref<!tpu.dma_semaphore, #tpu.memory_space<semaphore_mem>>)
            %dma_start3A_234 = tpu.memref_slice %arg21[%mul3A_229] : memref<2000xi32, #tpu.memory_space<vmem>> -> memref<80xi32, #tpu.memory_space<vmem>>
            %dma_start3A_235 = arith.constant 0 : i32
            %dma_start3A_236 = arith.constant 0 : i32
            %dma_start3A_237 = tpu.memref_slice %arg19[%dma_start3A_235, %dma_start3A_236] : memref<64x64xf32, #tpu.memory_space<vmem_shared>> -> memref<64x64xf32, #tpu.memory_space<vmem_shared>>
            tpu.enqueue_indirect_dma source(%dma_start3A_237 : memref<64x64xf32, #tpu.memory_space<vmem_shared>>) target(%arg33 : memref<80x64xf32, #tpu.memory_space<vmem>>) offsets(%dma_start3A_234 : memref<80xi32, #tpu.memory_space<vmem>>) semaphore(%arg42 : memref<!tpu.dma_semaphore, #tpu.memory_space<semaphore_mem>>)
          } else {
          }
        } else {
        }
        %dma_wait3A_158 = arith.constant 0 : i32
        %dma_wait3A_159 = tpu.memref_slice %arg20[%dma_wait3A_158] : memref<2000xi32, #tpu.memory_space<vmem>> -> memref<80xi32, #tpu.memory_space<vmem>>
        %dma_wait3A_160 = arith.constant 0 : i32
        %dma_wait3A_161 = arith.constant 0 : i32
        %dma_wait3A_162 = tpu.memref_slice %arg18[%dma_wait3A_160, %dma_wait3A_161] : memref<10000x64xf32, #tpu.memory_space<vmem_shared>> -> memref<10000x64xf32, #tpu.memory_space<vmem_shared>>
        tpu.wait_indirect_dma semaphore(%arg36 : memref<!tpu.dma_semaphore, #tpu.memory_space<semaphore_mem>>) src(%dma_wait3A_162 : memref<10000x64xf32, #tpu.memory_space<vmem_shared>>) dst(%arg27 : memref<80x64xf32, #tpu.memory_space<vmem>>)
        %dma_wait3A_163 = arith.constant 0 : i32
        %dma_wait3A_164 = tpu.memref_slice %arg21[%dma_wait3A_163] : memref<2000xi32, #tpu.memory_space<vmem>> -> memref<80xi32, #tpu.memory_space<vmem>>
        %dma_wait3A_165 = arith.constant 0 : i32
        %dma_wait3A_166 = arith.constant 0 : i32
        %dma_wait3A_167 = tpu.memref_slice %arg19[%dma_wait3A_165, %dma_wait3A_166] : memref<64x64xf32, #tpu.memory_space<vmem_shared>> -> memref<64x64xf32, #tpu.memory_space<vmem_shared>>
        tpu.wait_indirect_dma semaphore(%arg40 : memref<!tpu.dma_semaphore, #tpu.memory_space<semaphore_mem>>) src(%dma_wait3A_167 : memref<64x64xf32, #tpu.memory_space<vmem_shared>>) dst(%arg31 : memref<80x64xf32, #tpu.memory_space<vmem>>)
        %parallel_loop3A = arith.constant 0 : i32
        %parallel_loop3A_168 = arith.constant 80 : i32
        %parallel_loop3A_169 = arith.constant 1 : i32
        scf.for %parallel_loop3A_176 = %parallel_loop3A to %parallel_loop3A_168 step %parallel_loop3A_169  : i32 {
          %parallel_loop3A_177 = arith.index_cast %parallel_loop3A_176 : i32 to index
          %parallel_loop3A_178 = arith.constant 0 : index
          %parallel_loop3A_179 = tpu.vector_load %arg27[%parallel_loop3A_177, %parallel_loop3A_178] {strides = array<i32>} : memref<80x64xf32, #tpu.memory_space<vmem>>, vector<1x16xf32>,
          %parallel_loop3A_180 = vector.shape_cast %parallel_loop3A_179 : vector<1x16xf32> to vector<16xf32>
          %parallel_loop3A_181 = arith.index_cast %parallel_loop3A_176 : i32 to index
          %parallel_loop3A_182 = arith.constant 0 : index
          %parallel_loop3A_183 = tpu.vector_load %arg31[%parallel_loop3A_181, %parallel_loop3A_182] {strides = array<i32>} : memref<80x64xf32, #tpu.memory_space<vmem>>, vector<1x16xf32>,
          %parallel_loop3A_184 = vector.shape_cast %parallel_loop3A_183 : vector<1x16xf32> to vector<16xf32>
          %parallel_loop3A_185 = arith.addf %parallel_loop3A_180, %parallel_loop3A_184 : vector<16xf32>
          %parallel_loop3A_186 = arith.constant 0.000000e+00 : f32
          %parallel_loop3A_187 = vector.broadcast %parallel_loop3A_186 : f32 to vector<16xf32>
          %parallel_loop3A_188 = arith.maximumf %parallel_loop3A_185, %parallel_loop3A_187 : vector<16xf32>
          %parallel_loop3A_189 = arith.index_cast %parallel_loop3A_176 : i32 to index
          %parallel_loop3A_190 = arith.constant 0 : index
          %parallel_loop3A_191 = tpu.vector_load %arg27[%parallel_loop3A_189, %parallel_loop3A_190] {strides = array<i32>} : memref<80x64xf32, #tpu.memory_space<vmem>>, vector<1x16xf32>,
          %parallel_loop3A_192 = vector.shape_cast %parallel_loop3A_191 : vector<1x16xf32> to vector<16xf32>
          %parallel_loop3A_193 = vector.shape_cast %parallel_loop3A_188 : vector<16xf32> to vector<1x16xf32>
          tpu.vector_store %arg27[%parallel_loop3A_189, %parallel_loop3A_190], %parallel_loop3A_193 {strides = array<i32>} : memref<80x64xf32, #tpu.memory_space<vmem>>, vector<1x16xf32>,
          %parallel_loop3A_194 = arith.index_cast %parallel_loop3A_176 : i32 to index
          %parallel_loop3A_195 = arith.constant 16 : index
          %parallel_loop3A_196 = tpu.vector_load %arg27[%parallel_loop3A_194, %parallel_loop3A_195] {strides = array<i32>} : memref<80x64xf32, #tpu.memory_space<vmem>>, vector<1x16xf32>,
          %parallel_loop3A_197 = vector.shape_cast %parallel_loop3A_196 : vector<1x16xf32> to vector<16xf32>
          %parallel_loop3A_198 = arith.index_cast %parallel_loop3A_176 : i32 to index
          %parallel_loop3A_199 = arith.constant 16 : index
          %parallel_loop3A_200 = tpu.vector_load %arg31[%parallel_loop3A_198, %parallel_loop3A_199] {strides = array<i32>} : memref<80x64xf32, #tpu.memory_space<vmem>>, vector<1x16xf32>,
          %parallel_loop3A_201 = vector.shape_cast %parallel_loop3A_200 : vector<1x16xf32> to vector<16xf32>
          %parallel_loop3A_202 = arith.addf %parallel_loop3A_197, %parallel_loop3A_201 : vector<16xf32>
          %parallel_loop3A_203 = arith.constant 0.000000e+00 : f32
          %parallel_loop3A_204 = vector.broadcast %parallel_loop3A_203 : f32 to vector<16xf32>
          %parallel_loop3A_205 = arith.maximumf %parallel_loop3A_202, %parallel_loop3A_204 : vector<16xf32>
          %parallel_loop3A_206 = arith.index_cast %parallel_loop3A_176 : i32 to index
          %parallel_loop3A_207 = arith.constant 16 : index
          %parallel_loop3A_208 = tpu.vector_load %arg27[%parallel_loop3A_206, %parallel_loop3A_207] {strides = array<i32>} : memref<80x64xf32, #tpu.memory_space<vmem>>, vector<1x16xf32>,
          %parallel_loop3A_209 = vector.shape_cast %parallel_loop3A_208 : vector<1x16xf32> to vector<16xf32>
          %parallel_loop3A_210 = vector.shape_cast %parallel_loop3A_205 : vector<16xf32> to vector<1x16xf32>
          tpu.vector_store %arg27[%parallel_loop3A_206, %parallel_loop3A_207], %parallel_loop3A_210 {strides = array<i32>} : memref<80x64xf32, #tpu.memory_space<vmem>>, vector<1x16xf32>,
          %parallel_loop3A_211 = arith.index_cast %parallel_loop3A_176 : i32 to index
          %parallel_loop3A_212 = arith.constant 32 : index
          %parallel_loop3A_213 = tpu.vector_load %arg27[%parallel_loop3A_211, %parallel_loop3A_212] {strides = array<i32>} : memref<80x64xf32, #tpu.memory_space<vmem>>, vector<1x16xf32>,
          %parallel_loop3A_214 = vector.shape_cast %parallel_loop3A_213 : vector<1x16xf32> to vector<16xf32>
          %parallel_loop3A_215 = arith.index_cast %parallel_loop3A_176 : i32 to index
          %parallel_loop3A_216 = arith.constant 32 : index
          %parallel_loop3A_217 = tpu.vector_load %arg31[%parallel_loop3A_215, %parallel_loop3A_216] {strides = array<i32>} : memref<80x64xf32, #tpu.memory_space<vmem>>, vector<1x16xf32>,
          %parallel_loop3A_218 = vector.shape_cast %parallel_loop3A_217 : vector<1x16xf32> to vector<16xf32>
          %parallel_loop3A_219 = arith.addf %parallel_loop3A_214, %parallel_loop3A_218 : vector<16xf32>
          %parallel_loop3A_220 = arith.constant 0.000000e+00 : f32
          %parallel_loop3A_221 = vector.broadcast %parallel_loop3A_220 : f32 to vector<16xf32>
          %parallel_loop3A_222 = arith.maximumf %parallel_loop3A_219, %parallel_loop3A_221 : vector<16xf32>
          %parallel_loop3A_223 = arith.index_cast %parallel_loop3A_176 : i32 to index
          %parallel_loop3A_224 = arith.constant 32 : index
          %parallel_loop3A_225 = tpu.vector_load %arg27[%parallel_loop3A_223, %parallel_loop3A_224] {strides = array<i32>} : memref<80x64xf32, #tpu.memory_space<vmem>>, vector<1x16xf32>,
          %parallel_loop3A_226 = vector.shape_cast %parallel_loop3A_225 : vector<1x16xf32> to vector<16xf32>
          %parallel_loop3A_227 = vector.shape_cast %parallel_loop3A_222 : vector<16xf32> to vector<1x16xf32>
          tpu.vector_store %arg27[%parallel_loop3A_223, %parallel_loop3A_224], %parallel_loop3A_227 {strides = array<i32>} : memref<80x64xf32, #tpu.memory_space<vmem>>, vector<1x16xf32>,
          %parallel_loop3A_228 = arith.index_cast %parallel_loop3A_176 : i32 to index
          %parallel_loop3A_229 = arith.constant 48 : index
          %parallel_loop3A_230 = tpu.vector_load %arg27[%parallel_loop3A_228, %parallel_loop3A_229] {strides = array<i32>} : memref<80x64xf32, #tpu.memory_space<vmem>>, vector<1x16xf32>,
          %parallel_loop3A_231 = vector.shape_cast %parallel_loop3A_230 : vector<1x16xf32> to vector<16xf32>
          %parallel_loop3A_232 = arith.index_cast %parallel_loop3A_176 : i32 to index
          %parallel_loop3A_233 = arith.constant 48 : index
          %parallel_loop3A_234 = tpu.vector_load %arg31[%parallel_loop3A_232, %parallel_loop3A_233] {strides = array<i32>} : memref<80x64xf32, #tpu.memory_space<vmem>>, vector<1x16xf32>,
          %parallel_loop3A_235 = vector.shape_cast %parallel_loop3A_234 : vector<1x16xf32> to vector<16xf32>
          %parallel_loop3A_236 = arith.addf %parallel_loop3A_231, %parallel_loop3A_235 : vector<16xf32>
          %parallel_loop3A_237 = arith.constant 0.000000e+00 : f32
          %parallel_loop3A_238 = vector.broadcast %parallel_loop3A_237 : f32 to vector<16xf32>
          %parallel_loop3A_239 = arith.maximumf %parallel_loop3A_236, %parallel_loop3A_238 : vector<16xf32>
          %parallel_loop3A_240 = arith.index_cast %parallel_loop3A_176 : i32 to index
          %parallel_loop3A_241 = arith.constant 48 : index
          %parallel_loop3A_242 = tpu.vector_load %arg27[%parallel_loop3A_240, %parallel_loop3A_241] {strides = array<i32>} : memref<80x64xf32, #tpu.memory_space<vmem>>, vector<1x16xf32>,
          %parallel_loop3A_243 = vector.shape_cast %parallel_loop3A_242 : vector<1x16xf32> to vector<16xf32>
          %parallel_loop3A_244 = vector.shape_cast %parallel_loop3A_239 : vector<16xf32> to vector<1x16xf32>
          tpu.vector_store %arg27[%parallel_loop3A_240, %parallel_loop3A_241], %parallel_loop3A_244 {strides = array<i32>} : memref<80x64xf32, #tpu.memory_space<vmem>>, vector<1x16xf32>,
        } {sc.loop_unroll_factor = 2 : i64, sc.parallel_access}
        %dma_wait3A_170 = arith.constant 0 : i32
        %dma_wait3A_171 = tpu.memref_slice %arg5[%dma_wait3A_170] : memref<320000xi32, #tpu.memory_space<hbm>> -> memref<80xi32, #tpu.memory_space<hbm>>
        %dma_wait3A_172 = arith.constant 0 : i32
        %dma_wait3A_173 = tpu.memref_slice %arg5[%dma_wait3A_172] : memref<320000xi32, #tpu.memory_space<hbm>> -> memref<80xi32, #tpu.memory_space<hbm>>
        tpu.wait_dma2 semaphore(%arg48 : memref<!tpu.dma_semaphore, #tpu.memory_space<semaphore_mem>>) src(%dma_wait3A_173 : memref<80xi32, #tpu.memory_space<hbm>>) dst(%arg23 : memref<80xi32, #tpu.memory_space<vmem>>)
        %dma_start3A = arith.constant 0 : i32
        %dma_start3A_174 = arith.constant 0 : i32
        %dma_start3A_175 = tpu.memref_slice %arg17[%dma_start3A, %dma_start3A_174] : memref<10000x64xf32, #tpu.memory_space<vmem_shared>> -> memref<10000x64xf32, #tpu.memory_space<vmem_shared>>
        tpu.enqueue_indirect_dma source(%arg27 : memref<80x64xf32, #tpu.memory_space<vmem>>) target(%dma_start3A_175 : memref<10000x64xf32, #tpu.memory_space<vmem_shared>>) offsets(%arg23 : memref<80xi32, #tpu.memory_space<vmem>>) semaphore(%arg44 : memref<!tpu.dma_semaphore, #tpu.memory_space<semaphore_mem>>) {add = true}
      } else {
      }
      %eq3A_110 = arith.constant 1 : i32
      %eq3A_111 = arith.cmpi eq, %select_n3A_83, %eq3A_110 : i32
      %convert_element_type3A_112 = arith.extui %eq3A_111 : i1 to i32
      %cond3A_113 = arith.constant 0 : i32
      %cond3A_114 = arith.cmpi ne, %convert_element_type3A_112, %cond3A_113 : i32
      scf.if %cond3A_114 {
        %eq3A_125 = arith.constant 0 : i32
        %eq3A_126 = arith.cmpi eq, %scan3A_72, %eq3A_125 : i32
        %convert_element_type3A_127 = arith.extui %eq3A_126 : i1 to i32
        %cond3A_128 = arith.constant 0 : i32
        %cond3A_129 = arith.cmpi ne, %convert_element_type3A_127, %cond3A_128 : i32
        scf.if %cond3A_129 {
          %add3A_176 = arith.constant 0 : i32
          %add3A_177 = arith.addi %mul3A_43, %add3A_176 : i32
          %dma_start3A_178 = tpu.memref_slice %arg5[%add3A_177] : memref<320000xi32, #tpu.memory_space<hbm>> -> memref<80xi32, #tpu.memory_space<hbm>>
          %dma_start3A_179 = tpu.memref_slice %arg5[%add3A_177] : memref<320000xi32, #tpu.memory_space<hbm>> -> memref<80xi32, #tpu.memory_space<hbm>>
          tpu.enqueue_dma source(%dma_start3A_179 : memref<80xi32, #tpu.memory_space<hbm>>) target(%arg24 : memref<80xi32, #tpu.memory_space<vmem>>) target_semaphore(%arg49 : memref<!tpu.dma_semaphore, #tpu.memory_space<semaphore_mem>>)
          %add3A_180 = arith.constant 80 : i32
          %add3A_181 = arith.addi %mul3A_43, %add3A_180 : i32
          %dma_start3A_182 = tpu.memref_slice %arg5[%add3A_181] : memref<320000xi32, #tpu.memory_space<hbm>> -> memref<80xi32, #tpu.memory_space<hbm>>
          %dma_start3A_183 = tpu.memref_slice %arg5[%add3A_181] : memref<320000xi32, #tpu.memory_space<hbm>> -> memref<80xi32, #tpu.memory_space<hbm>>
          tpu.enqueue_dma source(%dma_start3A_183 : memref<80xi32, #tpu.memory_space<hbm>>) target(%arg25 : memref<80xi32, #tpu.memory_space<vmem>>) target_semaphore(%arg50 : memref<!tpu.dma_semaphore, #tpu.memory_space<semaphore_mem>>)
          %dma_start3A_184 = arith.constant 0 : i32
          %dma_start3A_185 = tpu.memref_slice %arg20[%dma_start3A_184] : memref<2000xi32, #tpu.memory_space<vmem>> -> memref<80xi32, #tpu.memory_space<vmem>>
          %dma_start3A_186 = arith.constant 0 : i32
          %dma_start3A_187 = arith.constant 0 : i32
          %dma_start3A_188 = tpu.memref_slice %arg18[%dma_start3A_186, %dma_start3A_187] : memref<10000x64xf32, #tpu.memory_space<vmem_shared>> -> memref<10000x64xf32, #tpu.memory_space<vmem_shared>>
          tpu.enqueue_indirect_dma source(%dma_start3A_188 : memref<10000x64xf32, #tpu.memory_space<vmem_shared>>) target(%arg28 : memref<80x64xf32, #tpu.memory_space<vmem>>) offsets(%dma_start3A_185 : memref<80xi32, #tpu.memory_space<vmem>>) semaphore(%arg37 : memref<!tpu.dma_semaphore, #tpu.memory_space<semaphore_mem>>)
          %dma_start3A_189 = arith.constant 0 : i32
          %dma_start3A_190 = tpu.memref_slice %arg21[%dma_start3A_189] : memref<2000xi32, #tpu.memory_space<vmem>> -> memref<80xi32, #tpu.memory_space<vmem>>
          %dma_start3A_191 = arith.constant 0 : i32
          %dma_start3A_192 = arith.constant 0 : i32
          %dma_start3A_193 = tpu.memref_slice %arg19[%dma_start3A_191, %dma_start3A_192] : memref<64x64xf32, #tpu.memory_space<vmem_shared>> -> memref<64x64xf32, #tpu.memory_space<vmem_shared>>
          tpu.enqueue_indirect_dma source(%dma_start3A_193 : memref<64x64xf32, #tpu.memory_space<vmem_shared>>) target(%arg32 : memref<80x64xf32, #tpu.memory_space<vmem>>) offsets(%dma_start3A_190 : memref<80xi32, #tpu.memory_space<vmem>>) semaphore(%arg41 : memref<!tpu.dma_semaphore, #tpu.memory_space<semaphore_mem>>)
          %dma_start3A_194 = arith.constant 80 : i32
          %dma_start3A_195 = tpu.memref_slice %arg20[%dma_start3A_194] : memref<2000xi32, #tpu.memory_space<vmem>> -> memref<80xi32, #tpu.memory_space<vmem>>
          %dma_start3A_196 = arith.constant 0 : i32
          %dma_start3A_197 = arith.constant 0 : i32
          %dma_start3A_198 = tpu.memref_slice %arg18[%dma_start3A_196, %dma_start3A_197] : memref<10000x64xf32, #tpu.memory_space<vmem_shared>> -> memref<10000x64xf32, #tpu.memory_space<vmem_shared>>
          tpu.enqueue_indirect_dma source(%dma_start3A_198 : memref<10000x64xf32, #tpu.memory_space<vmem_shared>>) target(%arg29 : memref<80x64xf32, #tpu.memory_space<vmem>>) offsets(%dma_start3A_195 : memref<80xi32, #tpu.memory_space<vmem>>) semaphore(%arg38 : memref<!tpu.dma_semaphore, #tpu.memory_space<semaphore_mem>>)
          %dma_start3A_199 = arith.constant 80 : i32
          %dma_start3A_200 = tpu.memref_slice %arg21[%dma_start3A_199] : memref<2000xi32, #tpu.memory_space<vmem>> -> memref<80xi32, #tpu.memory_space<vmem>>
          %dma_start3A_201 = arith.constant 0 : i32
          %dma_start3A_202 = arith.constant 0 : i32
          %dma_start3A_203 = tpu.memref_slice %arg19[%dma_start3A_201, %dma_start3A_202] : memref<64x64xf32, #tpu.memory_space<vmem_shared>> -> memref<64x64xf32, #tpu.memory_space<vmem_shared>>
          tpu.enqueue_indirect_dma source(%dma_start3A_203 : memref<64x64xf32, #tpu.memory_space<vmem_shared>>) target(%arg33 : memref<80x64xf32, #tpu.memory_space<vmem>>) offsets(%dma_start3A_200 : memref<80xi32, #tpu.memory_space<vmem>>) semaphore(%arg42 : memref<!tpu.dma_semaphore, #tpu.memory_space<semaphore_mem>>)
        } else {
        }
        %gt3A = arith.constant 0 : i32
        %gt3A_130 = arith.cmpi sgt, %scan3A_72, %gt3A : i32
        %jit3A_131 = arith.constant 25 : i32
        %eq3A_132 = arith.constant 0 : i32
        %eq3A_133 = arith.cmpi eq, %jit3A_131, %eq3A_132 : i32
        %jit3A_134 = arith.constant 1 : i32
        %select_n3A_135 = arith.select %eq3A_133, %jit3A_134, %jit3A_131 : i32
        %rem3A_136 = arith.remsi %scan3A_72, %select_n3A_135 : i32
        %ne3A_137 = arith.constant 0 : i32
        %ne3A_138 = arith.cmpi ne, %rem3A_136, %ne3A_137 : i32
        %lt3A_139 = arith.constant 0 : i32
        %lt3A_140 = arith.cmpi slt, %rem3A_136, %lt3A_139 : i32
        %lt3A_141 = arith.constant 0 : i32
        %lt3A_142 = arith.cmpi slt, %select_n3A_135, %lt3A_141 : i32
        %ne3A_143 = arith.xori %lt3A_140, %lt3A_142 : i1
        %and3A_144 = arith.andi %ne3A_143, %ne3A_138 : i1
        %add3A_145 = arith.addi %rem3A_136, %select_n3A_135 : i32
        %select_n3A_146 = arith.select %and3A_144, %add3A_145, %rem3A_136 : i32
        %eq3A_147 = arith.constant 0 : i32
        %eq3A_148 = arith.cmpi eq, %select_n3A_146, %eq3A_147 : i32
        %and3A_149 = arith.andi %gt3A_130, %eq3A_148 : i1
        %convert_element_type3A_150 = arith.extui %and3A_149 : i1 to i32
        %cond3A_151 = arith.constant 0 : i32
        %cond3A_152 = arith.cmpi ne, %convert_element_type3A_150, %cond3A_151 : i32
        scf.if %cond3A_152 {
          %jit3A_176 = arith.constant 25 : i32
          %eq3A_177 = arith.constant 0 : i32
          %eq3A_178 = arith.cmpi eq, %jit3A_176, %eq3A_177 : i32
          %jit3A_179 = arith.constant 1 : i32
          %select_n3A_180 = arith.select %eq3A_178, %jit3A_179, %jit3A_176 : i32
          %rem3A_181 = arith.remsi %scan3A_72, %select_n3A_180 : i32
          %ne3A_182 = arith.constant 0 : i32
          %ne3A_183 = arith.cmpi ne, %rem3A_181, %ne3A_182 : i32
          %lt3A_184 = arith.constant 0 : i32
          %lt3A_185 = arith.cmpi slt, %rem3A_181, %lt3A_184 : i32
          %lt3A_186 = arith.constant 0 : i32
          %lt3A_187 = arith.cmpi slt, %select_n3A_180, %lt3A_186 : i32
          %ne3A_188 = arith.xori %lt3A_185, %lt3A_187 : i1
          %and3A_189 = arith.andi %ne3A_188, %ne3A_183 : i1
          %add3A_190 = arith.addi %rem3A_181, %select_n3A_180 : i32
          %select_n3A_191 = arith.select %and3A_189, %add3A_190, %rem3A_181 : i32
          %mul3A_192 = arith.constant 80 : i32
          %mul3A_193 = arith.muli %select_n3A_191, %mul3A_192 : i32
          %dma_start3A_194 = tpu.memref_slice %arg20[%mul3A_193] : memref<2000xi32, #tpu.memory_space<vmem>> -> memref<80xi32, #tpu.memory_space<vmem>>
          %dma_start3A_195 = arith.constant 0 : i32
          %dma_start3A_196 = arith.constant 0 : i32
          %dma_start3A_197 = tpu.memref_slice %arg18[%dma_start3A_195, %dma_start3A_196] : memref<10000x64xf32, #tpu.memory_space<vmem_shared>> -> memref<10000x64xf32, #tpu.memory_space<vmem_shared>>
          tpu.enqueue_indirect_dma source(%dma_start3A_197 : memref<10000x64xf32, #tpu.memory_space<vmem_shared>>) target(%arg28 : memref<80x64xf32, #tpu.memory_space<vmem>>) offsets(%dma_start3A_194 : memref<80xi32, #tpu.memory_space<vmem>>) semaphore(%arg37 : memref<!tpu.dma_semaphore, #tpu.memory_space<semaphore_mem>>)
          %dma_start3A_198 = tpu.memref_slice %arg21[%mul3A_193] : memref<2000xi32, #tpu.memory_space<vmem>> -> memref<80xi32, #tpu.memory_space<vmem>>
          %dma_start3A_199 = arith.constant 0 : i32
          %dma_start3A_200 = arith.constant 0 : i32
          %dma_start3A_201 = tpu.memref_slice %arg19[%dma_start3A_199, %dma_start3A_200] : memref<64x64xf32, #tpu.memory_space<vmem_shared>> -> memref<64x64xf32, #tpu.memory_space<vmem_shared>>
          tpu.enqueue_indirect_dma source(%dma_start3A_201 : memref<64x64xf32, #tpu.memory_space<vmem_shared>>) target(%arg32 : memref<80x64xf32, #tpu.memory_space<vmem>>) offsets(%dma_start3A_198 : memref<80xi32, #tpu.memory_space<vmem>>) semaphore(%arg41 : memref<!tpu.dma_semaphore, #tpu.memory_space<semaphore_mem>>)
          %add3A_202 = arith.constant 1 : i32
          %add3A_203 = arith.addi %scan3A_72, %add3A_202 : i32
          %jit3A_204 = arith.constant 25 : i32
          %eq3A_205 = arith.constant 0 : i32
          %eq3A_206 = arith.cmpi eq, %jit3A_204, %eq3A_205 : i32
          %jit3A_207 = arith.constant 1 : i32
          %select_n3A_208 = arith.select %eq3A_206, %jit3A_207, %jit3A_204 : i32
          %rem3A_209 = arith.remsi %add3A_203, %select_n3A_208 : i32
          %ne3A_210 = arith.constant 0 : i32
          %ne3A_211 = arith.cmpi ne, %rem3A_209, %ne3A_210 : i32
          %lt3A_212 = arith.constant 0 : i32
          %lt3A_213 = arith.cmpi slt, %rem3A_209, %lt3A_212 : i32
          %lt3A_214 = arith.constant 0 : i32
          %lt3A_215 = arith.cmpi slt, %select_n3A_208, %lt3A_214 : i32
          %ne3A_216 = arith.xori %lt3A_213, %lt3A_215 : i1
          %and3A_217 = arith.andi %ne3A_216, %ne3A_211 : i1
          %add3A_218 = arith.addi %rem3A_209, %select_n3A_208 : i32
          %select_n3A_219 = arith.select %and3A_217, %add3A_218, %rem3A_209 : i32
          %mul3A_220 = arith.constant 80 : i32
          %mul3A_221 = arith.muli %select_n3A_219, %mul3A_220 : i32
          %dma_start3A_222 = tpu.memref_slice %arg20[%mul3A_221] : memref<2000xi32, #tpu.memory_space<vmem>> -> memref<80xi32, #tpu.memory_space<vmem>>
          %dma_start3A_223 = arith.constant 0 : i32
          %dma_start3A_224 = arith.constant 0 : i32
          %dma_start3A_225 = tpu.memref_slice %arg18[%dma_start3A_223, %dma_start3A_224] : memref<10000x64xf32, #tpu.memory_space<vmem_shared>> -> memref<10000x64xf32, #tpu.memory_space<vmem_shared>>
          tpu.enqueue_indirect_dma source(%dma_start3A_225 : memref<10000x64xf32, #tpu.memory_space<vmem_shared>>) target(%arg29 : memref<80x64xf32, #tpu.memory_space<vmem>>) offsets(%dma_start3A_222 : memref<80xi32, #tpu.memory_space<vmem>>) semaphore(%arg38 : memref<!tpu.dma_semaphore, #tpu.memory_space<semaphore_mem>>)
          %dma_start3A_226 = tpu.memref_slice %arg21[%mul3A_221] : memref<2000xi32, #tpu.memory_space<vmem>> -> memref<80xi32, #tpu.memory_space<vmem>>
          %dma_start3A_227 = arith.constant 0 : i32
          %dma_start3A_228 = arith.constant 0 : i32
          %dma_start3A_229 = tpu.memref_slice %arg19[%dma_start3A_227, %dma_start3A_228] : memref<64x64xf32, #tpu.memory_space<vmem_shared>> -> memref<64x64xf32, #tpu.memory_space<vmem_shared>>
          tpu.enqueue_indirect_dma source(%dma_start3A_229 : memref<64x64xf32, #tpu.memory_space<vmem_shared>>) target(%arg33 : memref<80x64xf32, #tpu.memory_space<vmem>>) offsets(%dma_start3A_226 : memref<80xi32, #tpu.memory_space<vmem>>) semaphore(%arg42 : memref<!tpu.dma_semaphore, #tpu.memory_space<semaphore_mem>>)
        } else {
        }
        %lt3A_153 = arith.constant 248 : i32
        %lt3A_154 = arith.cmpi slt, %scan3A_72, %lt3A_153 : i32
        %convert_element_type3A_155 = arith.extui %lt3A_154 : i1 to i32
        %cond3A_156 = arith.constant 0 : i32
        %cond3A_157 = arith.cmpi ne, %convert_element_type3A_155, %cond3A_156 : i32
        scf.if %cond3A_157 {
          %ge3A = arith.constant 2 : i32
          %ge3A_176 = arith.cmpi sge, %scan3A_72, %ge3A : i32
          %convert_element_type3A_177 = arith.extui %ge3A_176 : i1 to i32
          %cond3A_178 = arith.constant 0 : i32
          %cond3A_179 = arith.cmpi ne, %convert_element_type3A_177, %cond3A_178 : i32
          scf.if %cond3A_179 {
            %dma_wait3A_210 = arith.constant 0 : i32
            %dma_wait3A_211 = arith.constant 0 : i32
            %dma_wait3A_212 = tpu.memref_slice %arg17[%dma_wait3A_210, %dma_wait3A_211] : memref<10000x64xf32, #tpu.memory_space<vmem_shared>> -> memref<10000x64xf32, #tpu.memory_space<vmem_shared>>
            tpu.wait_indirect_dma semaphore(%arg47 : memref<!tpu.dma_semaphore, #tpu.memory_space<semaphore_mem>>) src(%arg30 : memref<80x64xf32, #tpu.memory_space<vmem>>) dst(%dma_wait3A_212 : memref<10000x64xf32, #tpu.memory_space<vmem_shared>>)
          } else {
          }
          %add3A_180 = arith.constant 2 : i32
          %add3A_181 = arith.addi %scan3A_72, %add3A_180 : i32
          %mul3A_182 = arith.constant 80 : i32
          %mul3A_183 = arith.muli %add3A_181, %mul3A_182 : i32
          %add3A_184 = arith.addi %mul3A_43, %mul3A_183 : i32
          %dma_start3A_185 = tpu.memref_slice %arg5[%add3A_184] : memref<320000xi32, #tpu.memory_space<hbm>> -> memref<80xi32, #tpu.memory_space<hbm>>
          %dma_start3A_186 = tpu.memref_slice %arg5[%add3A_184] : memref<320000xi32, #tpu.memory_space<hbm>> -> memref<80xi32, #tpu.memory_space<hbm>>
          tpu.enqueue_dma source(%dma_start3A_186 : memref<80xi32, #tpu.memory_space<hbm>>) target(%arg26 : memref<80xi32, #tpu.memory_space<vmem>>) target_semaphore(%arg51 : memref<!tpu.dma_semaphore, #tpu.memory_space<semaphore_mem>>)
          %add3A_187 = arith.constant 2 : i32
          %add3A_188 = arith.addi %scan3A_72, %add3A_187 : i32
          %jit3A_189 = arith.constant 25 : i32
          %eq3A_190 = arith.constant 0 : i32
          %eq3A_191 = arith.cmpi eq, %jit3A_189, %eq3A_190 : i32
          %jit3A_192 = arith.constant 1 : i32
          %select_n3A_193 = arith.select %eq3A_191, %jit3A_192, %jit3A_189 : i32
          %rem3A_194 = arith.remsi %add3A_188, %select_n3A_193 : i32
          %ne3A_195 = arith.constant 0 : i32
          %ne3A_196 = arith.cmpi ne, %rem3A_194, %ne3A_195 : i32
          %lt3A_197 = arith.constant 0 : i32
          %lt3A_198 = arith.cmpi slt, %rem3A_194, %lt3A_197 : i32
          %lt3A_199 = arith.constant 0 : i32
          %lt3A_200 = arith.cmpi slt, %select_n3A_193, %lt3A_199 : i32
          %ne3A_201 = arith.xori %lt3A_198, %lt3A_200 : i1
          %and3A_202 = arith.andi %ne3A_201, %ne3A_196 : i1
          %add3A_203 = arith.addi %rem3A_194, %select_n3A_193 : i32
          %select_n3A_204 = arith.select %and3A_202, %add3A_203, %rem3A_194 : i32
          %ge3A_205 = arith.constant 2 : i32
          %ge3A_206 = arith.cmpi sge, %select_n3A_204, %ge3A_205 : i32
          %convert_element_type3A_207 = arith.extui %ge3A_206 : i1 to i32
          %cond3A_208 = arith.constant 0 : i32
          %cond3A_209 = arith.cmpi ne, %convert_element_type3A_207, %cond3A_208 : i32
          scf.if %cond3A_209 {
            %add3A_210 = arith.constant 2 : i32
            %add3A_211 = arith.addi %scan3A_72, %add3A_210 : i32
            %jit3A_212 = arith.constant 25 : i32
            %eq3A_213 = arith.constant 0 : i32
            %eq3A_214 = arith.cmpi eq, %jit3A_212, %eq3A_213 : i32
            %jit3A_215 = arith.constant 1 : i32
            %select_n3A_216 = arith.select %eq3A_214, %jit3A_215, %jit3A_212 : i32
            %rem3A_217 = arith.remsi %add3A_211, %select_n3A_216 : i32
            %ne3A_218 = arith.constant 0 : i32
            %ne3A_219 = arith.cmpi ne, %rem3A_217, %ne3A_218 : i32
            %lt3A_220 = arith.constant 0 : i32
            %lt3A_221 = arith.cmpi slt, %rem3A_217, %lt3A_220 : i32
            %lt3A_222 = arith.constant 0 : i32
            %lt3A_223 = arith.cmpi slt, %select_n3A_216, %lt3A_222 : i32
            %ne3A_224 = arith.xori %lt3A_221, %lt3A_223 : i1
            %and3A_225 = arith.andi %ne3A_224, %ne3A_219 : i1
            %add3A_226 = arith.addi %rem3A_217, %select_n3A_216 : i32
            %select_n3A_227 = arith.select %and3A_225, %add3A_226, %rem3A_217 : i32
            %mul3A_228 = arith.constant 80 : i32
            %mul3A_229 = arith.muli %select_n3A_227, %mul3A_228 : i32
            %dma_start3A_230 = tpu.memref_slice %arg20[%mul3A_229] : memref<2000xi32, #tpu.memory_space<vmem>> -> memref<80xi32, #tpu.memory_space<vmem>>
            %dma_start3A_231 = arith.constant 0 : i32
            %dma_start3A_232 = arith.constant 0 : i32
            %dma_start3A_233 = tpu.memref_slice %arg18[%dma_start3A_231, %dma_start3A_232] : memref<10000x64xf32, #tpu.memory_space<vmem_shared>> -> memref<10000x64xf32, #tpu.memory_space<vmem_shared>>
            tpu.enqueue_indirect_dma source(%dma_start3A_233 : memref<10000x64xf32, #tpu.memory_space<vmem_shared>>) target(%arg30 : memref<80x64xf32, #tpu.memory_space<vmem>>) offsets(%dma_start3A_230 : memref<80xi32, #tpu.memory_space<vmem>>) semaphore(%arg39 : memref<!tpu.dma_semaphore, #tpu.memory_space<semaphore_mem>>)
            %dma_start3A_234 = tpu.memref_slice %arg21[%mul3A_229] : memref<2000xi32, #tpu.memory_space<vmem>> -> memref<80xi32, #tpu.memory_space<vmem>>
            %dma_start3A_235 = arith.constant 0 : i32
            %dma_start3A_236 = arith.constant 0 : i32
            %dma_start3A_237 = tpu.memref_slice %arg19[%dma_start3A_235, %dma_start3A_236] : memref<64x64xf32, #tpu.memory_space<vmem_shared>> -> memref<64x64xf32, #tpu.memory_space<vmem_shared>>
            tpu.enqueue_indirect_dma source(%dma_start3A_237 : memref<64x64xf32, #tpu.memory_space<vmem_shared>>) target(%arg34 : memref<80x64xf32, #tpu.memory_space<vmem>>) offsets(%dma_start3A_234 : memref<80xi32, #tpu.memory_space<vmem>>) semaphore(%arg43 : memref<!tpu.dma_semaphore, #tpu.memory_space<semaphore_mem>>)
          } else {
          }
        } else {
        }
        %dma_wait3A_158 = arith.constant 0 : i32
        %dma_wait3A_159 = tpu.memref_slice %arg20[%dma_wait3A_158] : memref<2000xi32, #tpu.memory_space<vmem>> -> memref<80xi32, #tpu.memory_space<vmem>>
        %dma_wait3A_160 = arith.constant 0 : i32
        %dma_wait3A_161 = arith.constant 0 : i32
        %dma_wait3A_162 = tpu.memref_slice %arg18[%dma_wait3A_160, %dma_wait3A_161] : memref<10000x64xf32, #tpu.memory_space<vmem_shared>> -> memref<10000x64xf32, #tpu.memory_space<vmem_shared>>
        tpu.wait_indirect_dma semaphore(%arg37 : memref<!tpu.dma_semaphore, #tpu.memory_space<semaphore_mem>>) src(%dma_wait3A_162 : memref<10000x64xf32, #tpu.memory_space<vmem_shared>>) dst(%arg28 : memref<80x64xf32, #tpu.memory_space<vmem>>)
        %dma_wait3A_163 = arith.constant 0 : i32
        %dma_wait3A_164 = tpu.memref_slice %arg21[%dma_wait3A_163] : memref<2000xi32, #tpu.memory_space<vmem>> -> memref<80xi32, #tpu.memory_space<vmem>>
        %dma_wait3A_165 = arith.constant 0 : i32
        %dma_wait3A_166 = arith.constant 0 : i32
        %dma_wait3A_167 = tpu.memref_slice %arg19[%dma_wait3A_165, %dma_wait3A_166] : memref<64x64xf32, #tpu.memory_space<vmem_shared>> -> memref<64x64xf32, #tpu.memory_space<vmem_shared>>
        tpu.wait_indirect_dma semaphore(%arg41 : memref<!tpu.dma_semaphore, #tpu.memory_space<semaphore_mem>>) src(%dma_wait3A_167 : memref<64x64xf32, #tpu.memory_space<vmem_shared>>) dst(%arg32 : memref<80x64xf32, #tpu.memory_space<vmem>>)
        %parallel_loop3A = arith.constant 0 : i32
        %parallel_loop3A_168 = arith.constant 80 : i32
        %parallel_loop3A_169 = arith.constant 1 : i32
        scf.for %parallel_loop3A_176 = %parallel_loop3A to %parallel_loop3A_168 step %parallel_loop3A_169  : i32 {
          %parallel_loop3A_177 = arith.index_cast %parallel_loop3A_176 : i32 to index
          %parallel_loop3A_178 = arith.constant 0 : index
          %parallel_loop3A_179 = tpu.vector_load %arg28[%parallel_loop3A_177, %parallel_loop3A_178] {strides = array<i32>} : memref<80x64xf32, #tpu.memory_space<vmem>>, vector<1x16xf32>,
          %parallel_loop3A_180 = vector.shape_cast %parallel_loop3A_179 : vector<1x16xf32> to vector<16xf32>
          %parallel_loop3A_181 = arith.index_cast %parallel_loop3A_176 : i32 to index
          %parallel_loop3A_182 = arith.constant 0 : index
          %parallel_loop3A_183 = tpu.vector_load %arg32[%parallel_loop3A_181, %parallel_loop3A_182] {strides = array<i32>} : memref<80x64xf32, #tpu.memory_space<vmem>>, vector<1x16xf32>,
          %parallel_loop3A_184 = vector.shape_cast %parallel_loop3A_183 : vector<1x16xf32> to vector<16xf32>
          %parallel_loop3A_185 = arith.addf %parallel_loop3A_180, %parallel_loop3A_184 : vector<16xf32>
          %parallel_loop3A_186 = arith.constant 0.000000e+00 : f32
          %parallel_loop3A_187 = vector.broadcast %parallel_loop3A_186 : f32 to vector<16xf32>
          %parallel_loop3A_188 = arith.maximumf %parallel_loop3A_185, %parallel_loop3A_187 : vector<16xf32>
          %parallel_loop3A_189 = arith.index_cast %parallel_loop3A_176 : i32 to index
          %parallel_loop3A_190 = arith.constant 0 : index
          %parallel_loop3A_191 = tpu.vector_load %arg28[%parallel_loop3A_189, %parallel_loop3A_190] {strides = array<i32>} : memref<80x64xf32, #tpu.memory_space<vmem>>, vector<1x16xf32>,
          %parallel_loop3A_192 = vector.shape_cast %parallel_loop3A_191 : vector<1x16xf32> to vector<16xf32>
          %parallel_loop3A_193 = vector.shape_cast %parallel_loop3A_188 : vector<16xf32> to vector<1x16xf32>
          tpu.vector_store %arg28[%parallel_loop3A_189, %parallel_loop3A_190], %parallel_loop3A_193 {strides = array<i32>} : memref<80x64xf32, #tpu.memory_space<vmem>>, vector<1x16xf32>,
          %parallel_loop3A_194 = arith.index_cast %parallel_loop3A_176 : i32 to index
          %parallel_loop3A_195 = arith.constant 16 : index
          %parallel_loop3A_196 = tpu.vector_load %arg28[%parallel_loop3A_194, %parallel_loop3A_195] {strides = array<i32>} : memref<80x64xf32, #tpu.memory_space<vmem>>, vector<1x16xf32>,
          %parallel_loop3A_197 = vector.shape_cast %parallel_loop3A_196 : vector<1x16xf32> to vector<16xf32>
          %parallel_loop3A_198 = arith.index_cast %parallel_loop3A_176 : i32 to index
          %parallel_loop3A_199 = arith.constant 16 : index
          %parallel_loop3A_200 = tpu.vector_load %arg32[%parallel_loop3A_198, %parallel_loop3A_199] {strides = array<i32>} : memref<80x64xf32, #tpu.memory_space<vmem>>, vector<1x16xf32>,
          %parallel_loop3A_201 = vector.shape_cast %parallel_loop3A_200 : vector<1x16xf32> to vector<16xf32>
          %parallel_loop3A_202 = arith.addf %parallel_loop3A_197, %parallel_loop3A_201 : vector<16xf32>
          %parallel_loop3A_203 = arith.constant 0.000000e+00 : f32
          %parallel_loop3A_204 = vector.broadcast %parallel_loop3A_203 : f32 to vector<16xf32>
          %parallel_loop3A_205 = arith.maximumf %parallel_loop3A_202, %parallel_loop3A_204 : vector<16xf32>
          %parallel_loop3A_206 = arith.index_cast %parallel_loop3A_176 : i32 to index
          %parallel_loop3A_207 = arith.constant 16 : index
          %parallel_loop3A_208 = tpu.vector_load %arg28[%parallel_loop3A_206, %parallel_loop3A_207] {strides = array<i32>} : memref<80x64xf32, #tpu.memory_space<vmem>>, vector<1x16xf32>,
          %parallel_loop3A_209 = vector.shape_cast %parallel_loop3A_208 : vector<1x16xf32> to vector<16xf32>
          %parallel_loop3A_210 = vector.shape_cast %parallel_loop3A_205 : vector<16xf32> to vector<1x16xf32>
          tpu.vector_store %arg28[%parallel_loop3A_206, %parallel_loop3A_207], %parallel_loop3A_210 {strides = array<i32>} : memref<80x64xf32, #tpu.memory_space<vmem>>, vector<1x16xf32>,
          %parallel_loop3A_211 = arith.index_cast %parallel_loop3A_176 : i32 to index
          %parallel_loop3A_212 = arith.constant 32 : index
          %parallel_loop3A_213 = tpu.vector_load %arg28[%parallel_loop3A_211, %parallel_loop3A_212] {strides = array<i32>} : memref<80x64xf32, #tpu.memory_space<vmem>>, vector<1x16xf32>,
          %parallel_loop3A_214 = vector.shape_cast %parallel_loop3A_213 : vector<1x16xf32> to vector<16xf32>
          %parallel_loop3A_215 = arith.index_cast %parallel_loop3A_176 : i32 to index
          %parallel_loop3A_216 = arith.constant 32 : index
          %parallel_loop3A_217 = tpu.vector_load %arg32[%parallel_loop3A_215, %parallel_loop3A_216] {strides = array<i32>} : memref<80x64xf32, #tpu.memory_space<vmem>>, vector<1x16xf32>,
          %parallel_loop3A_218 = vector.shape_cast %parallel_loop3A_217 : vector<1x16xf32> to vector<16xf32>
          %parallel_loop3A_219 = arith.addf %parallel_loop3A_214, %parallel_loop3A_218 : vector<16xf32>
          %parallel_loop3A_220 = arith.constant 0.000000e+00 : f32
          %parallel_loop3A_221 = vector.broadcast %parallel_loop3A_220 : f32 to vector<16xf32>
          %parallel_loop3A_222 = arith.maximumf %parallel_loop3A_219, %parallel_loop3A_221 : vector<16xf32>
          %parallel_loop3A_223 = arith.index_cast %parallel_loop3A_176 : i32 to index
          %parallel_loop3A_224 = arith.constant 32 : index
          %parallel_loop3A_225 = tpu.vector_load %arg28[%parallel_loop3A_223, %parallel_loop3A_224] {strides = array<i32>} : memref<80x64xf32, #tpu.memory_space<vmem>>, vector<1x16xf32>,
          %parallel_loop3A_226 = vector.shape_cast %parallel_loop3A_225 : vector<1x16xf32> to vector<16xf32>
          %parallel_loop3A_227 = vector.shape_cast %parallel_loop3A_222 : vector<16xf32> to vector<1x16xf32>
          tpu.vector_store %arg28[%parallel_loop3A_223, %parallel_loop3A_224], %parallel_loop3A_227 {strides = array<i32>} : memref<80x64xf32, #tpu.memory_space<vmem>>, vector<1x16xf32>,
          %parallel_loop3A_228 = arith.index_cast %parallel_loop3A_176 : i32 to index
          %parallel_loop3A_229 = arith.constant 48 : index
          %parallel_loop3A_230 = tpu.vector_load %arg28[%parallel_loop3A_228, %parallel_loop3A_229] {strides = array<i32>} : memref<80x64xf32, #tpu.memory_space<vmem>>, vector<1x16xf32>,
          %parallel_loop3A_231 = vector.shape_cast %parallel_loop3A_230 : vector<1x16xf32> to vector<16xf32>
          %parallel_loop3A_232 = arith.index_cast %parallel_loop3A_176 : i32 to index
          %parallel_loop3A_233 = arith.constant 48 : index
          %parallel_loop3A_234 = tpu.vector_load %arg32[%parallel_loop3A_232, %parallel_loop3A_233] {strides = array<i32>} : memref<80x64xf32, #tpu.memory_space<vmem>>, vector<1x16xf32>,
          %parallel_loop3A_235 = vector.shape_cast %parallel_loop3A_234 : vector<1x16xf32> to vector<16xf32>
          %parallel_loop3A_236 = arith.addf %parallel_loop3A_231, %parallel_loop3A_235 : vector<16xf32>
          %parallel_loop3A_237 = arith.constant 0.000000e+00 : f32
          %parallel_loop3A_238 = vector.broadcast %parallel_loop3A_237 : f32 to vector<16xf32>
          %parallel_loop3A_239 = arith.maximumf %parallel_loop3A_236, %parallel_loop3A_238 : vector<16xf32>
          %parallel_loop3A_240 = arith.index_cast %parallel_loop3A_176 : i32 to index
          %parallel_loop3A_241 = arith.constant 48 : index
          %parallel_loop3A_242 = tpu.vector_load %arg28[%parallel_loop3A_240, %parallel_loop3A_241] {strides = array<i32>} : memref<80x64xf32, #tpu.memory_space<vmem>>, vector<1x16xf32>,
          %parallel_loop3A_243 = vector.shape_cast %parallel_loop3A_242 : vector<1x16xf32> to vector<16xf32>
          %parallel_loop3A_244 = vector.shape_cast %parallel_loop3A_239 : vector<16xf32> to vector<1x16xf32>
          tpu.vector_store %arg28[%parallel_loop3A_240, %parallel_loop3A_241], %parallel_loop3A_244 {strides = array<i32>} : memref<80x64xf32, #tpu.memory_space<vmem>>, vector<1x16xf32>,
        } {sc.loop_unroll_factor = 2 : i64, sc.parallel_access}
        %dma_wait3A_170 = arith.constant 0 : i32
        %dma_wait3A_171 = tpu.memref_slice %arg5[%dma_wait3A_170] : memref<320000xi32, #tpu.memory_space<hbm>> -> memref<80xi32, #tpu.memory_space<hbm>>
        %dma_wait3A_172 = arith.constant 0 : i32
        %dma_wait3A_173 = tpu.memref_slice %arg5[%dma_wait3A_172] : memref<320000xi32, #tpu.memory_space<hbm>> -> memref<80xi32, #tpu.memory_space<hbm>>
        tpu.wait_dma2 semaphore(%arg49 : memref<!tpu.dma_semaphore, #tpu.memory_space<semaphore_mem>>) src(%dma_wait3A_173 : memref<80xi32, #tpu.memory_space<hbm>>) dst(%arg24 : memref<80xi32, #tpu.memory_space<vmem>>)
        %dma_start3A = arith.constant 0 : i32
        %dma_start3A_174 = arith.constant 0 : i32
        %dma_start3A_175 = tpu.memref_slice %arg17[%dma_start3A, %dma_start3A_174] : memref<10000x64xf32, #tpu.memory_space<vmem_shared>> -> memref<10000x64xf32, #tpu.memory_space<vmem_shared>>
        tpu.enqueue_indirect_dma source(%arg28 : memref<80x64xf32, #tpu.memory_space<vmem>>) target(%dma_start3A_175 : memref<10000x64xf32, #tpu.memory_space<vmem_shared>>) offsets(%arg24 : memref<80xi32, #tpu.memory_space<vmem>>) semaphore(%arg45 : memref<!tpu.dma_semaphore, #tpu.memory_space<semaphore_mem>>) {add = true}
      } else {
      }
      %eq3A_115 = arith.constant 2 : i32
      %eq3A_116 = arith.cmpi eq, %select_n3A_83, %eq3A_115 : i32
      %convert_element_type3A_117 = arith.extui %eq3A_116 : i1 to i32
      %cond3A_118 = arith.constant 0 : i32
      %cond3A_119 = arith.cmpi ne, %convert_element_type3A_117, %cond3A_118 : i32
      scf.if %cond3A_119 {
        %eq3A_125 = arith.constant 0 : i32
        %eq3A_126 = arith.cmpi eq, %scan3A_72, %eq3A_125 : i32
        %convert_element_type3A_127 = arith.extui %eq3A_126 : i1 to i32
        %cond3A_128 = arith.constant 0 : i32
        %cond3A_129 = arith.cmpi ne, %convert_element_type3A_127, %cond3A_128 : i32
        scf.if %cond3A_129 {
          %add3A_176 = arith.constant 0 : i32
          %add3A_177 = arith.addi %mul3A_43, %add3A_176 : i32
          %dma_start3A_178 = tpu.memref_slice %arg5[%add3A_177] : memref<320000xi32, #tpu.memory_space<hbm>> -> memref<80xi32, #tpu.memory_space<hbm>>
          %dma_start3A_179 = tpu.memref_slice %arg5[%add3A_177] : memref<320000xi32, #tpu.memory_space<hbm>> -> memref<80xi32, #tpu.memory_space<hbm>>
          tpu.enqueue_dma source(%dma_start3A_179 : memref<80xi32, #tpu.memory_space<hbm>>) target(%arg25 : memref<80xi32, #tpu.memory_space<vmem>>) target_semaphore(%arg50 : memref<!tpu.dma_semaphore, #tpu.memory_space<semaphore_mem>>)
          %add3A_180 = arith.constant 80 : i32
          %add3A_181 = arith.addi %mul3A_43, %add3A_180 : i32
          %dma_start3A_182 = tpu.memref_slice %arg5[%add3A_181] : memref<320000xi32, #tpu.memory_space<hbm>> -> memref<80xi32, #tpu.memory_space<hbm>>
          %dma_start3A_183 = tpu.memref_slice %arg5[%add3A_181] : memref<320000xi32, #tpu.memory_space<hbm>> -> memref<80xi32, #tpu.memory_space<hbm>>
          tpu.enqueue_dma source(%dma_start3A_183 : memref<80xi32, #tpu.memory_space<hbm>>) target(%arg26 : memref<80xi32, #tpu.memory_space<vmem>>) target_semaphore(%arg51 : memref<!tpu.dma_semaphore, #tpu.memory_space<semaphore_mem>>)
          %dma_start3A_184 = arith.constant 0 : i32
          %dma_start3A_185 = tpu.memref_slice %arg20[%dma_start3A_184] : memref<2000xi32, #tpu.memory_space<vmem>> -> memref<80xi32, #tpu.memory_space<vmem>>
          %dma_start3A_186 = arith.constant 0 : i32
          %dma_start3A_187 = arith.constant 0 : i32
          %dma_start3A_188 = tpu.memref_slice %arg18[%dma_start3A_186, %dma_start3A_187] : memref<10000x64xf32, #tpu.memory_space<vmem_shared>> -> memref<10000x64xf32, #tpu.memory_space<vmem_shared>>
          tpu.enqueue_indirect_dma source(%dma_start3A_188 : memref<10000x64xf32, #tpu.memory_space<vmem_shared>>) target(%arg29 : memref<80x64xf32, #tpu.memory_space<vmem>>) offsets(%dma_start3A_185 : memref<80xi32, #tpu.memory_space<vmem>>) semaphore(%arg38 : memref<!tpu.dma_semaphore, #tpu.memory_space<semaphore_mem>>)
          %dma_start3A_189 = arith.constant 0 : i32
          %dma_start3A_190 = tpu.memref_slice %arg21[%dma_start3A_189] : memref<2000xi32, #tpu.memory_space<vmem>> -> memref<80xi32, #tpu.memory_space<vmem>>
          %dma_start3A_191 = arith.constant 0 : i32
          %dma_start3A_192 = arith.constant 0 : i32
          %dma_start3A_193 = tpu.memref_slice %arg19[%dma_start3A_191, %dma_start3A_192] : memref<64x64xf32, #tpu.memory_space<vmem_shared>> -> memref<64x64xf32, #tpu.memory_space<vmem_shared>>
          tpu.enqueue_indirect_dma source(%dma_start3A_193 : memref<64x64xf32, #tpu.memory_space<vmem_shared>>) target(%arg33 : memref<80x64xf32, #tpu.memory_space<vmem>>) offsets(%dma_start3A_190 : memref<80xi32, #tpu.memory_space<vmem>>) semaphore(%arg42 : memref<!tpu.dma_semaphore, #tpu.memory_space<semaphore_mem>>)
          %dma_start3A_194 = arith.constant 80 : i32
          %dma_start3A_195 = tpu.memref_slice %arg20[%dma_start3A_194] : memref<2000xi32, #tpu.memory_space<vmem>> -> memref<80xi32, #tpu.memory_space<vmem>>
          %dma_start3A_196 = arith.constant 0 : i32
          %dma_start3A_197 = arith.constant 0 : i32
          %dma_start3A_198 = tpu.memref_slice %arg18[%dma_start3A_196, %dma_start3A_197] : memref<10000x64xf32, #tpu.memory_space<vmem_shared>> -> memref<10000x64xf32, #tpu.memory_space<vmem_shared>>
          tpu.enqueue_indirect_dma source(%dma_start3A_198 : memref<10000x64xf32, #tpu.memory_space<vmem_shared>>) target(%arg30 : memref<80x64xf32, #tpu.memory_space<vmem>>) offsets(%dma_start3A_195 : memref<80xi32, #tpu.memory_space<vmem>>) semaphore(%arg39 : memref<!tpu.dma_semaphore, #tpu.memory_space<semaphore_mem>>)
          %dma_start3A_199 = arith.constant 80 : i32
          %dma_start3A_200 = tpu.memref_slice %arg21[%dma_start3A_199] : memref<2000xi32, #tpu.memory_space<vmem>> -> memref<80xi32, #tpu.memory_space<vmem>>
          %dma_start3A_201 = arith.constant 0 : i32
          %dma_start3A_202 = arith.constant 0 : i32
          %dma_start3A_203 = tpu.memref_slice %arg19[%dma_start3A_201, %dma_start3A_202] : memref<64x64xf32, #tpu.memory_space<vmem_shared>> -> memref<64x64xf32, #tpu.memory_space<vmem_shared>>
          tpu.enqueue_indirect_dma source(%dma_start3A_203 : memref<64x64xf32, #tpu.memory_space<vmem_shared>>) target(%arg34 : memref<80x64xf32, #tpu.memory_space<vmem>>) offsets(%dma_start3A_200 : memref<80xi32, #tpu.memory_space<vmem>>) semaphore(%arg43 : memref<!tpu.dma_semaphore, #tpu.memory_space<semaphore_mem>>)
        } else {
        }
        %gt3A = arith.constant 0 : i32
        %gt3A_130 = arith.cmpi sgt, %scan3A_72, %gt3A : i32
        %jit3A_131 = arith.constant 25 : i32
        %eq3A_132 = arith.constant 0 : i32
        %eq3A_133 = arith.cmpi eq, %jit3A_131, %eq3A_132 : i32
        %jit3A_134 = arith.constant 1 : i32
        %select_n3A_135 = arith.select %eq3A_133, %jit3A_134, %jit3A_131 : i32
        %rem3A_136 = arith.remsi %scan3A_72, %select_n3A_135 : i32
        %ne3A_137 = arith.constant 0 : i32
        %ne3A_138 = arith.cmpi ne, %rem3A_136, %ne3A_137 : i32
        %lt3A_139 = arith.constant 0 : i32
        %lt3A_140 = arith.cmpi slt, %rem3A_136, %lt3A_139 : i32
        %lt3A_141 = arith.constant 0 : i32
        %lt3A_142 = arith.cmpi slt, %select_n3A_135, %lt3A_141 : i32
        %ne3A_143 = arith.xori %lt3A_140, %lt3A_142 : i1
        %and3A_144 = arith.andi %ne3A_143, %ne3A_138 : i1
        %add3A_145 = arith.addi %rem3A_136, %select_n3A_135 : i32
        %select_n3A_146 = arith.select %and3A_144, %add3A_145, %rem3A_136 : i32
        %eq3A_147 = arith.constant 0 : i32
        %eq3A_148 = arith.cmpi eq, %select_n3A_146, %eq3A_147 : i32
        %and3A_149 = arith.andi %gt3A_130, %eq3A_148 : i1
        %convert_element_type3A_150 = arith.extui %and3A_149 : i1 to i32
        %cond3A_151 = arith.constant 0 : i32
        %cond3A_152 = arith.cmpi ne, %convert_element_type3A_150, %cond3A_151 : i32
        scf.if %cond3A_152 {
          %jit3A_176 = arith.constant 25 : i32
          %eq3A_177 = arith.constant 0 : i32
          %eq3A_178 = arith.cmpi eq, %jit3A_176, %eq3A_177 : i32
          %jit3A_179 = arith.constant 1 : i32
          %select_n3A_180 = arith.select %eq3A_178, %jit3A_179, %jit3A_176 : i32
          %rem3A_181 = arith.remsi %scan3A_72, %select_n3A_180 : i32
          %ne3A_182 = arith.constant 0 : i32
          %ne3A_183 = arith.cmpi ne, %rem3A_181, %ne3A_182 : i32
          %lt3A_184 = arith.constant 0 : i32
          %lt3A_185 = arith.cmpi slt, %rem3A_181, %lt3A_184 : i32
          %lt3A_186 = arith.constant 0 : i32
          %lt3A_187 = arith.cmpi slt, %select_n3A_180, %lt3A_186 : i32
          %ne3A_188 = arith.xori %lt3A_185, %lt3A_187 : i1
          %and3A_189 = arith.andi %ne3A_188, %ne3A_183 : i1
          %add3A_190 = arith.addi %rem3A_181, %select_n3A_180 : i32
          %select_n3A_191 = arith.select %and3A_189, %add3A_190, %rem3A_181 : i32
          %mul3A_192 = arith.constant 80 : i32
          %mul3A_193 = arith.muli %select_n3A_191, %mul3A_192 : i32
          %dma_start3A_194 = tpu.memref_slice %arg20[%mul3A_193] : memref<2000xi32, #tpu.memory_space<vmem>> -> memref<80xi32, #tpu.memory_space<vmem>>
          %dma_start3A_195 = arith.constant 0 : i32
          %dma_start3A_196 = arith.constant 0 : i32
          %dma_start3A_197 = tpu.memref_slice %arg18[%dma_start3A_195, %dma_start3A_196] : memref<10000x64xf32, #tpu.memory_space<vmem_shared>> -> memref<10000x64xf32, #tpu.memory_space<vmem_shared>>
          tpu.enqueue_indirect_dma source(%dma_start3A_197 : memref<10000x64xf32, #tpu.memory_space<vmem_shared>>) target(%arg29 : memref<80x64xf32, #tpu.memory_space<vmem>>) offsets(%dma_start3A_194 : memref<80xi32, #tpu.memory_space<vmem>>) semaphore(%arg38 : memref<!tpu.dma_semaphore, #tpu.memory_space<semaphore_mem>>)
          %dma_start3A_198 = tpu.memref_slice %arg21[%mul3A_193] : memref<2000xi32, #tpu.memory_space<vmem>> -> memref<80xi32, #tpu.memory_space<vmem>>
          %dma_start3A_199 = arith.constant 0 : i32
          %dma_start3A_200 = arith.constant 0 : i32
          %dma_start3A_201 = tpu.memref_slice %arg19[%dma_start3A_199, %dma_start3A_200] : memref<64x64xf32, #tpu.memory_space<vmem_shared>> -> memref<64x64xf32, #tpu.memory_space<vmem_shared>>
          tpu.enqueue_indirect_dma source(%dma_start3A_201 : memref<64x64xf32, #tpu.memory_space<vmem_shared>>) target(%arg33 : memref<80x64xf32, #tpu.memory_space<vmem>>) offsets(%dma_start3A_198 : memref<80xi32, #tpu.memory_space<vmem>>) semaphore(%arg42 : memref<!tpu.dma_semaphore, #tpu.memory_space<semaphore_mem>>)
          %add3A_202 = arith.constant 1 : i32
          %add3A_203 = arith.addi %scan3A_72, %add3A_202 : i32
          %jit3A_204 = arith.constant 25 : i32
          %eq3A_205 = arith.constant 0 : i32
          %eq3A_206 = arith.cmpi eq, %jit3A_204, %eq3A_205 : i32
          %jit3A_207 = arith.constant 1 : i32
          %select_n3A_208 = arith.select %eq3A_206, %jit3A_207, %jit3A_204 : i32
          %rem3A_209 = arith.remsi %add3A_203, %select_n3A_208 : i32
          %ne3A_210 = arith.constant 0 : i32
          %ne3A_211 = arith.cmpi ne, %rem3A_209, %ne3A_210 : i32
          %lt3A_212 = arith.constant 0 : i32
          %lt3A_213 = arith.cmpi slt, %rem3A_209, %lt3A_212 : i32
          %lt3A_214 = arith.constant 0 : i32
          %lt3A_215 = arith.cmpi slt, %select_n3A_208, %lt3A_214 : i32
          %ne3A_216 = arith.xori %lt3A_213, %lt3A_215 : i1
          %and3A_217 = arith.andi %ne3A_216, %ne3A_211 : i1
          %add3A_218 = arith.addi %rem3A_209, %select_n3A_208 : i32
          %select_n3A_219 = arith.select %and3A_217, %add3A_218, %rem3A_209 : i32
          %mul3A_220 = arith.constant 80 : i32
          %mul3A_221 = arith.muli %select_n3A_219, %mul3A_220 : i32
          %dma_start3A_222 = tpu.memref_slice %arg20[%mul3A_221] : memref<2000xi32, #tpu.memory_space<vmem>> -> memref<80xi32, #tpu.memory_space<vmem>>
          %dma_start3A_223 = arith.constant 0 : i32
          %dma_start3A_224 = arith.constant 0 : i32
          %dma_start3A_225 = tpu.memref_slice %arg18[%dma_start3A_223, %dma_start3A_224] : memref<10000x64xf32, #tpu.memory_space<vmem_shared>> -> memref<10000x64xf32, #tpu.memory_space<vmem_shared>>
          tpu.enqueue_indirect_dma source(%dma_start3A_225 : memref<10000x64xf32, #tpu.memory_space<vmem_shared>>) target(%arg30 : memref<80x64xf32, #tpu.memory_space<vmem>>) offsets(%dma_start3A_222 : memref<80xi32, #tpu.memory_space<vmem>>) semaphore(%arg39 : memref<!tpu.dma_semaphore, #tpu.memory_space<semaphore_mem>>)
          %dma_start3A_226 = tpu.memref_slice %arg21[%mul3A_221] : memref<2000xi32, #tpu.memory_space<vmem>> -> memref<80xi32, #tpu.memory_space<vmem>>
          %dma_start3A_227 = arith.constant 0 : i32
          %dma_start3A_228 = arith.constant 0 : i32
          %dma_start3A_229 = tpu.memref_slice %arg19[%dma_start3A_227, %dma_start3A_228] : memref<64x64xf32, #tpu.memory_space<vmem_shared>> -> memref<64x64xf32, #tpu.memory_space<vmem_shared>>
          tpu.enqueue_indirect_dma source(%dma_start3A_229 : memref<64x64xf32, #tpu.memory_space<vmem_shared>>) target(%arg34 : memref<80x64xf32, #tpu.memory_space<vmem>>) offsets(%dma_start3A_226 : memref<80xi32, #tpu.memory_space<vmem>>) semaphore(%arg43 : memref<!tpu.dma_semaphore, #tpu.memory_space<semaphore_mem>>)
        } else {
        }
        %lt3A_153 = arith.constant 248 : i32
        %lt3A_154 = arith.cmpi slt, %scan3A_72, %lt3A_153 : i32
        %convert_element_type3A_155 = arith.extui %lt3A_154 : i1 to i32
        %cond3A_156 = arith.constant 0 : i32
        %cond3A_157 = arith.cmpi ne, %convert_element_type3A_155, %cond3A_156 : i32
        scf.if %cond3A_157 {
          %ge3A = arith.constant 2 : i32
          %ge3A_176 = arith.cmpi sge, %scan3A_72, %ge3A : i32
          %convert_element_type3A_177 = arith.extui %ge3A_176 : i1 to i32
          %cond3A_178 = arith.constant 0 : i32
          %cond3A_179 = arith.cmpi ne, %convert_element_type3A_177, %cond3A_178 : i32
          scf.if %cond3A_179 {
            %dma_wait3A_210 = arith.constant 0 : i32
            %dma_wait3A_211 = arith.constant 0 : i32
            %dma_wait3A_212 = tpu.memref_slice %arg17[%dma_wait3A_210, %dma_wait3A_211] : memref<10000x64xf32, #tpu.memory_space<vmem_shared>> -> memref<10000x64xf32, #tpu.memory_space<vmem_shared>>
            tpu.wait_indirect_dma semaphore(%arg44 : memref<!tpu.dma_semaphore, #tpu.memory_space<semaphore_mem>>) src(%arg27 : memref<80x64xf32, #tpu.memory_space<vmem>>) dst(%dma_wait3A_212 : memref<10000x64xf32, #tpu.memory_space<vmem_shared>>)
          } else {
          }
          %add3A_180 = arith.constant 2 : i32
          %add3A_181 = arith.addi %scan3A_72, %add3A_180 : i32
          %mul3A_182 = arith.constant 80 : i32
          %mul3A_183 = arith.muli %add3A_181, %mul3A_182 : i32
          %add3A_184 = arith.addi %mul3A_43, %mul3A_183 : i32
          %dma_start3A_185 = tpu.memref_slice %arg5[%add3A_184] : memref<320000xi32, #tpu.memory_space<hbm>> -> memref<80xi32, #tpu.memory_space<hbm>>
          %dma_start3A_186 = tpu.memref_slice %arg5[%add3A_184] : memref<320000xi32, #tpu.memory_space<hbm>> -> memref<80xi32, #tpu.memory_space<hbm>>
          tpu.enqueue_dma source(%dma_start3A_186 : memref<80xi32, #tpu.memory_space<hbm>>) target(%arg23 : memref<80xi32, #tpu.memory_space<vmem>>) target_semaphore(%arg48 : memref<!tpu.dma_semaphore, #tpu.memory_space<semaphore_mem>>)
          %add3A_187 = arith.constant 2 : i32
          %add3A_188 = arith.addi %scan3A_72, %add3A_187 : i32
          %jit3A_189 = arith.constant 25 : i32
          %eq3A_190 = arith.constant 0 : i32
          %eq3A_191 = arith.cmpi eq, %jit3A_189, %eq3A_190 : i32
          %jit3A_192 = arith.constant 1 : i32
          %select_n3A_193 = arith.select %eq3A_191, %jit3A_192, %jit3A_189 : i32
          %rem3A_194 = arith.remsi %add3A_188, %select_n3A_193 : i32
          %ne3A_195 = arith.constant 0 : i32
          %ne3A_196 = arith.cmpi ne, %rem3A_194, %ne3A_195 : i32
          %lt3A_197 = arith.constant 0 : i32
          %lt3A_198 = arith.cmpi slt, %rem3A_194, %lt3A_197 : i32
          %lt3A_199 = arith.constant 0 : i32
          %lt3A_200 = arith.cmpi slt, %select_n3A_193, %lt3A_199 : i32
          %ne3A_201 = arith.xori %lt3A_198, %lt3A_200 : i1
          %and3A_202 = arith.andi %ne3A_201, %ne3A_196 : i1
          %add3A_203 = arith.addi %rem3A_194, %select_n3A_193 : i32
          %select_n3A_204 = arith.select %and3A_202, %add3A_203, %rem3A_194 : i32
          %ge3A_205 = arith.constant 2 : i32
          %ge3A_206 = arith.cmpi sge, %select_n3A_204, %ge3A_205 : i32
          %convert_element_type3A_207 = arith.extui %ge3A_206 : i1 to i32
          %cond3A_208 = arith.constant 0 : i32
          %cond3A_209 = arith.cmpi ne, %convert_element_type3A_207, %cond3A_208 : i32
          scf.if %cond3A_209 {
            %add3A_210 = arith.constant 2 : i32
            %add3A_211 = arith.addi %scan3A_72, %add3A_210 : i32
            %jit3A_212 = arith.constant 25 : i32
            %eq3A_213 = arith.constant 0 : i32
            %eq3A_214 = arith.cmpi eq, %jit3A_212, %eq3A_213 : i32
            %jit3A_215 = arith.constant 1 : i32
            %select_n3A_216 = arith.select %eq3A_214, %jit3A_215, %jit3A_212 : i32
            %rem3A_217 = arith.remsi %add3A_211, %select_n3A_216 : i32
            %ne3A_218 = arith.constant 0 : i32
            %ne3A_219 = arith.cmpi ne, %rem3A_217, %ne3A_218 : i32
            %lt3A_220 = arith.constant 0 : i32
            %lt3A_221 = arith.cmpi slt, %rem3A_217, %lt3A_220 : i32
            %lt3A_222 = arith.constant 0 : i32
            %lt3A_223 = arith.cmpi slt, %select_n3A_216, %lt3A_222 : i32
            %ne3A_224 = arith.xori %lt3A_221, %lt3A_223 : i1
            %and3A_225 = arith.andi %ne3A_224, %ne3A_219 : i1
            %add3A_226 = arith.addi %rem3A_217, %select_n3A_216 : i32
            %select_n3A_227 = arith.select %and3A_225, %add3A_226, %rem3A_217 : i32
            %mul3A_228 = arith.constant 80 : i32
            %mul3A_229 = arith.muli %select_n3A_227, %mul3A_228 : i32
            %dma_start3A_230 = tpu.memref_slice %arg20[%mul3A_229] : memref<2000xi32, #tpu.memory_space<vmem>> -> memref<80xi32, #tpu.memory_space<vmem>>
            %dma_start3A_231 = arith.constant 0 : i32
            %dma_start3A_232 = arith.constant 0 : i32
            %dma_start3A_233 = tpu.memref_slice %arg18[%dma_start3A_231, %dma_start3A_232] : memref<10000x64xf32, #tpu.memory_space<vmem_shared>> -> memref<10000x64xf32, #tpu.memory_space<vmem_shared>>
            tpu.enqueue_indirect_dma source(%dma_start3A_233 : memref<10000x64xf32, #tpu.memory_space<vmem_shared>>) target(%arg27 : memref<80x64xf32, #tpu.memory_space<vmem>>) offsets(%dma_start3A_230 : memref<80xi32, #tpu.memory_space<vmem>>) semaphore(%arg36 : memref<!tpu.dma_semaphore, #tpu.memory_space<semaphore_mem>>)
            %dma_start3A_234 = tpu.memref_slice %arg21[%mul3A_229] : memref<2000xi32, #tpu.memory_space<vmem>> -> memref<80xi32, #tpu.memory_space<vmem>>
            %dma_start3A_235 = arith.constant 0 : i32
            %dma_start3A_236 = arith.constant 0 : i32
            %dma_start3A_237 = tpu.memref_slice %arg19[%dma_start3A_235, %dma_start3A_236] : memref<64x64xf32, #tpu.memory_space<vmem_shared>> -> memref<64x64xf32, #tpu.memory_space<vmem_shared>>
            tpu.enqueue_indirect_dma source(%dma_start3A_237 : memref<64x64xf32, #tpu.memory_space<vmem_shared>>) target(%arg31 : memref<80x64xf32, #tpu.memory_space<vmem>>) offsets(%dma_start3A_234 : memref<80xi32, #tpu.memory_space<vmem>>) semaphore(%arg40 : memref<!tpu.dma_semaphore, #tpu.memory_space<semaphore_mem>>)
          } else {
          }
        } else {
        }
        %dma_wait3A_158 = arith.constant 0 : i32
        %dma_wait3A_159 = tpu.memref_slice %arg20[%dma_wait3A_158] : memref<2000xi32, #tpu.memory_space<vmem>> -> memref<80xi32, #tpu.memory_space<vmem>>
        %dma_wait3A_160 = arith.constant 0 : i32
        %dma_wait3A_161 = arith.constant 0 : i32
        %dma_wait3A_162 = tpu.memref_slice %arg18[%dma_wait3A_160, %dma_wait3A_161] : memref<10000x64xf32, #tpu.memory_space<vmem_shared>> -> memref<10000x64xf32, #tpu.memory_space<vmem_shared>>
        tpu.wait_indirect_dma semaphore(%arg38 : memref<!tpu.dma_semaphore, #tpu.memory_space<semaphore_mem>>) src(%dma_wait3A_162 : memref<10000x64xf32, #tpu.memory_space<vmem_shared>>) dst(%arg29 : memref<80x64xf32, #tpu.memory_space<vmem>>)
        %dma_wait3A_163 = arith.constant 0 : i32
        %dma_wait3A_164 = tpu.memref_slice %arg21[%dma_wait3A_163] : memref<2000xi32, #tpu.memory_space<vmem>> -> memref<80xi32, #tpu.memory_space<vmem>>
        %dma_wait3A_165 = arith.constant 0 : i32
        %dma_wait3A_166 = arith.constant 0 : i32
        %dma_wait3A_167 = tpu.memref_slice %arg19[%dma_wait3A_165, %dma_wait3A_166] : memref<64x64xf32, #tpu.memory_space<vmem_shared>> -> memref<64x64xf32, #tpu.memory_space<vmem_shared>>
        tpu.wait_indirect_dma semaphore(%arg42 : memref<!tpu.dma_semaphore, #tpu.memory_space<semaphore_mem>>) src(%dma_wait3A_167 : memref<64x64xf32, #tpu.memory_space<vmem_shared>>) dst(%arg33 : memref<80x64xf32, #tpu.memory_space<vmem>>)
        %parallel_loop3A = arith.constant 0 : i32
        %parallel_loop3A_168 = arith.constant 80 : i32
        %parallel_loop3A_169 = arith.constant 1 : i32
        scf.for %parallel_loop3A_176 = %parallel_loop3A to %parallel_loop3A_168 step %parallel_loop3A_169  : i32 {
          %parallel_loop3A_177 = arith.index_cast %parallel_loop3A_176 : i32 to index
          %parallel_loop3A_178 = arith.constant 0 : index
          %parallel_loop3A_179 = tpu.vector_load %arg29[%parallel_loop3A_177, %parallel_loop3A_178] {strides = array<i32>} : memref<80x64xf32, #tpu.memory_space<vmem>>, vector<1x16xf32>,
          %parallel_loop3A_180 = vector.shape_cast %parallel_loop3A_179 : vector<1x16xf32> to vector<16xf32>
          %parallel_loop3A_181 = arith.index_cast %parallel_loop3A_176 : i32 to index
          %parallel_loop3A_182 = arith.constant 0 : index
          %parallel_loop3A_183 = tpu.vector_load %arg33[%parallel_loop3A_181, %parallel_loop3A_182] {strides = array<i32>} : memref<80x64xf32, #tpu.memory_space<vmem>>, vector<1x16xf32>,
          %parallel_loop3A_184 = vector.shape_cast %parallel_loop3A_183 : vector<1x16xf32> to vector<16xf32>
          %parallel_loop3A_185 = arith.addf %parallel_loop3A_180, %parallel_loop3A_184 : vector<16xf32>
          %parallel_loop3A_186 = arith.constant 0.000000e+00 : f32
          %parallel_loop3A_187 = vector.broadcast %parallel_loop3A_186 : f32 to vector<16xf32>
          %parallel_loop3A_188 = arith.maximumf %parallel_loop3A_185, %parallel_loop3A_187 : vector<16xf32>
          %parallel_loop3A_189 = arith.index_cast %parallel_loop3A_176 : i32 to index
          %parallel_loop3A_190 = arith.constant 0 : index
          %parallel_loop3A_191 = tpu.vector_load %arg29[%parallel_loop3A_189, %parallel_loop3A_190] {strides = array<i32>} : memref<80x64xf32, #tpu.memory_space<vmem>>, vector<1x16xf32>,
          %parallel_loop3A_192 = vector.shape_cast %parallel_loop3A_191 : vector<1x16xf32> to vector<16xf32>
          %parallel_loop3A_193 = vector.shape_cast %parallel_loop3A_188 : vector<16xf32> to vector<1x16xf32>
          tpu.vector_store %arg29[%parallel_loop3A_189, %parallel_loop3A_190], %parallel_loop3A_193 {strides = array<i32>} : memref<80x64xf32, #tpu.memory_space<vmem>>, vector<1x16xf32>,
          %parallel_loop3A_194 = arith.index_cast %parallel_loop3A_176 : i32 to index
          %parallel_loop3A_195 = arith.constant 16 : index
          %parallel_loop3A_196 = tpu.vector_load %arg29[%parallel_loop3A_194, %parallel_loop3A_195] {strides = array<i32>} : memref<80x64xf32, #tpu.memory_space<vmem>>, vector<1x16xf32>,
          %parallel_loop3A_197 = vector.shape_cast %parallel_loop3A_196 : vector<1x16xf32> to vector<16xf32>
          %parallel_loop3A_198 = arith.index_cast %parallel_loop3A_176 : i32 to index
          %parallel_loop3A_199 = arith.constant 16 : index
          %parallel_loop3A_200 = tpu.vector_load %arg33[%parallel_loop3A_198, %parallel_loop3A_199] {strides = array<i32>} : memref<80x64xf32, #tpu.memory_space<vmem>>, vector<1x16xf32>,
          %parallel_loop3A_201 = vector.shape_cast %parallel_loop3A_200 : vector<1x16xf32> to vector<16xf32>
          %parallel_loop3A_202 = arith.addf %parallel_loop3A_197, %parallel_loop3A_201 : vector<16xf32>
          %parallel_loop3A_203 = arith.constant 0.000000e+00 : f32
          %parallel_loop3A_204 = vector.broadcast %parallel_loop3A_203 : f32 to vector<16xf32>
          %parallel_loop3A_205 = arith.maximumf %parallel_loop3A_202, %parallel_loop3A_204 : vector<16xf32>
          %parallel_loop3A_206 = arith.index_cast %parallel_loop3A_176 : i32 to index
          %parallel_loop3A_207 = arith.constant 16 : index
          %parallel_loop3A_208 = tpu.vector_load %arg29[%parallel_loop3A_206, %parallel_loop3A_207] {strides = array<i32>} : memref<80x64xf32, #tpu.memory_space<vmem>>, vector<1x16xf32>,
          %parallel_loop3A_209 = vector.shape_cast %parallel_loop3A_208 : vector<1x16xf32> to vector<16xf32>
          %parallel_loop3A_210 = vector.shape_cast %parallel_loop3A_205 : vector<16xf32> to vector<1x16xf32>
          tpu.vector_store %arg29[%parallel_loop3A_206, %parallel_loop3A_207], %parallel_loop3A_210 {strides = array<i32>} : memref<80x64xf32, #tpu.memory_space<vmem>>, vector<1x16xf32>,
          %parallel_loop3A_211 = arith.index_cast %parallel_loop3A_176 : i32 to index
          %parallel_loop3A_212 = arith.constant 32 : index
          %parallel_loop3A_213 = tpu.vector_load %arg29[%parallel_loop3A_211, %parallel_loop3A_212] {strides = array<i32>} : memref<80x64xf32, #tpu.memory_space<vmem>>, vector<1x16xf32>,
          %parallel_loop3A_214 = vector.shape_cast %parallel_loop3A_213 : vector<1x16xf32> to vector<16xf32>
          %parallel_loop3A_215 = arith.index_cast %parallel_loop3A_176 : i32 to index
          %parallel_loop3A_216 = arith.constant 32 : index
          %parallel_loop3A_217 = tpu.vector_load %arg33[%parallel_loop3A_215, %parallel_loop3A_216] {strides = array<i32>} : memref<80x64xf32, #tpu.memory_space<vmem>>, vector<1x16xf32>,
          %parallel_loop3A_218 = vector.shape_cast %parallel_loop3A_217 : vector<1x16xf32> to vector<16xf32>
          %parallel_loop3A_219 = arith.addf %parallel_loop3A_214, %parallel_loop3A_218 : vector<16xf32>
          %parallel_loop3A_220 = arith.constant 0.000000e+00 : f32
          %parallel_loop3A_221 = vector.broadcast %parallel_loop3A_220 : f32 to vector<16xf32>
          %parallel_loop3A_222 = arith.maximumf %parallel_loop3A_219, %parallel_loop3A_221 : vector<16xf32>
          %parallel_loop3A_223 = arith.index_cast %parallel_loop3A_176 : i32 to index
          %parallel_loop3A_224 = arith.constant 32 : index
          %parallel_loop3A_225 = tpu.vector_load %arg29[%parallel_loop3A_223, %parallel_loop3A_224] {strides = array<i32>} : memref<80x64xf32, #tpu.memory_space<vmem>>, vector<1x16xf32>,
          %parallel_loop3A_226 = vector.shape_cast %parallel_loop3A_225 : vector<1x16xf32> to vector<16xf32>
          %parallel_loop3A_227 = vector.shape_cast %parallel_loop3A_222 : vector<16xf32> to vector<1x16xf32>
          tpu.vector_store %arg29[%parallel_loop3A_223, %parallel_loop3A_224], %parallel_loop3A_227 {strides = array<i32>} : memref<80x64xf32, #tpu.memory_space<vmem>>, vector<1x16xf32>,
          %parallel_loop3A_228 = arith.index_cast %parallel_loop3A_176 : i32 to index
          %parallel_loop3A_229 = arith.constant 48 : index
          %parallel_loop3A_230 = tpu.vector_load %arg29[%parallel_loop3A_228, %parallel_loop3A_229] {strides = array<i32>} : memref<80x64xf32, #tpu.memory_space<vmem>>, vector<1x16xf32>,
          %parallel_loop3A_231 = vector.shape_cast %parallel_loop3A_230 : vector<1x16xf32> to vector<16xf32>
          %parallel_loop3A_232 = arith.index_cast %parallel_loop3A_176 : i32 to index
          %parallel_loop3A_233 = arith.constant 48 : index
          %parallel_loop3A_234 = tpu.vector_load %arg33[%parallel_loop3A_232, %parallel_loop3A_233] {strides = array<i32>} : memref<80x64xf32, #tpu.memory_space<vmem>>, vector<1x16xf32>,
          %parallel_loop3A_235 = vector.shape_cast %parallel_loop3A_234 : vector<1x16xf32> to vector<16xf32>
          %parallel_loop3A_236 = arith.addf %parallel_loop3A_231, %parallel_loop3A_235 : vector<16xf32>
          %parallel_loop3A_237 = arith.constant 0.000000e+00 : f32
          %parallel_loop3A_238 = vector.broadcast %parallel_loop3A_237 : f32 to vector<16xf32>
          %parallel_loop3A_239 = arith.maximumf %parallel_loop3A_236, %parallel_loop3A_238 : vector<16xf32>
          %parallel_loop3A_240 = arith.index_cast %parallel_loop3A_176 : i32 to index
          %parallel_loop3A_241 = arith.constant 48 : index
          %parallel_loop3A_242 = tpu.vector_load %arg29[%parallel_loop3A_240, %parallel_loop3A_241] {strides = array<i32>} : memref<80x64xf32, #tpu.memory_space<vmem>>, vector<1x16xf32>,
          %parallel_loop3A_243 = vector.shape_cast %parallel_loop3A_242 : vector<1x16xf32> to vector<16xf32>
          %parallel_loop3A_244 = vector.shape_cast %parallel_loop3A_239 : vector<16xf32> to vector<1x16xf32>
          tpu.vector_store %arg29[%parallel_loop3A_240, %parallel_loop3A_241], %parallel_loop3A_244 {strides = array<i32>} : memref<80x64xf32, #tpu.memory_space<vmem>>, vector<1x16xf32>,
        } {sc.loop_unroll_factor = 2 : i64, sc.parallel_access}
        %dma_wait3A_170 = arith.constant 0 : i32
        %dma_wait3A_171 = tpu.memref_slice %arg5[%dma_wait3A_170] : memref<320000xi32, #tpu.memory_space<hbm>> -> memref<80xi32, #tpu.memory_space<hbm>>
        %dma_wait3A_172 = arith.constant 0 : i32
        %dma_wait3A_173 = tpu.memref_slice %arg5[%dma_wait3A_172] : memref<320000xi32, #tpu.memory_space<hbm>> -> memref<80xi32, #tpu.memory_space<hbm>>
        tpu.wait_dma2 semaphore(%arg50 : memref<!tpu.dma_semaphore, #tpu.memory_space<semaphore_mem>>) src(%dma_wait3A_173 : memref<80xi32, #tpu.memory_space<hbm>>) dst(%arg25 : memref<80xi32, #tpu.memory_space<vmem>>)
        %dma_start3A = arith.constant 0 : i32
        %dma_start3A_174 = arith.constant 0 : i32
        %dma_start3A_175 = tpu.memref_slice %arg17[%dma_start3A, %dma_start3A_174] : memref<10000x64xf32, #tpu.memory_space<vmem_shared>> -> memref<10000x64xf32, #tpu.memory_space<vmem_shared>>
        tpu.enqueue_indirect_dma source(%arg29 : memref<80x64xf32, #tpu.memory_space<vmem>>) target(%dma_start3A_175 : memref<10000x64xf32, #tpu.memory_space<vmem_shared>>) offsets(%arg25 : memref<80xi32, #tpu.memory_space<vmem>>) semaphore(%arg46 : memref<!tpu.dma_semaphore, #tpu.memory_space<semaphore_mem>>) {add = true}
      } else {
      }
      %eq3A_120 = arith.constant 3 : i32
      %eq3A_121 = arith.cmpi eq, %select_n3A_83, %eq3A_120 : i32
      %convert_element_type3A_122 = arith.extui %eq3A_121 : i1 to i32
      %cond3A_123 = arith.constant 0 : i32
      %cond3A_124 = arith.cmpi ne, %convert_element_type3A_122, %cond3A_123 : i32
      scf.if %cond3A_124 {
        %eq3A_125 = arith.constant 0 : i32
        %eq3A_126 = arith.cmpi eq, %scan3A_72, %eq3A_125 : i32
        %convert_element_type3A_127 = arith.extui %eq3A_126 : i1 to i32
        %cond3A_128 = arith.constant 0 : i32
        %cond3A_129 = arith.cmpi ne, %convert_element_type3A_127, %cond3A_128 : i32
        scf.if %cond3A_129 {
          %add3A_176 = arith.constant 0 : i32
          %add3A_177 = arith.addi %mul3A_43, %add3A_176 : i32
          %dma_start3A_178 = tpu.memref_slice %arg5[%add3A_177] : memref<320000xi32, #tpu.memory_space<hbm>> -> memref<80xi32, #tpu.memory_space<hbm>>
          %dma_start3A_179 = tpu.memref_slice %arg5[%add3A_177] : memref<320000xi32, #tpu.memory_space<hbm>> -> memref<80xi32, #tpu.memory_space<hbm>>
          tpu.enqueue_dma source(%dma_start3A_179 : memref<80xi32, #tpu.memory_space<hbm>>) target(%arg26 : memref<80xi32, #tpu.memory_space<vmem>>) target_semaphore(%arg51 : memref<!tpu.dma_semaphore, #tpu.memory_space<semaphore_mem>>)
          %add3A_180 = arith.constant 80 : i32
          %add3A_181 = arith.addi %mul3A_43, %add3A_180 : i32
          %dma_start3A_182 = tpu.memref_slice %arg5[%add3A_181] : memref<320000xi32, #tpu.memory_space<hbm>> -> memref<80xi32, #tpu.memory_space<hbm>>
          %dma_start3A_183 = tpu.memref_slice %arg5[%add3A_181] : memref<320000xi32, #tpu.memory_space<hbm>> -> memref<80xi32, #tpu.memory_space<hbm>>
          tpu.enqueue_dma source(%dma_start3A_183 : memref<80xi32, #tpu.memory_space<hbm>>) target(%arg23 : memref<80xi32, #tpu.memory_space<vmem>>) target_semaphore(%arg48 : memref<!tpu.dma_semaphore, #tpu.memory_space<semaphore_mem>>)
          %dma_start3A_184 = arith.constant 0 : i32
          %dma_start3A_185 = tpu.memref_slice %arg20[%dma_start3A_184] : memref<2000xi32, #tpu.memory_space<vmem>> -> memref<80xi32, #tpu.memory_space<vmem>>
          %dma_start3A_186 = arith.constant 0 : i32
          %dma_start3A_187 = arith.constant 0 : i32
          %dma_start3A_188 = tpu.memref_slice %arg18[%dma_start3A_186, %dma_start3A_187] : memref<10000x64xf32, #tpu.memory_space<vmem_shared>> -> memref<10000x64xf32, #tpu.memory_space<vmem_shared>>
          tpu.enqueue_indirect_dma source(%dma_start3A_188 : memref<10000x64xf32, #tpu.memory_space<vmem_shared>>) target(%arg30 : memref<80x64xf32, #tpu.memory_space<vmem>>) offsets(%dma_start3A_185 : memref<80xi32, #tpu.memory_space<vmem>>) semaphore(%arg39 : memref<!tpu.dma_semaphore, #tpu.memory_space<semaphore_mem>>)
          %dma_start3A_189 = arith.constant 0 : i32
          %dma_start3A_190 = tpu.memref_slice %arg21[%dma_start3A_189] : memref<2000xi32, #tpu.memory_space<vmem>> -> memref<80xi32, #tpu.memory_space<vmem>>
          %dma_start3A_191 = arith.constant 0 : i32
          %dma_start3A_192 = arith.constant 0 : i32
          %dma_start3A_193 = tpu.memref_slice %arg19[%dma_start3A_191, %dma_start3A_192] : memref<64x64xf32, #tpu.memory_space<vmem_shared>> -> memref<64x64xf32, #tpu.memory_space<vmem_shared>>
          tpu.enqueue_indirect_dma source(%dma_start3A_193 : memref<64x64xf32, #tpu.memory_space<vmem_shared>>) target(%arg34 : memref<80x64xf32, #tpu.memory_space<vmem>>) offsets(%dma_start3A_190 : memref<80xi32, #tpu.memory_space<vmem>>) semaphore(%arg43 : memref<!tpu.dma_semaphore, #tpu.memory_space<semaphore_mem>>)
          %dma_start3A_194 = arith.constant 80 : i32
          %dma_start3A_195 = tpu.memref_slice %arg20[%dma_start3A_194] : memref<2000xi32, #tpu.memory_space<vmem>> -> memref<80xi32, #tpu.memory_space<vmem>>
          %dma_start3A_196 = arith.constant 0 : i32
          %dma_start3A_197 = arith.constant 0 : i32
          %dma_start3A_198 = tpu.memref_slice %arg18[%dma_start3A_196, %dma_start3A_197] : memref<10000x64xf32, #tpu.memory_space<vmem_shared>> -> memref<10000x64xf32, #tpu.memory_space<vmem_shared>>
          tpu.enqueue_indirect_dma source(%dma_start3A_198 : memref<10000x64xf32, #tpu.memory_space<vmem_shared>>) target(%arg27 : memref<80x64xf32, #tpu.memory_space<vmem>>) offsets(%dma_start3A_195 : memref<80xi32, #tpu.memory_space<vmem>>) semaphore(%arg36 : memref<!tpu.dma_semaphore, #tpu.memory_space<semaphore_mem>>)
          %dma_start3A_199 = arith.constant 80 : i32
          %dma_start3A_200 = tpu.memref_slice %arg21[%dma_start3A_199] : memref<2000xi32, #tpu.memory_space<vmem>> -> memref<80xi32, #tpu.memory_space<vmem>>
          %dma_start3A_201 = arith.constant 0 : i32
          %dma_start3A_202 = arith.constant 0 : i32
          %dma_start3A_203 = tpu.memref_slice %arg19[%dma_start3A_201, %dma_start3A_202] : memref<64x64xf32, #tpu.memory_space<vmem_shared>> -> memref<64x64xf32, #tpu.memory_space<vmem_shared>>
          tpu.enqueue_indirect_dma source(%dma_start3A_203 : memref<64x64xf32, #tpu.memory_space<vmem_shared>>) target(%arg31 : memref<80x64xf32, #tpu.memory_space<vmem>>) offsets(%dma_start3A_200 : memref<80xi32, #tpu.memory_space<vmem>>) semaphore(%arg40 : memref<!tpu.dma_semaphore, #tpu.memory_space<semaphore_mem>>)
        } else {
        }
        %gt3A = arith.constant 0 : i32
        %gt3A_130 = arith.cmpi sgt, %scan3A_72, %gt3A : i32
        %jit3A_131 = arith.constant 25 : i32
        %eq3A_132 = arith.constant 0 : i32
        %eq3A_133 = arith.cmpi eq, %jit3A_131, %eq3A_132 : i32
        %jit3A_134 = arith.constant 1 : i32
        %select_n3A_135 = arith.select %eq3A_133, %jit3A_134, %jit3A_131 : i32
        %rem3A_136 = arith.remsi %scan3A_72, %select_n3A_135 : i32
        %ne3A_137 = arith.constant 0 : i32
        %ne3A_138 = arith.cmpi ne, %rem3A_136, %ne3A_137 : i32
        %lt3A_139 = arith.constant 0 : i32
        %lt3A_140 = arith.cmpi slt, %rem3A_136, %lt3A_139 : i32
        %lt3A_141 = arith.constant 0 : i32
        %lt3A_142 = arith.cmpi slt, %select_n3A_135, %lt3A_141 : i32
        %ne3A_143 = arith.xori %lt3A_140, %lt3A_142 : i1
        %and3A_144 = arith.andi %ne3A_143, %ne3A_138 : i1
        %add3A_145 = arith.addi %rem3A_136, %select_n3A_135 : i32
        %select_n3A_146 = arith.select %and3A_144, %add3A_145, %rem3A_136 : i32
        %eq3A_147 = arith.constant 0 : i32
        %eq3A_148 = arith.cmpi eq, %select_n3A_146, %eq3A_147 : i32
        %and3A_149 = arith.andi %gt3A_130, %eq3A_148 : i1
        %convert_element_type3A_150 = arith.extui %and3A_149 : i1 to i32
        %cond3A_151 = arith.constant 0 : i32
        %cond3A_152 = arith.cmpi ne, %convert_element_type3A_150, %cond3A_151 : i32
        scf.if %cond3A_152 {
          %jit3A_176 = arith.constant 25 : i32
          %eq3A_177 = arith.constant 0 : i32
          %eq3A_178 = arith.cmpi eq, %jit3A_176, %eq3A_177 : i32
          %jit3A_179 = arith.constant 1 : i32
          %select_n3A_180 = arith.select %eq3A_178, %jit3A_179, %jit3A_176 : i32
          %rem3A_181 = arith.remsi %scan3A_72, %select_n3A_180 : i32
          %ne3A_182 = arith.constant 0 : i32
          %ne3A_183 = arith.cmpi ne, %rem3A_181, %ne3A_182 : i32
          %lt3A_184 = arith.constant 0 : i32
          %lt3A_185 = arith.cmpi slt, %rem3A_181, %lt3A_184 : i32
          %lt3A_186 = arith.constant 0 : i32
          %lt3A_187 = arith.cmpi slt, %select_n3A_180, %lt3A_186 : i32
          %ne3A_188 = arith.xori %lt3A_185, %lt3A_187 : i1
          %and3A_189 = arith.andi %ne3A_188, %ne3A_183 : i1
          %add3A_190 = arith.addi %rem3A_181, %select_n3A_180 : i32
          %select_n3A_191 = arith.select %and3A_189, %add3A_190, %rem3A_181 : i32
          %mul3A_192 = arith.constant 80 : i32
          %mul3A_193 = arith.muli %select_n3A_191, %mul3A_192 : i32
          %dma_start3A_194 = tpu.memref_slice %arg20[%mul3A_193] : memref<2000xi32, #tpu.memory_space<vmem>> -> memref<80xi32, #tpu.memory_space<vmem>>
          %dma_start3A_195 = arith.constant 0 : i32
          %dma_start3A_196 = arith.constant 0 : i32
          %dma_start3A_197 = tpu.memref_slice %arg18[%dma_start3A_195, %dma_start3A_196] : memref<10000x64xf32, #tpu.memory_space<vmem_shared>> -> memref<10000x64xf32, #tpu.memory_space<vmem_shared>>
          tpu.enqueue_indirect_dma source(%dma_start3A_197 : memref<10000x64xf32, #tpu.memory_space<vmem_shared>>) target(%arg30 : memref<80x64xf32, #tpu.memory_space<vmem>>) offsets(%dma_start3A_194 : memref<80xi32, #tpu.memory_space<vmem>>) semaphore(%arg39 : memref<!tpu.dma_semaphore, #tpu.memory_space<semaphore_mem>>)
          %dma_start3A_198 = tpu.memref_slice %arg21[%mul3A_193] : memref<2000xi32, #tpu.memory_space<vmem>> -> memref<80xi32, #tpu.memory_space<vmem>>
          %dma_start3A_199 = arith.constant 0 : i32
          %dma_start3A_200 = arith.constant 0 : i32
          %dma_start3A_201 = tpu.memref_slice %arg19[%dma_start3A_199, %dma_start3A_200] : memref<64x64xf32, #tpu.memory_space<vmem_shared>> -> memref<64x64xf32, #tpu.memory_space<vmem_shared>>
          tpu.enqueue_indirect_dma source(%dma_start3A_201 : memref<64x64xf32, #tpu.memory_space<vmem_shared>>) target(%arg34 : memref<80x64xf32, #tpu.memory_space<vmem>>) offsets(%dma_start3A_198 : memref<80xi32, #tpu.memory_space<vmem>>) semaphore(%arg43 : memref<!tpu.dma_semaphore, #tpu.memory_space<semaphore_mem>>)
          %add3A_202 = arith.constant 1 : i32
          %add3A_203 = arith.addi %scan3A_72, %add3A_202 : i32
          %jit3A_204 = arith.constant 25 : i32
          %eq3A_205 = arith.constant 0 : i32
          %eq3A_206 = arith.cmpi eq, %jit3A_204, %eq3A_205 : i32
          %jit3A_207 = arith.constant 1 : i32
          %select_n3A_208 = arith.select %eq3A_206, %jit3A_207, %jit3A_204 : i32
          %rem3A_209 = arith.remsi %add3A_203, %select_n3A_208 : i32
          %ne3A_210 = arith.constant 0 : i32
          %ne3A_211 = arith.cmpi ne, %rem3A_209, %ne3A_210 : i32
          %lt3A_212 = arith.constant 0 : i32
          %lt3A_213 = arith.cmpi slt, %rem3A_209, %lt3A_212 : i32
          %lt3A_214 = arith.constant 0 : i32
          %lt3A_215 = arith.cmpi slt, %select_n3A_208, %lt3A_214 : i32
          %ne3A_216 = arith.xori %lt3A_213, %lt3A_215 : i1
          %and3A_217 = arith.andi %ne3A_216, %ne3A_211 : i1
          %add3A_218 = arith.addi %rem3A_209, %select_n3A_208 : i32
          %select_n3A_219 = arith.select %and3A_217, %add3A_218, %rem3A_209 : i32
          %mul3A_220 = arith.constant 80 : i32
          %mul3A_221 = arith.muli %select_n3A_219, %mul3A_220 : i32
          %dma_start3A_222 = tpu.memref_slice %arg20[%mul3A_221] : memref<2000xi32, #tpu.memory_space<vmem>> -> memref<80xi32, #tpu.memory_space<vmem>>
          %dma_start3A_223 = arith.constant 0 : i32
          %dma_start3A_224 = arith.constant 0 : i32
          %dma_start3A_225 = tpu.memref_slice %arg18[%dma_start3A_223, %dma_start3A_224] : memref<10000x64xf32, #tpu.memory_space<vmem_shared>> -> memref<10000x64xf32, #tpu.memory_space<vmem_shared>>
          tpu.enqueue_indirect_dma source(%dma_start3A_225 : memref<10000x64xf32, #tpu.memory_space<vmem_shared>>) target(%arg27 : memref<80x64xf32, #tpu.memory_space<vmem>>) offsets(%dma_start3A_222 : memref<80xi32, #tpu.memory_space<vmem>>) semaphore(%arg36 : memref<!tpu.dma_semaphore, #tpu.memory_space<semaphore_mem>>)
          %dma_start3A_226 = tpu.memref_slice %arg21[%mul3A_221] : memref<2000xi32, #tpu.memory_space<vmem>> -> memref<80xi32, #tpu.memory_space<vmem>>
          %dma_start3A_227 = arith.constant 0 : i32
          %dma_start3A_228 = arith.constant 0 : i32
          %dma_start3A_229 = tpu.memref_slice %arg19[%dma_start3A_227, %dma_start3A_228] : memref<64x64xf32, #tpu.memory_space<vmem_shared>> -> memref<64x64xf32, #tpu.memory_space<vmem_shared>>
          tpu.enqueue_indirect_dma source(%dma_start3A_229 : memref<64x64xf32, #tpu.memory_space<vmem_shared>>) target(%arg31 : memref<80x64xf32, #tpu.memory_space<vmem>>) offsets(%dma_start3A_226 : memref<80xi32, #tpu.memory_space<vmem>>) semaphore(%arg40 : memref<!tpu.dma_semaphore, #tpu.memory_space<semaphore_mem>>)
        } else {
        }
        %lt3A_153 = arith.constant 248 : i32
        %lt3A_154 = arith.cmpi slt, %scan3A_72, %lt3A_153 : i32
        %convert_element_type3A_155 = arith.extui %lt3A_154 : i1 to i32
        %cond3A_156 = arith.constant 0 : i32
        %cond3A_157 = arith.cmpi ne, %convert_element_type3A_155, %cond3A_156 : i32
        scf.if %cond3A_157 {
          %ge3A = arith.constant 2 : i32
          %ge3A_176 = arith.cmpi sge, %scan3A_72, %ge3A : i32
          %convert_element_type3A_177 = arith.extui %ge3A_176 : i1 to i32
          %cond3A_178 = arith.constant 0 : i32
          %cond3A_179 = arith.cmpi ne, %convert_element_type3A_177, %cond3A_178 : i32
          scf.if %cond3A_179 {
            %dma_wait3A_210 = arith.constant 0 : i32
            %dma_wait3A_211 = arith.constant 0 : i32
            %dma_wait3A_212 = tpu.memref_slice %arg17[%dma_wait3A_210, %dma_wait3A_211] : memref<10000x64xf32, #tpu.memory_space<vmem_shared>> -> memref<10000x64xf32, #tpu.memory_space<vmem_shared>>
            tpu.wait_indirect_dma semaphore(%arg45 : memref<!tpu.dma_semaphore, #tpu.memory_space<semaphore_mem>>) src(%arg28 : memref<80x64xf32, #tpu.memory_space<vmem>>) dst(%dma_wait3A_212 : memref<10000x64xf32, #tpu.memory_space<vmem_shared>>)
          } else {
          }
          %add3A_180 = arith.constant 2 : i32
          %add3A_181 = arith.addi %scan3A_72, %add3A_180 : i32
          %mul3A_182 = arith.constant 80 : i32
          %mul3A_183 = arith.muli %add3A_181, %mul3A_182 : i32
          %add3A_184 = arith.addi %mul3A_43, %mul3A_183 : i32
          %dma_start3A_185 = tpu.memref_slice %arg5[%add3A_184] : memref<320000xi32, #tpu.memory_space<hbm>> -> memref<80xi32, #tpu.memory_space<hbm>>
          %dma_start3A_186 = tpu.memref_slice %arg5[%add3A_184] : memref<320000xi32, #tpu.memory_space<hbm>> -> memref<80xi32, #tpu.memory_space<hbm>>
          tpu.enqueue_dma source(%dma_start3A_186 : memref<80xi32, #tpu.memory_space<hbm>>) target(%arg24 : memref<80xi32, #tpu.memory_space<vmem>>) target_semaphore(%arg49 : memref<!tpu.dma_semaphore, #tpu.memory_space<semaphore_mem>>)
          %add3A_187 = arith.constant 2 : i32
          %add3A_188 = arith.addi %scan3A_72, %add3A_187 : i32
          %jit3A_189 = arith.constant 25 : i32
          %eq3A_190 = arith.constant 0 : i32
          %eq3A_191 = arith.cmpi eq, %jit3A_189, %eq3A_190 : i32
          %jit3A_192 = arith.constant 1 : i32
          %select_n3A_193 = arith.select %eq3A_191, %jit3A_192, %jit3A_189 : i32
          %rem3A_194 = arith.remsi %add3A_188, %select_n3A_193 : i32
          %ne3A_195 = arith.constant 0 : i32
          %ne3A_196 = arith.cmpi ne, %rem3A_194, %ne3A_195 : i32
          %lt3A_197 = arith.constant 0 : i32
          %lt3A_198 = arith.cmpi slt, %rem3A_194, %lt3A_197 : i32
          %lt3A_199 = arith.constant 0 : i32
          %lt3A_200 = arith.cmpi slt, %select_n3A_193, %lt3A_199 : i32
          %ne3A_201 = arith.xori %lt3A_198, %lt3A_200 : i1
          %and3A_202 = arith.andi %ne3A_201, %ne3A_196 : i1
          %add3A_203 = arith.addi %rem3A_194, %select_n3A_193 : i32
          %select_n3A_204 = arith.select %and3A_202, %add3A_203, %rem3A_194 : i32
          %ge3A_205 = arith.constant 2 : i32
          %ge3A_206 = arith.cmpi sge, %select_n3A_204, %ge3A_205 : i32
          %convert_element_type3A_207 = arith.extui %ge3A_206 : i1 to i32
          %cond3A_208 = arith.constant 0 : i32
          %cond3A_209 = arith.cmpi ne, %convert_element_type3A_207, %cond3A_208 : i32
          scf.if %cond3A_209 {
            %add3A_210 = arith.constant 2 : i32
            %add3A_211 = arith.addi %scan3A_72, %add3A_210 : i32
            %jit3A_212 = arith.constant 25 : i32
            %eq3A_213 = arith.constant 0 : i32
            %eq3A_214 = arith.cmpi eq, %jit3A_212, %eq3A_213 : i32
            %jit3A_215 = arith.constant 1 : i32
            %select_n3A_216 = arith.select %eq3A_214, %jit3A_215, %jit3A_212 : i32
            %rem3A_217 = arith.remsi %add3A_211, %select_n3A_216 : i32
            %ne3A_218 = arith.constant 0 : i32
            %ne3A_219 = arith.cmpi ne, %rem3A_217, %ne3A_218 : i32
            %lt3A_220 = arith.constant 0 : i32
            %lt3A_221 = arith.cmpi slt, %rem3A_217, %lt3A_220 : i32
            %lt3A_222 = arith.constant 0 : i32
            %lt3A_223 = arith.cmpi slt, %select_n3A_216, %lt3A_222 : i32
            %ne3A_224 = arith.xori %lt3A_221, %lt3A_223 : i1
            %and3A_225 = arith.andi %ne3A_224, %ne3A_219 : i1
            %add3A_226 = arith.addi %rem3A_217, %select_n3A_216 : i32
            %select_n3A_227 = arith.select %and3A_225, %add3A_226, %rem3A_217 : i32
            %mul3A_228 = arith.constant 80 : i32
            %mul3A_229 = arith.muli %select_n3A_227, %mul3A_228 : i32
            %dma_start3A_230 = tpu.memref_slice %arg20[%mul3A_229] : memref<2000xi32, #tpu.memory_space<vmem>> -> memref<80xi32, #tpu.memory_space<vmem>>
            %dma_start3A_231 = arith.constant 0 : i32
            %dma_start3A_232 = arith.constant 0 : i32
            %dma_start3A_233 = tpu.memref_slice %arg18[%dma_start3A_231, %dma_start3A_232] : memref<10000x64xf32, #tpu.memory_space<vmem_shared>> -> memref<10000x64xf32, #tpu.memory_space<vmem_shared>>
            tpu.enqueue_indirect_dma source(%dma_start3A_233 : memref<10000x64xf32, #tpu.memory_space<vmem_shared>>) target(%arg28 : memref<80x64xf32, #tpu.memory_space<vmem>>) offsets(%dma_start3A_230 : memref<80xi32, #tpu.memory_space<vmem>>) semaphore(%arg37 : memref<!tpu.dma_semaphore, #tpu.memory_space<semaphore_mem>>)
            %dma_start3A_234 = tpu.memref_slice %arg21[%mul3A_229] : memref<2000xi32, #tpu.memory_space<vmem>> -> memref<80xi32, #tpu.memory_space<vmem>>
            %dma_start3A_235 = arith.constant 0 : i32
            %dma_start3A_236 = arith.constant 0 : i32
            %dma_start3A_237 = tpu.memref_slice %arg19[%dma_start3A_235, %dma_start3A_236] : memref<64x64xf32, #tpu.memory_space<vmem_shared>> -> memref<64x64xf32, #tpu.memory_space<vmem_shared>>
            tpu.enqueue_indirect_dma source(%dma_start3A_237 : memref<64x64xf32, #tpu.memory_space<vmem_shared>>) target(%arg32 : memref<80x64xf32, #tpu.memory_space<vmem>>) offsets(%dma_start3A_234 : memref<80xi32, #tpu.memory_space<vmem>>) semaphore(%arg41 : memref<!tpu.dma_semaphore, #tpu.memory_space<semaphore_mem>>)
          } else {
          }
        } else {
        }
        %dma_wait3A_158 = arith.constant 0 : i32
        %dma_wait3A_159 = tpu.memref_slice %arg20[%dma_wait3A_158] : memref<2000xi32, #tpu.memory_space<vmem>> -> memref<80xi32, #tpu.memory_space<vmem>>
        %dma_wait3A_160 = arith.constant 0 : i32
        %dma_wait3A_161 = arith.constant 0 : i32
        %dma_wait3A_162 = tpu.memref_slice %arg18[%dma_wait3A_160, %dma_wait3A_161] : memref<10000x64xf32, #tpu.memory_space<vmem_shared>> -> memref<10000x64xf32, #tpu.memory_space<vmem_shared>>
        tpu.wait_indirect_dma semaphore(%arg39 : memref<!tpu.dma_semaphore, #tpu.memory_space<semaphore_mem>>) src(%dma_wait3A_162 : memref<10000x64xf32, #tpu.memory_space<vmem_shared>>) dst(%arg30 : memref<80x64xf32, #tpu.memory_space<vmem>>)
        %dma_wait3A_163 = arith.constant 0 : i32
        %dma_wait3A_164 = tpu.memref_slice %arg21[%dma_wait3A_163] : memref<2000xi32, #tpu.memory_space<vmem>> -> memref<80xi32, #tpu.memory_space<vmem>>
        %dma_wait3A_165 = arith.constant 0 : i32
        %dma_wait3A_166 = arith.constant 0 : i32
        %dma_wait3A_167 = tpu.memref_slice %arg19[%dma_wait3A_165, %dma_wait3A_166] : memref<64x64xf32, #tpu.memory_space<vmem_shared>> -> memref<64x64xf32, #tpu.memory_space<vmem_shared>>
        tpu.wait_indirect_dma semaphore(%arg43 : memref<!tpu.dma_semaphore, #tpu.memory_space<semaphore_mem>>) src(%dma_wait3A_167 : memref<64x64xf32, #tpu.memory_space<vmem_shared>>) dst(%arg34 : memref<80x64xf32, #tpu.memory_space<vmem>>)
        %parallel_loop3A = arith.constant 0 : i32
        %parallel_loop3A_168 = arith.constant 80 : i32
        %parallel_loop3A_169 = arith.constant 1 : i32
        scf.for %parallel_loop3A_176 = %parallel_loop3A to %parallel_loop3A_168 step %parallel_loop3A_169  : i32 {
          %parallel_loop3A_177 = arith.index_cast %parallel_loop3A_176 : i32 to index
          %parallel_loop3A_178 = arith.constant 0 : index
          %parallel_loop3A_179 = tpu.vector_load %arg30[%parallel_loop3A_177, %parallel_loop3A_178] {strides = array<i32>} : memref<80x64xf32, #tpu.memory_space<vmem>>, vector<1x16xf32>,
          %parallel_loop3A_180 = vector.shape_cast %parallel_loop3A_179 : vector<1x16xf32> to vector<16xf32>
          %parallel_loop3A_181 = arith.index_cast %parallel_loop3A_176 : i32 to index
          %parallel_loop3A_182 = arith.constant 0 : index
          %parallel_loop3A_183 = tpu.vector_load %arg34[%parallel_loop3A_181, %parallel_loop3A_182] {strides = array<i32>} : memref<80x64xf32, #tpu.memory_space<vmem>>, vector<1x16xf32>,
          %parallel_loop3A_184 = vector.shape_cast %parallel_loop3A_183 : vector<1x16xf32> to vector<16xf32>
          %parallel_loop3A_185 = arith.addf %parallel_loop3A_180, %parallel_loop3A_184 : vector<16xf32>
          %parallel_loop3A_186 = arith.constant 0.000000e+00 : f32
          %parallel_loop3A_187 = vector.broadcast %parallel_loop3A_186 : f32 to vector<16xf32>
          %parallel_loop3A_188 = arith.maximumf %parallel_loop3A_185, %parallel_loop3A_187 : vector<16xf32>
          %parallel_loop3A_189 = arith.index_cast %parallel_loop3A_176 : i32 to index
          %parallel_loop3A_190 = arith.constant 0 : index
          %parallel_loop3A_191 = tpu.vector_load %arg30[%parallel_loop3A_189, %parallel_loop3A_190] {strides = array<i32>} : memref<80x64xf32, #tpu.memory_space<vmem>>, vector<1x16xf32>,
          %parallel_loop3A_192 = vector.shape_cast %parallel_loop3A_191 : vector<1x16xf32> to vector<16xf32>
          %parallel_loop3A_193 = vector.shape_cast %parallel_loop3A_188 : vector<16xf32> to vector<1x16xf32>
          tpu.vector_store %arg30[%parallel_loop3A_189, %parallel_loop3A_190], %parallel_loop3A_193 {strides = array<i32>} : memref<80x64xf32, #tpu.memory_space<vmem>>, vector<1x16xf32>,
          %parallel_loop3A_194 = arith.index_cast %parallel_loop3A_176 : i32 to index
          %parallel_loop3A_195 = arith.constant 16 : index
          %parallel_loop3A_196 = tpu.vector_load %arg30[%parallel_loop3A_194, %parallel_loop3A_195] {strides = array<i32>} : memref<80x64xf32, #tpu.memory_space<vmem>>, vector<1x16xf32>,
          %parallel_loop3A_197 = vector.shape_cast %parallel_loop3A_196 : vector<1x16xf32> to vector<16xf32>
          %parallel_loop3A_198 = arith.index_cast %parallel_loop3A_176 : i32 to index
          %parallel_loop3A_199 = arith.constant 16 : index
          %parallel_loop3A_200 = tpu.vector_load %arg34[%parallel_loop3A_198, %parallel_loop3A_199] {strides = array<i32>} : memref<80x64xf32, #tpu.memory_space<vmem>>, vector<1x16xf32>,
          %parallel_loop3A_201 = vector.shape_cast %parallel_loop3A_200 : vector<1x16xf32> to vector<16xf32>
          %parallel_loop3A_202 = arith.addf %parallel_loop3A_197, %parallel_loop3A_201 : vector<16xf32>
          %parallel_loop3A_203 = arith.constant 0.000000e+00 : f32
          %parallel_loop3A_204 = vector.broadcast %parallel_loop3A_203 : f32 to vector<16xf32>
          %parallel_loop3A_205 = arith.maximumf %parallel_loop3A_202, %parallel_loop3A_204 : vector<16xf32>
          %parallel_loop3A_206 = arith.index_cast %parallel_loop3A_176 : i32 to index
          %parallel_loop3A_207 = arith.constant 16 : index
          %parallel_loop3A_208 = tpu.vector_load %arg30[%parallel_loop3A_206, %parallel_loop3A_207] {strides = array<i32>} : memref<80x64xf32, #tpu.memory_space<vmem>>, vector<1x16xf32>,
          %parallel_loop3A_209 = vector.shape_cast %parallel_loop3A_208 : vector<1x16xf32> to vector<16xf32>
          %parallel_loop3A_210 = vector.shape_cast %parallel_loop3A_205 : vector<16xf32> to vector<1x16xf32>
          tpu.vector_store %arg30[%parallel_loop3A_206, %parallel_loop3A_207], %parallel_loop3A_210 {strides = array<i32>} : memref<80x64xf32, #tpu.memory_space<vmem>>, vector<1x16xf32>,
          %parallel_loop3A_211 = arith.index_cast %parallel_loop3A_176 : i32 to index
          %parallel_loop3A_212 = arith.constant 32 : index
          %parallel_loop3A_213 = tpu.vector_load %arg30[%parallel_loop3A_211, %parallel_loop3A_212] {strides = array<i32>} : memref<80x64xf32, #tpu.memory_space<vmem>>, vector<1x16xf32>,
          %parallel_loop3A_214 = vector.shape_cast %parallel_loop3A_213 : vector<1x16xf32> to vector<16xf32>
          %parallel_loop3A_215 = arith.index_cast %parallel_loop3A_176 : i32 to index
          %parallel_loop3A_216 = arith.constant 32 : index
          %parallel_loop3A_217 = tpu.vector_load %arg34[%parallel_loop3A_215, %parallel_loop3A_216] {strides = array<i32>} : memref<80x64xf32, #tpu.memory_space<vmem>>, vector<1x16xf32>,
          %parallel_loop3A_218 = vector.shape_cast %parallel_loop3A_217 : vector<1x16xf32> to vector<16xf32>
          %parallel_loop3A_219 = arith.addf %parallel_loop3A_214, %parallel_loop3A_218 : vector<16xf32>
          %parallel_loop3A_220 = arith.constant 0.000000e+00 : f32
          %parallel_loop3A_221 = vector.broadcast %parallel_loop3A_220 : f32 to vector<16xf32>
          %parallel_loop3A_222 = arith.maximumf %parallel_loop3A_219, %parallel_loop3A_221 : vector<16xf32>
          %parallel_loop3A_223 = arith.index_cast %parallel_loop3A_176 : i32 to index
          %parallel_loop3A_224 = arith.constant 32 : index
          %parallel_loop3A_225 = tpu.vector_load %arg30[%parallel_loop3A_223, %parallel_loop3A_224] {strides = array<i32>} : memref<80x64xf32, #tpu.memory_space<vmem>>, vector<1x16xf32>,
          %parallel_loop3A_226 = vector.shape_cast %parallel_loop3A_225 : vector<1x16xf32> to vector<16xf32>
          %parallel_loop3A_227 = vector.shape_cast %parallel_loop3A_222 : vector<16xf32> to vector<1x16xf32>
          tpu.vector_store %arg30[%parallel_loop3A_223, %parallel_loop3A_224], %parallel_loop3A_227 {strides = array<i32>} : memref<80x64xf32, #tpu.memory_space<vmem>>, vector<1x16xf32>,
          %parallel_loop3A_228 = arith.index_cast %parallel_loop3A_176 : i32 to index
          %parallel_loop3A_229 = arith.constant 48 : index
          %parallel_loop3A_230 = tpu.vector_load %arg30[%parallel_loop3A_228, %parallel_loop3A_229] {strides = array<i32>} : memref<80x64xf32, #tpu.memory_space<vmem>>, vector<1x16xf32>,
          %parallel_loop3A_231 = vector.shape_cast %parallel_loop3A_230 : vector<1x16xf32> to vector<16xf32>
          %parallel_loop3A_232 = arith.index_cast %parallel_loop3A_176 : i32 to index
          %parallel_loop3A_233 = arith.constant 48 : index
          %parallel_loop3A_234 = tpu.vector_load %arg34[%parallel_loop3A_232, %parallel_loop3A_233] {strides = array<i32>} : memref<80x64xf32, #tpu.memory_space<vmem>>, vector<1x16xf32>,
          %parallel_loop3A_235 = vector.shape_cast %parallel_loop3A_234 : vector<1x16xf32> to vector<16xf32>
          %parallel_loop3A_236 = arith.addf %parallel_loop3A_231, %parallel_loop3A_235 : vector<16xf32>
          %parallel_loop3A_237 = arith.constant 0.000000e+00 : f32
          %parallel_loop3A_238 = vector.broadcast %parallel_loop3A_237 : f32 to vector<16xf32>
          %parallel_loop3A_239 = arith.maximumf %parallel_loop3A_236, %parallel_loop3A_238 : vector<16xf32>
          %parallel_loop3A_240 = arith.index_cast %parallel_loop3A_176 : i32 to index
          %parallel_loop3A_241 = arith.constant 48 : index
          %parallel_loop3A_242 = tpu.vector_load %arg30[%parallel_loop3A_240, %parallel_loop3A_241] {strides = array<i32>} : memref<80x64xf32, #tpu.memory_space<vmem>>, vector<1x16xf32>,
          %parallel_loop3A_243 = vector.shape_cast %parallel_loop3A_242 : vector<1x16xf32> to vector<16xf32>
          %parallel_loop3A_244 = vector.shape_cast %parallel_loop3A_239 : vector<16xf32> to vector<1x16xf32>
          tpu.vector_store %arg30[%parallel_loop3A_240, %parallel_loop3A_241], %parallel_loop3A_244 {strides = array<i32>} : memref<80x64xf32, #tpu.memory_space<vmem>>, vector<1x16xf32>,
        } {sc.loop_unroll_factor = 2 : i64, sc.parallel_access}
        %dma_wait3A_170 = arith.constant 0 : i32
        %dma_wait3A_171 = tpu.memref_slice %arg5[%dma_wait3A_170] : memref<320000xi32, #tpu.memory_space<hbm>> -> memref<80xi32, #tpu.memory_space<hbm>>
        %dma_wait3A_172 = arith.constant 0 : i32
        %dma_wait3A_173 = tpu.memref_slice %arg5[%dma_wait3A_172] : memref<320000xi32, #tpu.memory_space<hbm>> -> memref<80xi32, #tpu.memory_space<hbm>>
        tpu.wait_dma2 semaphore(%arg51 : memref<!tpu.dma_semaphore, #tpu.memory_space<semaphore_mem>>) src(%dma_wait3A_173 : memref<80xi32, #tpu.memory_space<hbm>>) dst(%arg26 : memref<80xi32, #tpu.memory_space<vmem>>)
        %dma_start3A = arith.constant 0 : i32
        %dma_start3A_174 = arith.constant 0 : i32
        %dma_start3A_175 = tpu.memref_slice %arg17[%dma_start3A, %dma_start3A_174] : memref<10000x64xf32, #tpu.memory_space<vmem_shared>> -> memref<10000x64xf32, #tpu.memory_space<vmem_shared>>
        tpu.enqueue_indirect_dma source(%arg30 : memref<80x64xf32, #tpu.memory_space<vmem>>) target(%dma_start3A_175 : memref<10000x64xf32, #tpu.memory_space<vmem_shared>>) offsets(%arg26 : memref<80xi32, #tpu.memory_space<vmem>>) semaphore(%arg47 : memref<!tpu.dma_semaphore, #tpu.memory_space<semaphore_mem>>) {add = true}
      } else {
      }
    }
    %scan3A_49 = arith.constant 250 : i32
    %dma_wait3A = arith.constant 0 : i32
    %dma_wait3A_50 = arith.constant 0 : i32
    %dma_wait3A_51 = tpu.memref_slice %arg17[%dma_wait3A, %dma_wait3A_50] : memref<10000x64xf32, #tpu.memory_space<vmem_shared>> -> memref<10000x64xf32, #tpu.memory_space<vmem_shared>>
    tpu.wait_indirect_dma semaphore(%arg44 : memref<!tpu.dma_semaphore, #tpu.memory_space<semaphore_mem>>) src(%arg27 : memref<80x64xf32, #tpu.memory_space<vmem>>) dst(%dma_wait3A_51 : memref<10000x64xf32, #tpu.memory_space<vmem_shared>>)
    %dma_wait3A_52 = arith.constant 0 : i32
    %dma_wait3A_53 = arith.constant 0 : i32
    %dma_wait3A_54 = tpu.memref_slice %arg17[%dma_wait3A_52, %dma_wait3A_53] : memref<10000x64xf32, #tpu.memory_space<vmem_shared>> -> memref<10000x64xf32, #tpu.memory_space<vmem_shared>>
    tpu.wait_indirect_dma semaphore(%arg45 : memref<!tpu.dma_semaphore, #tpu.memory_space<semaphore_mem>>) src(%arg28 : memref<80x64xf32, #tpu.memory_space<vmem>>) dst(%dma_wait3A_54 : memref<10000x64xf32, #tpu.memory_space<vmem_shared>>)
    %dma_wait3A_55 = arith.constant 0 : i32
    %dma_wait3A_56 = arith.constant 0 : i32
    %dma_wait3A_57 = tpu.memref_slice %arg17[%dma_wait3A_55, %dma_wait3A_56] : memref<10000x64xf32, #tpu.memory_space<vmem_shared>> -> memref<10000x64xf32, #tpu.memory_space<vmem_shared>>
    tpu.wait_indirect_dma semaphore(%arg46 : memref<!tpu.dma_semaphore, #tpu.memory_space<semaphore_mem>>) src(%arg29 : memref<80x64xf32, #tpu.memory_space<vmem>>) dst(%dma_wait3A_57 : memref<10000x64xf32, #tpu.memory_space<vmem_shared>>)
    %dma_wait3A_58 = arith.constant 0 : i32
    %dma_wait3A_59 = arith.constant 0 : i32
    %dma_wait3A_60 = tpu.memref_slice %arg17[%dma_wait3A_58, %dma_wait3A_59] : memref<10000x64xf32, #tpu.memory_space<vmem_shared>> -> memref<10000x64xf32, #tpu.memory_space<vmem_shared>>
    tpu.wait_indirect_dma semaphore(%arg47 : memref<!tpu.dma_semaphore, #tpu.memory_space<semaphore_mem>>) src(%arg30 : memref<80x64xf32, #tpu.memory_space<vmem>>) dst(%dma_wait3A_60 : memref<10000x64xf32, #tpu.memory_space<vmem_shared>>)
    %barrier3A_61 = arith.constant 0 : index
    tpu.barrier barrier_id(%barrier3A_61)
    %eq3A_62 = arith.constant 0 : i32
    %eq3A_63 = arith.cmpi eq, %arg0, %eq3A_62 : i32
    %convert_element_type3A_64 = arith.extui %eq3A_63 : i1 to i32
    %cond3A_65 = arith.constant 0 : i32
    %cond3A_66 = arith.cmpi ne, %convert_element_type3A_64, %cond3A_65 : i32
    scf.if %cond3A_66 {
      "tpu.region"() ({
        %run_scoped3A = tpu.sem_alloc : memref<!tpu.dma_semaphore, #tpu.memory_space<semaphore_mem>>
        %dma_start3A = arith.constant 0 : i32
        %dma_start3A_77 = tpu.memref_slice %arg15[%mul3A_0, %dma_start3A] : memref<10000x64xf32, #tpu.memory_space<hbm>> -> memref<624x64xf32, #tpu.memory_space<hbm>>
        %dma_start3A_78 = arith.constant 0 : i32
        %dma_start3A_79 = tpu.memref_slice %arg17[%mul3A_0, %dma_start3A_78] : memref<10000x64xf32, #tpu.memory_space<vmem_shared>> -> memref<624x64xf32, #tpu.memory_space<vmem_shared>>
        tpu.enqueue_dma source(%dma_start3A_79 : memref<624x64xf32, #tpu.memory_space<vmem_shared>>) target(%dma_start3A_77 : memref<624x64xf32, #tpu.memory_space<hbm>>) target_semaphore(%run_scoped3A : memref<!tpu.dma_semaphore, #tpu.memory_space<semaphore_mem>>)
        %dma_wait3A_80 = arith.constant 0 : i32
        %dma_wait3A_81 = tpu.memref_slice %arg15[%mul3A_0, %dma_wait3A_80] : memref<10000x64xf32, #tpu.memory_space<hbm>> -> memref<624x64xf32, #tpu.memory_space<hbm>>
        %dma_wait3A_82 = arith.constant 0 : i32
        %dma_wait3A_83 = tpu.memref_slice %arg17[%mul3A_0, %dma_wait3A_82] : memref<10000x64xf32, #tpu.memory_space<vmem_shared>> -> memref<624x64xf32, #tpu.memory_space<vmem_shared>>
        tpu.wait_dma2 semaphore(%run_scoped3A : memref<!tpu.dma_semaphore, #tpu.memory_space<semaphore_mem>>) src(%dma_wait3A_83 : memref<624x64xf32, #tpu.memory_space<vmem_shared>>) dst(%dma_wait3A_81 : memref<624x64xf32, #tpu.memory_space<hbm>>)
        tpu.yield
      }) : () -> ()
      %lt3A_72 = arith.constant 2 : i32
      %lt3A_73 = arith.cmpi slt, %arg1, %lt3A_72 : i32
      %convert_element_type3A_74 = arith.extui %lt3A_73 : i1 to i32
      %cond3A_75 = arith.constant 0 : i32
      %cond3A_76 = arith.cmpi ne, %convert_element_type3A_74, %cond3A_75 : i32
      scf.if %cond3A_76 {
        "tpu.region"() ({
          %run_scoped3A = tpu.sem_alloc : memref<!tpu.dma_semaphore, #tpu.memory_space<semaphore_mem>>
          %dma_start3A = arith.constant 0 : i32
          %dma_start3A_77 = tpu.memref_slice %arg15[%add3A_3, %dma_start3A] : memref<10000x64xf32, #tpu.memory_space<hbm>> -> memref<8x64xf32, #tpu.memory_space<hbm>>
          %dma_start3A_78 = arith.constant 0 : i32
          %dma_start3A_79 = tpu.memref_slice %arg17[%add3A_3, %dma_start3A_78] : memref<10000x64xf32, #tpu.memory_space<vmem_shared>> -> memref<8x64xf32, #tpu.memory_space<vmem_shared>>
          tpu.enqueue_dma source(%dma_start3A_79 : memref<8x64xf32, #tpu.memory_space<vmem_shared>>) target(%dma_start3A_77 : memref<8x64xf32, #tpu.memory_space<hbm>>) target_semaphore(%run_scoped3A : memref<!tpu.dma_semaphore, #tpu.memory_space<semaphore_mem>>)
          %dma_wait3A_80 = arith.constant 0 : i32
          %dma_wait3A_81 = tpu.memref_slice %arg15[%add3A_3, %dma_wait3A_80] : memref<10000x64xf32, #tpu.memory_space<hbm>> -> memref<8x64xf32, #tpu.memory_space<hbm>>
          %dma_wait3A_82 = arith.constant 0 : i32
          %dma_wait3A_83 = tpu.memref_slice %arg17[%add3A_3, %dma_wait3A_82] : memref<10000x64xf32, #tpu.memory_space<vmem_shared>> -> memref<8x64xf32, #tpu.memory_space<vmem_shared>>
          tpu.wait_dma2 semaphore(%run_scoped3A : memref<!tpu.dma_semaphore, #tpu.memory_space<semaphore_mem>>) src(%dma_wait3A_83 : memref<8x64xf32, #tpu.memory_space<vmem_shared>>) dst(%dma_wait3A_81 : memref<8x64xf32, #tpu.memory_space<hbm>>)
          tpu.yield
        }) : () -> ()
      } else {
      }
    } else {
    }
    %eq3A_67 = arith.constant 1 : i32
    %eq3A_68 = arith.cmpi eq, %arg0, %eq3A_67 : i32
    %convert_element_type3A_69 = arith.extui %eq3A_68 : i1 to i32
    %cond3A_70 = arith.constant 0 : i32
    %cond3A_71 = arith.cmpi ne, %convert_element_type3A_69, %cond3A_70 : i32
    scf.if %cond3A_71 {
      "tpu.region"() ({
        %run_scoped3A = tpu.sem_alloc : memref<!tpu.dma_semaphore, #tpu.memory_space<semaphore_mem>>
        %dma_start3A = arith.constant 0 : i32
        %dma_start3A_77 = tpu.memref_slice %arg16[%mul3A_0, %dma_start3A] : memref<10000x64xf32, #tpu.memory_space<hbm>> -> memref<624x64xf32, #tpu.memory_space<hbm>>
        %dma_start3A_78 = arith.constant 0 : i32
        %dma_start3A_79 = tpu.memref_slice %arg17[%mul3A_0, %dma_start3A_78] : memref<10000x64xf32, #tpu.memory_space<vmem_shared>> -> memref<624x64xf32, #tpu.memory_space<vmem_shared>>
        tpu.enqueue_dma source(%dma_start3A_79 : memref<624x64xf32, #tpu.memory_space<vmem_shared>>) target(%dma_start3A_77 : memref<624x64xf32, #tpu.memory_space<hbm>>) target_semaphore(%run_scoped3A : memref<!tpu.dma_semaphore, #tpu.memory_space<semaphore_mem>>)
        %dma_wait3A_80 = arith.constant 0 : i32
        %dma_wait3A_81 = tpu.memref_slice %arg16[%mul3A_0, %dma_wait3A_80] : memref<10000x64xf32, #tpu.memory_space<hbm>> -> memref<624x64xf32, #tpu.memory_space<hbm>>
        %dma_wait3A_82 = arith.constant 0 : i32
        %dma_wait3A_83 = tpu.memref_slice %arg17[%mul3A_0, %dma_wait3A_82] : memref<10000x64xf32, #tpu.memory_space<vmem_shared>> -> memref<624x64xf32, #tpu.memory_space<vmem_shared>>
        tpu.wait_dma2 semaphore(%run_scoped3A : memref<!tpu.dma_semaphore, #tpu.memory_space<semaphore_mem>>) src(%dma_wait3A_83 : memref<624x64xf32, #tpu.memory_space<vmem_shared>>) dst(%dma_wait3A_81 : memref<624x64xf32, #tpu.memory_space<hbm>>)
        tpu.yield
      }) : () -> ()
      %lt3A_72 = arith.constant 2 : i32
      %lt3A_73 = arith.cmpi slt, %arg1, %lt3A_72 : i32
      %convert_element_type3A_74 = arith.extui %lt3A_73 : i1 to i32
      %cond3A_75 = arith.constant 0 : i32
      %cond3A_76 = arith.cmpi ne, %convert_element_type3A_74, %cond3A_75 : i32
      scf.if %cond3A_76 {
        "tpu.region"() ({
          %run_scoped3A = tpu.sem_alloc : memref<!tpu.dma_semaphore, #tpu.memory_space<semaphore_mem>>
          %dma_start3A = arith.constant 0 : i32
          %dma_start3A_77 = tpu.memref_slice %arg16[%add3A_3, %dma_start3A] : memref<10000x64xf32, #tpu.memory_space<hbm>> -> memref<8x64xf32, #tpu.memory_space<hbm>>
          %dma_start3A_78 = arith.constant 0 : i32
          %dma_start3A_79 = tpu.memref_slice %arg17[%add3A_3, %dma_start3A_78] : memref<10000x64xf32, #tpu.memory_space<vmem_shared>> -> memref<8x64xf32, #tpu.memory_space<vmem_shared>>
          tpu.enqueue_dma source(%dma_start3A_79 : memref<8x64xf32, #tpu.memory_space<vmem_shared>>) target(%dma_start3A_77 : memref<8x64xf32, #tpu.memory_space<hbm>>) target_semaphore(%run_scoped3A : memref<!tpu.dma_semaphore, #tpu.memory_space<semaphore_mem>>)
          %dma_wait3A_80 = arith.constant 0 : i32
          %dma_wait3A_81 = tpu.memref_slice %arg16[%add3A_3, %dma_wait3A_80] : memref<10000x64xf32, #tpu.memory_space<hbm>> -> memref<8x64xf32, #tpu.memory_space<hbm>>
          %dma_wait3A_82 = arith.constant 0 : i32
          %dma_wait3A_83 = tpu.memref_slice %arg17[%add3A_3, %dma_wait3A_82] : memref<10000x64xf32, #tpu.memory_space<vmem_shared>> -> memref<8x64xf32, #tpu.memory_space<vmem_shared>>
          tpu.wait_dma2 semaphore(%run_scoped3A : memref<!tpu.dma_semaphore, #tpu.memory_space<semaphore_mem>>) src(%dma_wait3A_83 : memref<8x64xf32, #tpu.memory_space<vmem_shared>>) dst(%dma_wait3A_81 : memref<8x64xf32, #tpu.memory_space<hbm>>)
          tpu.yield
        }) : () -> ()
      } else {
      }
    } else {
    }
    return
  }
}

module attributes {stable_mosaic.version = 14 : i64} {
  func.func @_mlp_body(%arg0: memref<10000x128xf32, #tpu.memory_space<vmem>>, %arg1: memref<10000x64xf32, #tpu.memory_space<vmem>>, %arg2: memref<10000x64xf32, #tpu.memory_space<vmem>>, %arg3: memref<128x128xf32, #tpu.memory_space<vmem>>, %arg4: memref<1x128xf32, #tpu.memory_space<vmem>>, %arg5: memref<1x128xf32, #tpu.memory_space<vmem>>, %arg6: memref<1x128xf32, #tpu.memory_space<vmem>>, %arg7: memref<128x128xf32, #tpu.memory_space<vmem>>, %arg8: memref<1x128xf32, #tpu.memory_space<vmem>>, %arg9: memref<1x1xf32, #tpu.memory_space<smem>>, %arg10: memref<10000x128xf32, #tpu.memory_space<vmem>>) attributes {dimension_semantics = [], scalar_prefetch = 0 : i64, scratch_operands = 0 : i64, tpu.core_type = #tpu.core_type<tc>} {
    %get3A = arith.constant 0 : index
    %get3A_0 = arith.constant 0 : index
    %get3A_1 = vector.load %arg1[%get3A, %get3A_0] : memref<10000x64xf32, #tpu.memory_space<vmem>>, vector<10000x64xf32>
    %get3A_2 = arith.constant 0 : index
    %get3A_3 = arith.constant 0 : index
    %get3A_4 = vector.load %arg2[%get3A_2, %get3A_3] : memref<10000x64xf32, #tpu.memory_space<vmem>>, vector<10000x64xf32>
    %concatenate3A = tpu.concatenate %get3A_1, %get3A_4 in 1 : vector<10000x64xf32>, vector<10000x64xf32> -> vector<10000x128xf32>
    %get3A_5 = arith.constant 0 : index
    %get3A_6 = arith.constant 0 : index
    %get3A_7 = memref.load %arg9[%get3A_5, %get3A_6] : memref<1x1xf32, #tpu.memory_space<smem>>
    %add3A = arith.constant 1.000000e+00 : f32
    %add3A_8 = arith.addf %add3A, %get3A_7 : f32
    %get3A_9 = arith.constant 0 : index
    %get3A_10 = arith.constant 0 : index
    %get3A_11 = vector.load %arg0[%get3A_9, %get3A_10] : memref<10000x128xf32, #tpu.memory_space<vmem>>, vector<10000x128xf32>
    %mul3A = vector.broadcast %add3A_8 : f32 to vector<10000x128xf32>
    %mul3A_12 = arith.mulf %mul3A, %get3A_11 : vector<10000x128xf32>
    %add3A_13 = arith.addf %mul3A_12, %concatenate3A : vector<10000x128xf32>
    %get3A_14 = arith.constant 0 : index
    %get3A_15 = arith.constant 0 : index
    %get3A_16 = vector.load %arg3[%get3A_14, %get3A_15] : memref<128x128xf32, #tpu.memory_space<vmem>>, vector<128x128xf32>
    %dot_general3A = arith.constant dense<0.000000e+00> : vector<10000x128xf32>
    %dot_general3A_17 = tpu.matmul %add3A_13, %get3A_16, %dot_general3A {dimension_numbers = #tpu.dot_dimension_numbers<[1], [0], [0], [1], [0, 0, 1, 1], [], []>, transpose_lhs_hint = false} : vector<10000x128xf32>, vector<128x128xf32>, vector<10000x128xf32> -> vector<10000x128xf32>
    %get3A_18 = arith.constant 0 : index
    %get3A_19 = arith.constant 0 : index
    %get3A_20 = vector.load %arg4[%get3A_18, %get3A_19] : memref<1x128xf32, #tpu.memory_space<vmem>>, vector<1x128xf32>
    %add3A_21 = vector.broadcast %get3A_20 : vector<1x128xf32> to vector<10000x128xf32>
    %add3A_22 = arith.addf %dot_general3A_17, %add3A_21 : vector<10000x128xf32>
    %reduce_sum3A = arith.constant dense<0.000000e+00> : vector<128xf32>
    %reduce_sum3A_23 = vector.multi_reduction <add>, %add3A_22, %reduce_sum3A [0] : vector<10000x128xf32> to vector<128xf32>
    %broadcast_in_dim3A = vector.shape_cast %reduce_sum3A_23 : vector<128xf32> to vector<1x128xf32>
    %div3A = arith.constant 1.000000e+04 : f32
    %div3A_24 = vector.broadcast %div3A : f32 to vector<1x128xf32>
    %div3A_25 = arith.divf %broadcast_in_dim3A, %div3A_24 : vector<1x128xf32>
    %sub3A = vector.broadcast %div3A_25 : vector<1x128xf32> to vector<10000x128xf32>
    %sub3A_26 = arith.subf %add3A_22, %sub3A : vector<10000x128xf32>
    %integer_pow3A = arith.mulf %sub3A_26, %sub3A_26 : vector<10000x128xf32>
    %reduce_sum3A_27 = arith.constant dense<0.000000e+00> : vector<128xf32>
    %reduce_sum3A_28 = vector.multi_reduction <add>, %integer_pow3A, %reduce_sum3A_27 [0] : vector<10000x128xf32> to vector<128xf32>
    %broadcast_in_dim3A_29 = vector.shape_cast %reduce_sum3A_28 : vector<128xf32> to vector<1x128xf32>
    %div3A_30 = arith.constant 1.000000e+04 : f32
    %div3A_31 = vector.broadcast %div3A_30 : f32 to vector<1x128xf32>
    %div3A_32 = arith.divf %broadcast_in_dim3A_29, %div3A_31 : vector<1x128xf32>
    %sub3A_33 = vector.broadcast %div3A_25 : vector<1x128xf32> to vector<10000x128xf32>
    %sub3A_34 = arith.subf %add3A_22, %sub3A_33 : vector<10000x128xf32>
    %add3A_35 = arith.constant 9.99999974E-6 : f32
    %add3A_36 = vector.broadcast %add3A_35 : f32 to vector<1x128xf32>
    %add3A_37 = arith.addf %div3A_32, %add3A_36 : vector<1x128xf32>
    %sqrt3A = math.sqrt %add3A_37 : vector<1x128xf32>
    %div3A_38 = vector.broadcast %sqrt3A : vector<1x128xf32> to vector<10000x128xf32>
    %div3A_39 = arith.divf %sub3A_34, %div3A_38 : vector<10000x128xf32>
    %get3A_40 = arith.constant 0 : index
    %get3A_41 = arith.constant 0 : index
    %get3A_42 = vector.load %arg5[%get3A_40, %get3A_41] : memref<1x128xf32, #tpu.memory_space<vmem>>, vector<1x128xf32>
    %mul3A_43 = vector.broadcast %get3A_42 : vector<1x128xf32> to vector<10000x128xf32>
    %mul3A_44 = arith.mulf %div3A_39, %mul3A_43 : vector<10000x128xf32>
    %get3A_45 = arith.constant 0 : index
    %get3A_46 = arith.constant 0 : index
    %get3A_47 = vector.load %arg6[%get3A_45, %get3A_46] : memref<1x128xf32, #tpu.memory_space<vmem>>, vector<1x128xf32>
    %add3A_48 = vector.broadcast %get3A_47 : vector<1x128xf32> to vector<10000x128xf32>
    %add3A_49 = arith.addf %mul3A_44, %add3A_48 : vector<10000x128xf32>
    %max3A = arith.constant 0.000000e+00 : f32
    %max3A_50 = vector.broadcast %max3A : f32 to vector<10000x128xf32>
    %max3A_51 = arith.maximumf %add3A_49, %max3A_50 : vector<10000x128xf32>
    %get3A_52 = arith.constant 0 : index
    %get3A_53 = arith.constant 0 : index
    %get3A_54 = vector.load %arg7[%get3A_52, %get3A_53] : memref<128x128xf32, #tpu.memory_space<vmem>>, vector<128x128xf32>
    %dot_general3A_55 = arith.constant dense<0.000000e+00> : vector<10000x128xf32>
    %dot_general3A_56 = tpu.matmul %max3A_51, %get3A_54, %dot_general3A_55 {dimension_numbers = #tpu.dot_dimension_numbers<[1], [0], [0], [1], [0, 0, 1, 1], [], []>, transpose_lhs_hint = false} : vector<10000x128xf32>, vector<128x128xf32>, vector<10000x128xf32> -> vector<10000x128xf32>
    %get3A_57 = arith.constant 0 : index
    %get3A_58 = arith.constant 0 : index
    %get3A_59 = vector.load %arg8[%get3A_57, %get3A_58] : memref<1x128xf32, #tpu.memory_space<vmem>>, vector<1x128xf32>
    %add3A_60 = vector.broadcast %get3A_59 : vector<1x128xf32> to vector<10000x128xf32>
    %add3A_61 = arith.addf %dot_general3A_56, %add3A_60 : vector<10000x128xf32>
    %swap3A = arith.constant 0 : index
    %swap3A_62 = arith.constant 0 : index
    %swap3A_63 = vector.load %arg10[%swap3A, %swap3A_62] : memref<10000x128xf32, #tpu.memory_space<vmem>>, vector<10000x128xf32>
    tpu.vector_store %arg10[%swap3A, %swap3A_62], %add3A_61 {strides = array<i32>} : memref<10000x128xf32, #tpu.memory_space<vmem>>, vector<10000x128xf32>,
    return
  }
}

</mosaic_0001>

<sc_bundles>
// kernel: kernel.4.cloned.1.call-start
scs
__scs_entry_jumppad:
0x0: {  	(pc) =	sbr.rel $0x88, $3  }
0x1: {  	(tag) =	ssettag $0x0;
	lr =	simm.s32 $0x1  }
0x2: {  	[smem:$0x3F94] =	sst lr;
	_ =	strace $0xD0000000  }
0x3: {  	_ = 	snop  }
0x4: {  	_ = 	snop  }
0x5: {  	_ = 	snop  }
0x6: {  	_ = 	snop  }
0x7: {  	_ = 	snop  }
__scs_overlays_trampoline_lowered:
0x8: {  	[smem:$0x3FA3] =	sst s0  }
0x9: {  	[smem:$0x3FA4] =	sst s1  }
0xa: {  	[smem:$0x3FA5] =	sst s2  }
0xb: {  	[smem:$0x3FA6] =	sst s3  }
0xc: {  	[smem:$0x3FA7] =	sst s4  }
0xd: {  	[smem:$0x3FA8] =	sst s5  }
0xe: {  	[smem:$0x3FA9] =	sst s6  }
0xf: {  	[smem:$0x3FAA] =	sst s7  }
0x10: {  	[smem:$0x3FAB] =	sst s8  }
0x11: {  	[smem:$0x3FAC] =	sst s9;
	s0 =	simm.s32 @!p0 $0x0  }
0x12: {  	s1 =	sld [smem:$0x3F92];
	s0 =	simm.s32 @p0 $0x1  }
0x13: {  	[smem:$0x3FAD] =	sst s0;
	s0 =	simm.s32 @!p1 $0x0  }
0x14: {  	s2 =	sld [smem:$0x3F91];
	s0 =	simm.s32 @p1 $0x1  }
0x15: {  	[smem:$0x3FAE] =	sst s0;
	s0 =	simm.s32 @!p2 $0x0  }
0x16: {  	s3 =	sld [smem:$0x3FDB];
	s0 =	simm.s32 @p2 $0x1  }
0x17: {  	s4 =	simm.s32 $0x1BF5;
	[smem:$0x3FB0] =	sst s0  }
0x18: {  	s0 =	sld [smem:$0x3F93];
	_ =	swait.ge [sflag:s4], $0x0  }
0x19: {  	s7 =	sld [smem:$0x3F94]  }
0x1a: {  	s8 =	sadd.s32 $0xFFFFE003, lr  }
0x1b: {  	s9 =	sadd.s32 $0xFFFFFEF7, lr;
	s5 =	simm.s32 $0xFFFFFFFF;
	p2 =	slt.u32 s8, $0xFFFFF086  }
0x1c: {  	p1 =	slt.u32 s9, $0xF7A;
	s5 =	simm.s32 @!p2 $0x0  }
0x1d: {  	s5 =	simm.s32 @p1 $0x1;
	p0 =	seq.s32 s7, s2  }
0x1e: {  	s7 =	smul.u32 @!p0 $0xF7A, s2;
	p2 =	seq.s32 @!p0 s5, $0x0  }
0x1f: {  	s9 =	smul.u32 $0xF7A, s1;
	s8 =	simm.s32 @!p0 $0x1BF5;
	p2 =	por !p2, p0  }
0x20: {  	[sflag:s8] =	ssyncset.s32 @!p0 $0xFFFFF086;
	s6 =	sadd.s32 @!p0 s3, s7;
	s7 =	simm.s32 @!p0 $0x108  }
0x21: {  	s3 =	sadd.s32 s3, s9;
	s6 =	sadd.s32 @!p0 $0x88, s6;
	s7 =	simm.s32 @p2 $0x1082  }
0x22: {  	[simem:s7], [sflag:s8] =	dma.local @!p0 [hbm:s6], $0xF7A  }
0x23: {  	s9 =	sor.u32 $0xD0000000, s2;
	s6 =	simm.s32 $0x108;
	_ =	swait.ge @!p0 [sflag:s8], $0x0  }
0x24: {  	s3 =	sadd.s32 $0x88, s3;
	s6 =	simm.s32 @!p1 $0x1082;
	[sflag:s4] =	ssyncset.s32 $0xFFFFF086  }
0x25: {  	[simem:s6], [sflag:s4] =	dma.local [hbm:s3], $0xF7A  }
0x26: {  	[smem:$0x3F94] =	sst s1;
	(tag) =	ssettag s2;
	_ =	strace s9  }
0x27: {  	s1 =	sld [smem:$0x3FA4]  }
0x28: {  	s2 =	sld [smem:$0x3FA5]  }
0x29: {  	s4 =	sld [smem:$0x3FA7]  }
0x2a: {  	p0 =	seq.s32 s5, $0x0;
	s5 =	sld [smem:$0x3FA8]  }
0x2b: {  	s6 =	sld [smem:$0x3FA9]  }
0x2c: {  	s7 =	sld [smem:$0x3FAA]  }
0x2d: {  	s3 =	simm.s32 $0x108;
	s8 =	sld [smem:$0x3FAB]  }
0x2e: {  	s3 =	simm.s32 @!p0 $0x1082;
	s9 =	sld [smem:$0x3FAC]  }
0x2f: {  	lr =	sadd.s32 s0, s3;
	s0 =	sld [smem:$0x3FA3]  }
0x30: {  	s3 =	sld [smem:$0x3FA6]  }
0x31: {  	[smem:$0x3FAF] =	sst s10  }
0x32: {  	s10 =	sld [smem:$0x3FAD];
	_ =	sdelay $0x3  }
0x33: {  	p0 =	seq.s32 s10, $0x1;
	s10 =	sld [smem:$0x3FAF];
	_ =	sdelay $0x3  }
0x34: {  	[smem:$0x3FAF] =	sst s10  }
0x35: {  	s10 =	sld [smem:$0x3FAE];
	_ =	sdelay $0x3  }
0x36: {  	p1 =	seq.s32 s10, $0x1;
	s10 =	sld [smem:$0x3FAF];
	_ =	sdelay $0x3  }
0x37: {  	[smem:$0x3FAF] =	sst s10  }
0x38: {  	s10 =	sld [smem:$0x3FB0]  }
0x39: {  	_ = 	snop;
	(pc) =	sbr.ind lr, $3  }
0x3a: {  	_ = 	snop  }
0x3b: {  	_ = 	snop  }
0x3c: {  	p2 =	seq.s32 s10, $0x1;
	s10 =	sld [smem:$0x3FAF]  }
0x3d: {  	_ =	shalt  }
0x3e: {  	_ =	shalt  }
0x3f: {  	_ =	shalt  }
0x40: {  	_ =	shalt  }
0x41: {  	_ =	shalt  }
0x42: {  	_ =	shalt  }
0x43: {  	_ =	shalt  }
0x44: {  	_ =	shalt  }
0x45: {  	_ =	shalt  }
0x46: {  	_ =	shalt  }
0x47: {  	_ =	shalt  }
0x48: {  	_ =	shalt  }
0x49: {  	_ =	shalt  }
0x4a: {  	_ =	shalt  }
0x4b: {  	_ =	shalt  }
0x4c: {  	_ =	shalt  }
0x4d: {  	_ =	shalt  }
0x4e: {  	_ =	shalt  }
0x4f: {  	_ =	shalt  }
0x50: {  	_ =	shalt  }
0x51: {  	_ =	shalt  }
0x52: {  	_ =	shalt  }
0x53: {  	_ =	shalt  }
0x54: {  	_ =	shalt  }
0x55: {  	_ =	shalt  }
0x56: {  	_ =	shalt  }
0x57: {  	_ =	shalt  }
0x58: {  	_ =	shalt  }
0x59: {  	_ =	shalt  }
0x5a: {  	_ =	shalt  }
0x5b: {  	_ =	shalt  }
0x5c: {  	_ =	shalt  }
0x5d: {  	_ =	shalt  }
0x5e: {  	_ =	shalt  }
0x5f: {  	_ =	shalt  }
0x60: {  	_ =	shalt  }
0x61: {  	_ =	shalt  }
0x62: {  	_ =	shalt  }
0x63: {  	_ =	shalt  }
0x64: {  	_ =	shalt  }
0x65: {  	_ =	shalt  }
0x66: {  	_ =	shalt  }
0x67: {  	_ =	shalt  }
0x68: {  	_ =	shalt  }
0x69: {  	_ =	shalt  }
0x6a: {  	_ =	shalt  }
0x6b: {  	_ =	shalt  }
0x6c: {  	_ =	shalt  }
0x6d: {  	_ =	shalt  }
0x6e: {  	_ =	shalt  }
0x6f: {  	_ =	shalt  }
0x70: {  	_ =	shalt  }
0x71: {  	_ =	shalt  }
0x72: {  	_ =	shalt  }
0x73: {  	_ =	shalt  }
0x74: {  	_ =	shalt  }
0x75: {  	_ =	shalt  }
0x76: {  	_ =	shalt  }
0x77: {  	_ =	shalt  }
0x78: {  	_ =	shalt  }
0x79: {  	_ =	shalt  }
0x7a: {  	_ =	shalt  }
0x7b: {  	_ =	shalt  }
0x7c: {  	_ =	shalt  }
0x7d: {  	_ =	shalt  }
0x7e: {  	_ =	shalt  }
0x7f: {  	_ =	shalt  }
0x80: {  	_ =	shalt  }
0x81: {  	_ =	shalt  }
0x82: {  	_ =	shalt  }
0x83: {  	_ =	shalt  }
0x84: {  	_ =	shalt  }
0x85: {  	_ =	shalt  }
0x86: {  	_ =	shalt  }
0x87: {  	_ =	shalt  }
.Lfunc_end0:
.L_simem_size_0:
called_computation_lowered:
.L_overlay_start_0:
0x88: {  	s2 =	sld [smem:$0x3FD9]  }
0x89: {  	s3 =	sld [smem:$0x3FFE];
	_ =	sdelay $0x1  }
0x8a: {  	s1 =	srdreg.scid  }
0x8b: {  	s0 =	sand.u32 $0x1, s1  }
0x8c: {  	s17 =	sshll.u32 s0, $0xA;
	s2 =	sadd.s32 s3, s2  }
0x8d: {  	s2 =	sadd.s32 s2, s17  }
0x8e: {  	[smem:$0x3FBB] =	sst s2  }
0x8f: {  	_ = 	snop  }
0x90: {  	s2 =	sld [smem:$0x3FD0];
	(tm) =	ssettm $0x1  }
0x91: {  	s18 =	sld [smem:$0x3FFB];
	_ =	sdelay $0x3  }
0x92: {  	_ =	strace s18  }
0x93: {  	s3 =	sld [smem:$0x3FFC];
	_ =	sdelay $0x3  }
0x94: {  	_ =	strace s3  }
0x95: {  	s3 =	sld [smem:$0x3FFD];
	_ =	sdelay $0x3  }
0x96: {  	_ =	strace s3  }
0x97: {  	_ =	strace $0x8FFFFFFF  }
0x98: {  	s19 =	sld [smem:$0x3FDB];
	_ =	sdelay $0x1  }
0x99: {  	s4 =	simm.s32 $_scs_section_size  }
0x9a: {  	s5 =	simm.s32 $_size__tile_overlayer_lowered;
	s6 =	simm.s32 $_tile_overlayer_lowered  }
0x9b: {  	s22 =	simm.s32 $0x1BFF;
	s21 =	sshll.u32 s6, $0x1;
	s3 =	sadd.s32 s4, s19  }
0x9c: {  	s7 =	simm.s32 $0x0;
	s20 =	sshll.u32 s5, $0x1;
	s5 =	sadd.s32 s21, s3  }
0x9d: {  	[timem:s7], [sflag:s22] =	dma.local [hbm:s5], s20  }
0x9e: {  	_ =	swait.ge [sflag:s22], s20  }
0x9f: {  	s4 =	ssub.s32 $0x0, s20;
	[sflag:s22] =	ssyncset.done $0x0  }
0xa0: {  	[sflag:s22] =	ssyncadd.s32 s4;
	_ =	sdelay $0x1  }
0xa1: {  	s23 =	simm.s32 $0x1B8B  }
0xa2: {  	_ =	swait.ge [sflag:s23], $0x1  }
0xa3: {  	[sflag:s23] =	ssyncset.done $0x0  }
0xa4: {  	s25 =	simm.s32 $0x1B8E;
	s24 =	sld [smem:$0x3FFE];
	[sflag:s23] =	ssyncadd.s32 $0xFFFFFFFF  }
0xa5: {  	s26 =	simm.s32 $execute0_lowered;
	[smem:$0x3FD2] =	sst s25  }
0xa6: {  	s5 =	sshll.u32 s26, $0x1;
	_ =	strace $0x80000046;
	[dreg:$0x1] =	wrdreg $0xFFFFFFFF  }
0xa7: {  	s28 =	simm.s32 $_size_execute0_lowered;
	s3 =	sadd.s32 s3, s5;
	[dreg:$0x0] =	wrdreg $0x0  }
0xa8: {  	s5 =	sshll.u32 s28, $0x1;
	[dreg:$0x2] =	wrdreg s3  }
0xa9: {  	[dreg:$0x3] =	wrdreg s5  }
0xaa: {  	[dreg:$0x4] =	wrdreg $0xC0  }
0xab: {  	_ =	task [dreg:s7], $0x5FFFF  }
0xac: {  	[dreg:$0x1] =	wrdreg $0xFFFFFFFF  }
0xad: {  	[dreg:$0x0] =	wrdreg $0x60  }
0xae: {  	[dreg:$0x2] =	wrdreg s2  }
0xaf: {  	[dreg:$0x3] =	wrdreg s24  }
0xb0: {  	[dreg:$0x4] =	wrdreg $0x0  }
0xb1: {  	[dreg:$0x5] =	wrdreg $0x9C400  }
0xb2: {  	[dreg:$0x6] =	wrdreg $0x138800  }
0xb3: {  	[dreg:$0x7] =	wrdreg $0x9  }
0xb4: {  	_ =	task.clear_ibuf [dreg:s7], $0x8FFFF;
	_ =	strace $0x90000046  }
0xb5: {  	s29 =	simm.s32 $0x9;
	_ =	strace $0x80000048  }
0xb6: {  	_ =	swait.ge [sflag:s29], $0x1  }
0xb7: {  	[sflag:s29] =	ssyncadd.s32 $0xFFFFFFFF  }
0xb8: {  	_ =	strace $0x90000048  }
0xb9: {  	_ =	sfence  }
0xba: {  	s30 =	sld [smem:$0x0];
	_ =	sdelay $0x2  }
0xbb: {  	s31 =	sshll.u32 s1, $0xD;
	s1 =	sshrl.u32 s1, $0x2  }
0xbc: {  	s3 =	sand.u32 $0x4000, s31;
	s1 =	sadd.s32 s1, s30  }
0xbd: {  	s0 =	sor.u32 s3, s0;
	s1 =	sshll.u32 s1, $0x11  }
0xbe: {  	s0 =	sor.u32 s1, s0  }
0xbf: {  	s0 =	sadd.s32 $0x8F2B, s0  }
0xc0: {  	[sflag:s0] =	ssyncadd.remote.s32 $0x1  }
0xc1: {  	_ =	sfence.sel $0xFFFF  }
0xc2: {  	[dreg:$0x0] =	wrdreg $0xFFFFFFFF;
	(pc) =	sbr.abs _section_cstart, $3  }
0xc3: {  	[dreg:$0x1] =	wrdreg $0xFFFFFFFF  }
0xc4: {  	_ =	task.clear_ibuf [dreg:s7], $0x2FFFF;
	_ =	strace $0x9FFFFFFF  }
0xc5: {  	(tm) =	ssettm $0x7FFFFFFF  }
tec
execute0_lowered:
.L_overlay_start_1:
0x0: {  	(tag) =	ssettag $0x1  }
0x1: {  	s0 =	rddreg [dreg:$0x0]  }
0x2: {  	s5 =	rddreg [dreg:$0x1]  }
0x3: {  	s1 =	rddreg [dreg:$0x2]  }
0x4: {  	s2 =	rddreg [dreg:$0x3]  }
0x5: {  	s3 =	rddreg [dreg:$0x4];
	s4 =	simm.s32 $0x0  }
0x6: {  	[smem:$0x7FF] =	sst s4;
	s6 =	sadd.s32 $0x3C200, s5  }
0x7: {  	s8 =	sadd.s32 $0x14C00, s5;
	_ =	strace $0x80000047;
	[dreg:$0x6] =	wrdreg s6  }
0x8: {  	s10 =	sadd.s32 $0xAE00, s5;
	[dreg:$0x7] =	wrdreg s8  }
0x9: {  	s11 =	sadd.s32 $0x1000, s5;
	[dreg:$0x8] =	wrdreg s10  }
0xa: {  	s17 =	srdreg.scid;
	s12 =	sadd.s32 $0x46600, s5;
	[dreg:$0x9] =	wrdreg s11  }
0xb: {  	s31 =	simm.s32 $0x2;
	s13 =	sadd.s32 $0x46400, s5;
	[dreg:$0xa] =	wrdreg s12  }
0xc: {  	s29 =	simm.s32 $0xE;
	s14 =	sadd.s32 $0x46200, s5;
	[dreg:$0xb] =	wrdreg s13  }
0xd: {  	s28 =	simm.s32 $0x11;
	s15 =	sadd.s32 $0x46000, s5;
	[dreg:$0xc] =	wrdreg s14  }
0xe: {  	s7 =	sadd.s32 $0x1EA00, s5;
	s16 =	sadd.s32 $0x46A00, s5;
	[dreg:$0xd] =	wrdreg s15  }
0xf: {  	s9 =	sadd.s32 $0x46800, s5;
	s6 =	sadd.s32 $0x32400, s5;
	[dreg:$0xe] =	wrdreg s16  }
0x10: {  	s12 =	stileid.u32;
	[dreg:$0xf] =	wrdreg s9;
	s8 =	sand.u32 $0x1, s17  }
0x11: {  	s13 =	sadd.s32 $0x5A600, s5;
	s14 =	sadd.s32 $0x46C00, s5;
	s18 =	smul.u32 $0x27000, s12  }
0x12: {  	s19 =	ssub.s32 $0x2, s8;
	s11 =	sshll.u32 s12, $0x3;
	s20 =	smul.u32 $0x9C00, s12  }
0x13: {  	p0 =	sne.s32 s8, $0x0;
	s30 =	smul.u32 $0x4E20, s12;
	[dreg:$0x11] =	wrdreg s14  }
0x14: {  	[dreg:$0x10] =	wrdreg s13;
	p1 =	slt.u32 s12, $0x2;
	p2 =	sgt.u32 s12, $0x1  }
0x15: {  	s10 =	sshrl.u32 s19, $0x1;
	p3 =	seq.s32 @p1 s12, $0x0;
	p4 =	sne.s32 @p1 s12, $0x0  }
0x16: {  	s9 =	sshrl.u32 s18, $0x2;
	s5 =	ssub.s32 s19, s10;
	s17 =	sadd.s32 s20, s2  }
0x17: {  	s9 =	sadd.s32 s9, s1;
	[dreg:$0x1a] =	wrdreg s17;
	s5 =	smax.u32 s5, $0x1  }
0x18: {  	s10 =	sor.u32 $0x2700, s11;
	s21 =	sadd.s32 $0x1400, s9;
	[smem:$0x7FA] =	sst s5  }
0x19: {  	s18 =	sshrl.u32 s20, $0x3;
	s22 =	sadd.s32 $0x2800, s9;
	[dreg:$0x12] =	wrdreg s21  }
0x1a: {  	p3 =	por !p1, !p3;
	s23 =	sadd.s32 $0x3C00, s9;
	[dreg:$0x13] =	wrdreg s22  }
0x1b: {  	p4 =	por !p1, p4;
	s24 =	sadd.s32 $0x5000, s9;
	[dreg:$0x14] =	wrdreg s23  }
0x1c: {  	s11 =	simm.s32 $0x6;
	s25 =	sadd.s32 $0x6400, s9;
	[dreg:$0x15] =	wrdreg s24  }
0x1d: {  	s16 =	sshll.u32 s10, $0x6;
	s26 =	sadd.s32 $0x7800, s9;
	[dreg:$0x16] =	wrdreg s25  }
0x1e: {  	s15 =	sadd.s32 $0x8C00, s9;
	s19 =	sadd.s32 s16, s1;
	[dreg:$0x17] =	wrdreg s26  }
0x1f: {  	s8 =	sadd.s32 s16, s2;
	s5 =	simm.s32 @!p3 $0x0;
	[dreg:$0x18] =	wrdreg s15  }
0x20: {  	s16 =	simm.s32 $0x12;
	s15 =	sadd.s32 s20, s1;
	[dreg:$0x1b] =	wrdreg s19  }
0x21: {  	[dreg:$0x1c] =	wrdreg s8;
	s20 =	sshll.u32 s10, $0x3;
	s21 =	sadd.s32 s7, s18  }
0x22: {  	s22 =	sadd.s32 s0, s18;
	s23 =	sshrl.u32 s30, $0x3;
	[dreg:$0x1e] =	wrdreg s21  }
0x23: {  	s25 =	sadd.s32 s14, s18;
	s26 =	sadd.s32 s13, s18;
	[smem:$0x7F6] =	sst s22  }
0x24: {  	s5 =	simm.s32 @p3 $0x1;
	s18 =	simm.s32 $0x13980;
	[dreg:$0x1d] =	wrdreg s20  }
0x25: {  	s13 =	simm.s32 $0x1;
	s10 =	simm.s32 $0x3;
	[smem:$0x7F8] =	sst s25  }
0x26: {  	s19 =	simm.s32 $0x5;
	s8 =	simm.s32 $0x0;
	[smem:$0x7F9] =	sst s26  }
0x27: {  	s7 =	sadd.s32 s7, s20;
	s0 =	sadd.s32 s0, s20;
	[smem:$0x7FB] =	sst s5  }
.Ltmp0:
0x28: {  	s24 =	sadd.s32 s6, s23;
	[dreg:$0x19] =	wrdreg s15;
	(pc) =	sbr.rel .LBB2_1-.Ltmp0, $4  }
0x29: {  	s21 =	simm.s32 $0x50;
	s22 =	simm.s32 $0xF;
	[dreg:$0x1f] =	wrdreg s7  }
0x2a: {  	s23 =	simm.s32 $0x4;
	s26 =	simm.s32 $0x8;
	[smem:$0x7F7] =	sst s0  }
0x2b: {  	s20 =	simm.s32 $0x9;
	[smem:$0x7FC] =	sst s24;
	s0 =	sadd.s32 $0xA, s24  }
0x2c: {  	v0 =	vimm.f32 $0.0e+00;
	s24 =	simm.s32 $0x10;
	[smem:$0x7FD] =	sst s0;
	s0 =	simm.s32 $0x7  }
.LBB2_53:
0x2d: {  	s7 =	rddreg [dreg:$0x1d]  }
0x2e: {  	s25 =	rddreg [dreg:$0x1b]  }
0x2f: {  	s5 =	sadd.s32 s5, s7;
	s7 =	sshrl.u32 s25, $0x3  }
0x30: {  	[hbm:s5], [sflag:s9] =	dma.local [spmem:s7], $0x40  }
0x31: {  	_ =	swait.ge [sflag:s16], $0x40  }
0x32: {  	[sflag:s16] =	ssyncset.done $0x0  }
0x33: {  	[sflag:s16] =	ssyncadd.s32 $0xFFFFFFC0  }
.LBB2_54:
0x34: {  	s5 =	sld [smem:$0x7FA];
	_ =	sdelay $0x1  }
0x35: {  	s8 =	sadd.s32 $0x1, s8  }
0x36: {  	p3 =	sne.s32 s8, s5  }
.Ltmp1:
0x37: {  	_ = 	snop;
	(pc) =	sbr.rel @!p3 .LBB2_55-.Ltmp1, $1  }
0x38: {  	_ =	sdelay $0x3  }
.LBB2_1:
0x39: {  	[smem:$0x7F5] =	sst s8;
	s7 =	simm.s32 $0x100;
	s5 =	simm.s32 $0x0  }
.LBB2_2:
0x3a: {  	p5 =	sne.s32 s7, $0x4F00;
	[tilespmem:s5+$0x15260] =	vst v0;
	s8 =	smov.u32 s7;
	s7 =	sadd.s32 $0x100, s7  }
.Ltmp2:
0x3b: {  	[tilespmem:s5+$0x15250] =	vst v0;
	(pc) =	sbr.rel @p5 .LBB2_2-.Ltmp2, $3  }
0x3c: {  	[tilespmem:s5+$0x15230] =	vst v0  }
0x3d: {  	[tilespmem:s5+$0x15240] =	vst v0;
	_ =	sdelay $0x1  }
0x3e: {  	s5 =	sshra.s32 s8, $0x2  }
0x3f: {  	[tilespmem:s5+$0x15260] =	vst v0  }
0x40: {  	[tilespmem:s5+$0x15250] =	vst v0  }
0x41: {  	[tilespmem:s5+$0x15230] =	vst v0  }
0x42: {  	[tilespmem:s5+$0x15240] =	vst v0;
	s7 =	simm.s32 $0x15230  }
0x43: {  	[spmem:s15] =	stream.linear.scatter [tilespmem:s7], [sflag:$0x12], $0x1400, $0x38;
	[tilespmem:$0x1F230] =	vst v63  }
0x44: {  	_ =	swait.ge [sflag:s16], $0x1400  }
0x45: {  	[sflag:s16] =	ssyncset.done $0x0  }
0x46: {  	s17 =	rddreg [dreg:$0x12];
	[sflag:s16] =	ssyncadd.s32 $0xFFFFEC00  }
0x47: {  	[spmem:s17] =	stream.linear.scatter [tilespmem:s7], [sflag:$0x12], $0x1400, $0x38;
	[tilespmem:$0x1F230] =	vst v63  }
0x48: {  	_ =	swait.ge [sflag:s16], $0x1400  }
0x49: {  	[sflag:s16] =	ssyncset.done $0x0  }
0x4a: {  	s25 =	rddreg [dreg:$0x13];
	[sflag:s16] =	ssyncadd.s32 $0xFFFFEC00  }
0x4b: {  	[spmem:s25] =	stream.linear.scatter [tilespmem:s7], [sflag:$0x12], $0x1400, $0x38;
	[tilespmem:$0x1F230] =	vst v63  }
0x4c: {  	_ =	swait.ge [sflag:s16], $0x1400  }
0x4d: {  	[sflag:s16] =	ssyncset.done $0x0  }
0x4e: {  	s8 =	rddreg [dreg:$0x14];
	[sflag:s16] =	ssyncadd.s32 $0xFFFFEC00  }
0x4f: {  	[spmem:s8] =	stream.linear.scatter [tilespmem:s7], [sflag:$0x12], $0x1400, $0x38;
	[tilespmem:$0x1F230] =	vst v63  }
0x50: {  	_ =	swait.ge [sflag:s16], $0x1400  }
0x51: {  	[sflag:s16] =	ssyncset.done $0x0  }
0x52: {  	s9 =	rddreg [dreg:$0x15];
	[sflag:s16] =	ssyncadd.s32 $0xFFFFEC00  }
0x53: {  	[spmem:s9] =	stream.linear.scatter [tilespmem:s7], [sflag:$0x12], $0x1400, $0x38;
	[tilespmem:$0x1F230] =	vst v63  }
0x54: {  	_ =	swait.ge [sflag:s16], $0x1400  }
0x55: {  	[sflag:s16] =	ssyncset.done $0x0  }
0x56: {  	s12 =	rddreg [dreg:$0x16];
	[sflag:s16] =	ssyncadd.s32 $0xFFFFEC00  }
0x57: {  	[spmem:s12] =	stream.linear.scatter [tilespmem:s7], [sflag:$0x12], $0x1400, $0x38;
	[tilespmem:$0x1F230] =	vst v63  }
0x58: {  	_ =	swait.ge [sflag:s16], $0x1400  }
0x59: {  	[sflag:s16] =	ssyncset.done $0x0  }
0x5a: {  	s14 =	rddreg [dreg:$0x17];
	[sflag:s16] =	ssyncadd.s32 $0xFFFFEC00  }
0x5b: {  	[spmem:s14] =	stream.linear.scatter [tilespmem:s7], [sflag:$0x12], $0x1400, $0x38;
	[tilespmem:$0x1F230] =	vst v63  }
0x5c: {  	_ =	swait.ge [sflag:s16], $0x1400  }
0x5d: {  	[sflag:s16] =	ssyncset.done $0x0  }
0x5e: {  	s15 =	rddreg [dreg:$0x18];
	[sflag:s16] =	ssyncadd.s32 $0xFFFFEC00  }
0x5f: {  	[spmem:s15] =	stream.linear.scatter [tilespmem:s7], [sflag:$0x12], $0x1000, $0x38;
	[tilespmem:$0x1F230] =	vst v63  }
0x60: {  	_ =	swait.ge [sflag:s16], $0x1000  }
0x61: {  	[sflag:s16] =	ssyncset.done $0x0  }
0x62: {  	s5 =	simm.s32 @!p2 $0x15230;
	s7 =	rddreg [dreg:$0x1b];
	[sflag:s16] =	ssyncadd.s32 $0xFFFFF000  }
0x63: {  	[spmem:s7] =	stream.linear.scatter @!p2 [tilespmem:s5], [sflag:$0x12], $0x200, $0x38;
	[tilespmem:$0x1F230] =	vst v63  }
0x64: {  	s17 =	stileid.u32;
	s5 =	simm.s32 @!p2 $0x12  }
.Ltmp3:
0x65: {  	s8 =	sshll.u32 s17, $0x6;
	_ =	swait.ge @!p2 [sflag:s5], $0x200;
	(pc) =	sbr.rel @p0 .LBB2_5-.Ltmp3, $4  }
0x66: {  	s9 =	sor.u32 $0x1C12, s8;
	s25 =	rddreg [dreg:$0x1a]  }
0x67: {  	[sflag:s5] =	ssyncset.done @!p2 $0x0;
	[smem:$0x7F3] =	sst s9  }
0x68: {  	[sflag:s5] =	ssyncadd.s32 @!p2 $0xFFFFFE00;
	s5 =	rddreg [dreg:$0x1c]  }
0x69: {  	[smem:$0x7F4] =	sst s8;
	s7 =	sshrl.u32 s25, $0x3;
	s5 =	sshrl.u32 @p1 s5, $0x3  }
0x6a: {  	s9 =	sld [smem:$0x7F6];
	_ =	sdelay $0x1  }
0x6b: {  	s8 =	sor.u32 $0x1C12, s8  }
0x6c: {  	[spmem:s7], [sflag:s8] =	dma.local [hbm:s9], $0x1380  }
0x6d: {  	_ =	swait.ge [sflag:s16], $0x1380  }
0x6e: {  	s7 =	sld [smem:$0x7F7]  }
0x6f: {  	[sflag:s16] =	ssyncset.done $0x0  }
0x70: {  	[sflag:s16] =	ssyncadd.s32 $0xFFFFEC80  }
0x71: {  	[spmem:s5], [sflag:s8] =	dma.local @p1 [hbm:s7], $0x40  }
0x72: {  	s5 =	simm.s32 @p1 $0x12  }
0x73: {  	_ =	swait.ge @p1 [sflag:s5], $0x40  }
0x74: {  	s25 =	sld [smem:$0x7FB];
	_ =	sdelay $0x2  }
0x75: {  	p3 =	seq.s32 s25, $0x1  }
.Ltmp4:
0x76: {  	_ = 	snop;
	(pc) =	sbr.rel @p3 .LBB2_9-.Ltmp4, $4  }
.Ltmp5:
0x77: {  	_ = 	snop;
	(pc) =	sbr.rel @!p3 .LBB2_6-.Ltmp5, $4  }
0x78: {  	s9 =	rddreg [dreg:$0xa]  }
0x79: {  	[sflag:s5] =	ssyncset.done @p1 $0x0;
	s8 =	rddreg [dreg:$0xc]  }
0x7a: {  	s7 =	rddreg [dreg:$0xe];
	[sflag:s5] =	ssyncadd.s32 @p1 $0xFFFFFFC0  }
0x7b: {  	_ = 	snop  }
.LBB2_5:
0x7c: {  	s8 =	rddreg [dreg:$0x1e]  }
0x7d: {  	[spmem:s7], [sflag:s9] =	dma.local [hbm:s8], $0x1380  }
0x7e: {  	_ =	swait.ge [sflag:s16], $0x1380  }
0x7f: {  	[sflag:s16] =	ssyncset.done $0x0  }
0x80: {  	s7 =	rddreg [dreg:$0x1f];
	[sflag:s16] =	ssyncadd.s32 $0xFFFFEC80  }
0x81: {  	[spmem:s5], [sflag:s9] =	dma.local @p1 [hbm:s7], $0x40  }
.Ltmp6:
0x82: {  	s5 =	simm.s32 @p1 $0x12;
	(pc) =	sbr.rel @p4 .LBB2_9-.Ltmp6, $4  }
0x83: {  	_ =	swait.ge @p1 [sflag:s5], $0x40  }
0x84: {  	s9 =	rddreg [dreg:$0xb]  }
0x85: {  	[sflag:s5] =	ssyncset.done @p1 $0x0;
	s8 =	rddreg [dreg:$0xd]  }
0x86: {  	s7 =	rddreg [dreg:$0xf];
	[sflag:s5] =	ssyncadd.s32 @p1 $0xFFFFFFC0  }
.LBB2_6:
0x87: {  	s5 =	simm.s32 $0x0;
	s12 =	simm.s32 $0x1A230  }
0x88: {  	[tilespmem:s12], [sflag:$0x12] =	stream.linear.gather [hbm4b:s9+s5], $0x140, $0x38;
	[tilespmem:$0x1F230] =	vst v63  }
0x89: {  	_ =	swait.ge [sflag:s16], $0x140  }
0x8a: {  	[sflag:s16] =	ssyncset.done $0x0  }
0x8b: {  	s25 =	simm.s32 $0x1A370;
	[sflag:s16] =	ssyncadd.s32 $0xFFFFFEC0  }
0x8c: {  	[tilespmem:s25], [sflag:$0x12] =	stream.linear.gather [hbm4b:s8+s5], $0x180, $0x38;
	[tilespmem:$0x1F230] =	vst v63  }
0x8d: {  	s12 =	smul.u32 $0xAB, s5;
	_ =	swait.ge [sflag:s16], $0x180  }
0x8e: {  	[sflag:s16] =	ssyncset.done $0x0  }
0x8f: {  	s14 =	simm.s32 $0x1A4F0;
	s15 =	sshrl.u32 s12, $0x9;
	[sflag:s16] =	ssyncadd.s32 $0xFFFFFE80  }
0x90: {  	[tilespmem:s14], [sflag:$0x12] =	stream.linear.gather [hbm4b:s7+s5], $0x80, $0x38;
	[tilespmem:$0x1F230] =	vst v63  }
0x91: {  	s7 =	sand.u32 $0xC, s15  }
0x92: {  	_ =	swait.ge [sflag:s16], $0x80;
	s7 =	sadd.s32 $0x0, s7  }
0x93: {  	[sflag:s16] =	ssyncset.done $0x0;
	s7 =	sshll.u32 s7, $0x5  }
0x94: {  	s8 =	sshrl.u32 s12, $0x5;
	[sflag:s16] =	ssyncadd.s32 $0xFFFFFF80;
	s7 =	sand.u32 $0x1C0, s7  }
0x95: {  	s17 =	sand.u32 $0x7C0, s8;
	v1 =	vld [tilespmem:s7+$0x1A370]  }
0x96: {  	v2 =	vld [tilespmem:s17+$0x1A230]  }
0x97: {  	s25 =	sand.u32 $0x40, s5  }
0x98: {  	v3 =	vld [tilespmem:s25+$0x1A4F0];
	_ =	sdelay $0x2  }
0x99: {  	v1 =	vadd.f32 v1, v2;
	_ =	sdelay $0x1  }
0x9a: {  	v1 =	vadd.f32 v3, v1  }
0x9b: {  	s8 =	simm.s32 $0x15250  }
0x9c: {  	[tilespmem:s8+$0xFFFFFFE0] =	vst v1  }
0x9d: {  	v1 =	vld [tilespmem:s17+$0x1A240]  }
0x9e: {  	v2 =	vld [tilespmem:s7+$0x1A380];
	_ =	sdelay $0x1  }
0x9f: {  	v3 =	vld [tilespmem:s25+$0x1A500];
	_ =	sdelay $0x2  }
0xa0: {  	v1 =	vadd.f32 v2, v1;
	_ =	sdelay $0x1  }
0xa1: {  	v1 =	vadd.f32 v3, v1;
	_ =	sdelay $0x1  }
0xa2: {  	[tilespmem:s8+$0xFFFFFFF0] =	vst v1  }
0xa3: {  	v1 =	vld [tilespmem:s17+$0x1A250]  }
0xa4: {  	v2 =	vld [tilespmem:s7+$0x1A390];
	_ =	sdelay $0x1  }
0xa5: {  	v3 =	vld [tilespmem:s25+$0x1A510];
	_ =	sdelay $0x2  }
0xa6: {  	v1 =	vadd.f32 v2, v1;
	_ =	sdelay $0x1  }
0xa7: {  	v1 =	vadd.f32 v3, v1;
	_ =	sdelay $0x1  }
0xa8: {  	[tilespmem:s8+$0x0] =	vst v1  }
0xa9: {  	v2 =	vld [tilespmem:s17+$0x1A260]  }
0xaa: {  	v3 =	vld [tilespmem:s7+$0x1A3A0]  }
0xab: {  	s9 =	simm.s32 $0x1  }
0xac: {  	s12 =	smul.u32 $0xAB, s9;
	v1 =	vld [tilespmem:s25+$0x1A520]  }
0xad: {  	s15 =	simm.s32 $0x2;
	s7 =	simm.s32 $0x15290  }
.LBB2_7:
0xae: {  	s17 =	sshrl.u32 s12, $0x9  }
0xaf: {  	v2 =	vadd.f32 v3, v2;
	s5 =	sadd.s32 $0x40, s5;
	s25 =	smov.u32 s15;
	s14 =	sadd.s32 $0x1, s15  }
0xb0: {  	p5 =	sne.s32 s15, $0x3B;
	s15 =	sand.u32 $0xC, s17  }
0xb1: {  	s15 =	sadd.s32 s15, s9;
	v1 =	vadd.f32 v1, v2;
	s9 =	smov.u32 s25  }
0xb2: {  	s15 =	sshll.u32 s15, $0x5  }
0xb3: {  	s12 =	sshrl.u32 s12, $0x5;
	s15 =	sand.u32 $0x1C0, s15;
	[tilespmem:s8+$0x10] =	vst v1;
	s8 =	smov.u32 s7  }
0xb4: {  	s12 =	sand.u32 $0x7C0, s12;
	v1 =	vld [tilespmem:s15+$0x1A370]  }
0xb5: {  	v2 =	vld [tilespmem:s12+$0x1A230]  }
0xb6: {  	s17 =	sand.u32 $0x40, s5  }
0xb7: {  	v3 =	vld [tilespmem:s17+$0x1A4F0];
	_ =	sdelay $0x2  }
0xb8: {  	v1 =	vadd.f32 v1, v2;
	_ =	sdelay $0x1  }
0xb9: {  	v1 =	vadd.f32 v3, v1;
	_ =	sdelay $0x1  }
0xba: {  	[tilespmem:s7+$0xFFFFFFE0] =	vst v1  }
0xbb: {  	v1 =	vld [tilespmem:s12+$0x1A240]  }
0xbc: {  	v2 =	vld [tilespmem:s15+$0x1A380];
	_ =	sdelay $0x1  }
0xbd: {  	v3 =	vld [tilespmem:s17+$0x1A500];
	_ =	sdelay $0x2  }
0xbe: {  	v1 =	vadd.f32 v2, v1;
	_ =	sdelay $0x1  }
0xbf: {  	v1 =	vadd.f32 v3, v1;
	_ =	sdelay $0x1  }
0xc0: {  	[tilespmem:s7+$0xFFFFFFF0] =	vst v1  }
0xc1: {  	v1 =	vld [tilespmem:s12+$0x1A250]  }
0xc2: {  	v2 =	vld [tilespmem:s15+$0x1A390];
	_ =	sdelay $0x1  }
0xc3: {  	v3 =	vld [tilespmem:s17+$0x1A510];
	_ =	sdelay $0x2  }
0xc4: {  	v1 =	vadd.f32 v2, v1;
	_ =	sdelay $0x1  }
0xc5: {  	v1 =	vadd.f32 v3, v1;
	_ =	sdelay $0x1  }
0xc6: {  	[tilespmem:s7+$0x0] =	vst v1  }
0xc7: {  	v2 =	vld [tilespmem:s12+$0x1A260]  }
.Ltmp7:
0xc8: {  	v3 =	vld [tilespmem:s15+$0x1A3A0];
	(pc) =	sbr.rel @p5 .LBB2_7-.Ltmp7, $3  }
0xc9: {  	v1 =	vld [tilespmem:s17+$0x1A520];
	_ =	sdelay $0x1  }
0xca: {  	s12 =	smul.u32 $0xAB, s9  }
0xcb: {  	s7 =	sadd.s32 $0x40, s7;
	s15 =	smov.u32 s14  }
0xcc: {  	s14 =	sshrl.u32 s12, $0x9;
	v2 =	vadd.f32 v3, v2  }
0xcd: {  	s14 =	sand.u32 $0xC, s14  }
0xce: {  	s9 =	sadd.s32 s14, s9;
	v1 =	vadd.f32 v1, v2  }
0xcf: {  	s9 =	sshll.u32 s9, $0x5  }
0xd0: {  	s15 =	sshrl.u32 s12, $0x5;
	s9 =	sand.u32 $0x1C0, s9;
	[tilespmem:s8+$0x10] =	vst v1  }
0xd1: {  	s17 =	sand.u32 $0x7C0, s15;
	v1 =	vld [tilespmem:s9+$0x1A370]  }
0xd2: {  	s5 =	sadd.s32 $0x40, s5;
	v2 =	vld [tilespmem:s17+$0x1A230]  }
0xd3: {  	s5 =	sand.u32 $0x40, s5  }
0xd4: {  	v3 =	vld [tilespmem:s5+$0x1A4F0];
	_ =	sdelay $0x2  }
0xd5: {  	v1 =	vadd.f32 v1, v2;
	_ =	sdelay $0x1  }
0xd6: {  	v1 =	vadd.f32 v3, v1;
	_ =	sdelay $0x1  }
0xd7: {  	[tilespmem:s7+$0xFFFFFFE0] =	vst v1  }
0xd8: {  	v1 =	vld [tilespmem:s17+$0x1A240]  }
0xd9: {  	v2 =	vld [tilespmem:s9+$0x1A380];
	_ =	sdelay $0x1  }
0xda: {  	v3 =	vld [tilespmem:s5+$0x1A500];
	_ =	sdelay $0x2  }
0xdb: {  	v1 =	vadd.f32 v2, v1;
	_ =	sdelay $0x1  }
0xdc: {  	v1 =	vadd.f32 v3, v1;
	_ =	sdelay $0x1  }
0xdd: {  	[tilespmem:s7+$0xFFFFFFF0] =	vst v1  }
0xde: {  	v1 =	vld [tilespmem:s17+$0x1A250]  }
0xdf: {  	v2 =	vld [tilespmem:s9+$0x1A390];
	_ =	sdelay $0x1  }
0xe0: {  	v3 =	vld [tilespmem:s5+$0x1A510];
	_ =	sdelay $0x2  }
0xe1: {  	v1 =	vadd.f32 v2, v1;
	_ =	sdelay $0x1  }
0xe2: {  	v1 =	vadd.f32 v3, v1;
	_ =	sdelay $0x1  }
0xe3: {  	[tilespmem:s7+$0x0] =	vst v1  }
0xe4: {  	v1 =	vld [tilespmem:s17+$0x1A260]  }
0xe5: {  	v2 =	vld [tilespmem:s9+$0x1A3A0];
	_ =	sdelay $0x1  }
0xe6: {  	v3 =	vld [tilespmem:s5+$0x1A520];
	_ =	sdelay $0x2  }
0xe7: {  	v1 =	vadd.f32 v2, v1;
	_ =	sdelay $0x1  }
0xe8: {  	v1 =	vadd.f32 v3, v1;
	_ =	sdelay $0x1  }
0xe9: {  	s25 =	simm.s32 $0x15230;
	[tilespmem:s7+$0x10] =	vst v1  }
0xea: {  	[spmem:s3] =	stream.linear.scatter [tilespmem:s25], [sflag:$0x12], $0x1000, $0x38;
	[tilespmem:$0x1F230] =	vst v63  }
0xeb: {  	_ =	swait.ge [sflag:s16], $0x1000  }
0xec: {  	[sflag:s16] =	ssyncset.done $0x0  }
0xed: {  	[sflag:s16] =	ssyncadd.s32 $0xFFFFF000  }
.LBB2_9:
.Ltmp8:
0xee: {  	(pc) =	sbr.rel .LBB2_10-.Ltmp8, $3  }
0xef: {  	_ =	sdelay $0x1  }
0xf0: {  	[bflag:$0x0] =	sbarrier.arrive $0xFFFF  }
0xf1: {  	s25 =	simm.s32 $0x0  }
.LBB2_48:
0xf2: {  	v10 =	vmax.f32 v10, $0.0e+00;
	v4 =	vadd.f32 v9, v4  }
0xf3: {  	v60 =	vld [tilespmem:s8+$0x20];
	[tilespmem:s8+$0x10] =	vst v10  }
0xf4: {  	v61 =	vld [tilespmem:s15+$0x20];
	v4 =	vmax.f32 v4, $0.0e+00  }
0xf5: {  	[tilespmem:s8+$0xFFFFFFD0] =	vst v4  }
0xf6: {  	v4 =	vld [tilespmem:s15+$0xFFFFFFE0];
	_ =	sdelay $0x2  }
0xf7: {  	v9 =	vadd.f32 v61, v60;
	_ =	sdelay $0x1  }
0xf8: {  	v9 =	vmax.f32 v9, $0.0e+00;
	v3 =	vadd.f32 v4, v3  }
0xf9: {  	v62 =	vld [tilespmem:s8+$0x30];
	[tilespmem:s8+$0x20] =	vst v9  }
0xfa: {  	v9 =	vld [tilespmem:s15+$0x30];
	v3 =	vmax.f32 v3, $0.0e+00  }
0xfb: {  	v63 =	vld [tilespmem:s7+$0xFFFFFFF0];
	[tilespmem:s8+$0xFFFFFFE0] =	vst v3  }
0xfc: {  	v3 =	vld [tilespmem:s15+$0xFFFFFFF0]  }
0xfd: {  	v5 =	vadd.f32 v7, v5  }
0xfe: {  	v1 =	vadd.f32 v8, v1  }
0xff: {  	v5 =	vmax.f32 v5, $0.0e+00;
	v4 =	vadd.f32 v9, v62  }
0x100: {  	v1 =	vmax.f32 v1, $0.0e+00;
	[tilespmem:s5+$0x30] =	vst v5;
	v2 =	vadd.f32 v63, v2  }
0x101: {  	[tilespmem:s14+$0xFFFFFFF0] =	vst v1;
	v1 =	vmax.f32 v4, $0.0e+00;
	v3 =	vadd.f32 v3, v6  }
0x102: {  	[tilespmem:s8+$0x30] =	vst v1;
	v1 =	vmax.f32 v2, $0.0e+00  }
0x103: {  	[tilespmem:s5+$0xFFFFFFF0] =	vst v1;
	v1 =	vmax.f32 v3, $0.0e+00  }
0x104: {  	[tilespmem:s8+$0xFFFFFFF0] =	vst v1  }
0x105: {  	_ =	swait.ge [sflag:s28], $0x50  }
0x106: {  	[sflag:s28] =	ssyncset.done $0x0  }
0x107: {  	s17 =	simm.s32 $0x18E30;
	s15 =	simm.s32 $0x151E0;
	[sflag:s28] =	ssyncadd.s32 $0xFFFFFFB0  }
0x108: {  	[spmem:s1] =	stream.indirect.scatter.add.f32 [tilespmem:s17], [sflag:$0xD], $0x40, s15, s21, $0xb8;
	[tilespmem:$0x1F230] =	vst v63  }
.LBB2_49:
0x109: {  	s25 =	sadd.s32 $0x1, s25  }
0x10a: {  	p3 =	sne.s32 s25, $0xFA  }
.Ltmp9:
0x10b: {  	_ = 	snop;
	(pc) =	sbr.rel @!p3 .LBB2_50-.Ltmp9, $1  }
0x10c: {  	_ =	sdelay $0x3  }
.LBB2_10:
0x10d: {  	s5 =	smul.u32 $0x29, s25;
	_ =	sdelay $0x1  }
0x10e: {  	s5 =	sshrl.u32 s5, $0xA  }
0x10f: {  	s5 =	sand.u32 $0x3F, s5  }
0x110: {  	s5 =	smul.u32 $0x19, s5;
	_ =	sdelay $0x1  }
0x111: {  	s5 =	ssub.s32 s25, s5  }
0x112: {  	s5 =	sand.u32 $0xFF, s5  }
0x113: {  	p5 =	sne.s32 s5, $0x0  }
.Ltmp10:
0x114: {  	_ = 	snop;
	(pc) =	sbr.rel @p5 .LBB2_14-.Ltmp10, $1  }
0x115: {  	_ =	sdelay $0x3  }
0x116: {  	s5 =	smul.u32 $0x50, s25;
	_ =	sdelay $0x1  }
0x117: {  	s5 =	sadd.s32 s30, s5  }
0x118: {  	s7 =	rddreg [dreg:$0x7];
	s5 =	sshrl.u32 s5, $0x3  }
0x119: {  	s8 =	simm.s32 $0x14150;
	s12 =	rddreg [dreg:$0x8];
	s7 =	sadd.s32 s7, s5  }
0x11a: {  	[tilespmem:s8], [sflag:$0x1] =	stream.linear.gather [hbm4b:s7+s4], $0x7D0, $0x38;
	[tilespmem:$0x1F230] =	vst v63  }
0x11b: {  	s14 =	rddreg [dreg:$0x9];
	s7 =	sadd.s32 s12, s5  }
0x11c: {  	[tilespmem:s18], [sflag:$0x1] =	stream.linear.gather [hbm4b:s7+s4], $0x7D0, $0x38;
	[tilespmem:$0x1F230] =	vst v63  }
0x11d: {  	s15 =	simm.s32 $0x14920;
	s7 =	sadd.s32 s14, s5  }
0x11e: {  	[tilespmem:s15], [sflag:$0x1] =	stream.linear.gather [hbm4b:s7+s4], $0x7D0, $0x38;
	[tilespmem:$0x1F230] =	vst v63  }
0x11f: {  	_ =	swait.ge [sflag:s13], $0x7D0  }
0x120: {  	[sflag:s13] =	ssyncset.done $0x0  }
0x121: {  	[sflag:s13] =	ssyncadd.s32 $0xFFFFF830  }
0x122: {  	_ =	swait.ge [sflag:s13], $0x7D0  }
0x123: {  	[sflag:s13] =	ssyncset.done $0x0  }
0x124: {  	[sflag:s13] =	ssyncadd.s32 $0xFFFFF830  }
0x125: {  	_ =	swait.ge [sflag:s13], $0x7D0  }
0x126: {  	[sflag:s13] =	ssyncset.done $0x0  }
0x127: {  	s17 =	simm.s32 $0x14930;
	[sflag:s13] =	ssyncadd.s32 $0xFFFFF830  }
0x128: {  	s9 =	simm.s32 $0x13990;
	v7 =	vld [tilespmem:s17+$0xFFFFFFF0]  }
0x129: {  	s7 =	simm.s32 $0x14160;
	v4 =	vld [tilespmem:s9+$0x0]  }
0x12a: {  	v5 =	vld [tilespmem:s7+$0xFFFFFFF0]  }
0x12b: {  	v6 =	vld [tilespmem:s7+$0x0]  }
0x12c: {  	v8 =	vld [tilespmem:s9+$0xFFFFFFF0]  }
0x12d: {  	s12 =	simm.s32 $0x14950;
	v9 =	vld [tilespmem:s17+$0x0]  }
0x12e: {  	s8 =	simm.s32 $0x139B0;
	v1 =	vld [tilespmem:s12+$0xFFFFFFF0]  }
0x12f: {  	v2 =	vld [tilespmem:s8+$0x0];
	s9 =	simm.s32 $0x14180  }
0x130: {  	v3 =	vld [tilespmem:s9+$0xFFFFFFF0];
	v10 =	vmul.u32 $0xC, v5;
	v11 =	vmul.u32 $0xC, v6  }
0x131: {  	v5 =	vld [tilespmem:s9+$0x0];
	v8 =	vshll.u32 v8, $0x1;
	v4 =	vshll.u32 v4, $0x1  }
0x132: {  	v6 =	vld [tilespmem:s8+$0xFFFFFFF0];
	v8 =	vadd.s32 v10, v8;
	v10 =	vadd.s32 v11, v4  }
0x133: {  	s14 =	simm.s32 $0x2;
	s15 =	simm.s32 $0x14970;
	v4 =	vld [tilespmem:s12+$0x0];
	s12 =	simm.s32 $0x14180;
	v8 =	vadd.s32 v7, v8;
	v7 =	vadd.s32 v9, v10  }
.LBB2_12:
0x134: {  	s14 =	sadd.s32 $0x2, s14  }
0x135: {  	v9 =	vld [tilespmem:s15+$0xFFFFFFF0];
	s8 =	sadd.s32 $0x20, s8;
	[tilespmem:s7+$0xFFFFFFF0] =	vst v8;
	v8 =	vmov v2;
	p6 =	slt.u32 s14, $0x7A  }
.Ltmp11:
0x136: {  	s9 =	sadd.s32 $0x20, s9;
	v2 =	vld [tilespmem:s8+$0x0];
	[tilespmem:s7+$0x0] =	vst v7;
	(pc) =	sbr.rel @p6 .LBB2_12-.Ltmp11, $4  }
0x137: {  	v7 =	vmul.u32 $0xC, v3;
	s7 =	smov.u32 s12;
	s12 =	smov.u32 s9;
	v3 =	vld [tilespmem:s9+$0xFFFFFFF0];
	v10 =	vmul.u32 $0xC, v5  }
0x138: {  	v8 =	vshll.u32 v8, $0x1;
	v5 =	vld [tilespmem:s9+$0x0];
	v11 =	vshll.u32 v6, $0x1  }
0x139: {  	v6 =	vld [tilespmem:s8+$0xFFFFFFF0];
	v7 =	vadd.s32 v7, v11;
	v10 =	vadd.s32 v10, v8  }
0x13a: {  	v8 =	vadd.s32 v1, v7;
	v7 =	vadd.s32 v4, v10;
	v4 =	vld [tilespmem:s15+$0x0];
	s15 =	sadd.s32 $0x20, s15;
	v1 =	vmov v9  }
0x13b: {  	_ =	sdelay $0x1  }
0x13c: {  	v3 =	vmul.u32 $0xC, v3  }
0x13d: {  	v5 =	vmul.u32 $0xC, v5;
	v6 =	vshll.u32 v6, $0x1  }
0x13e: {  	[tilespmem:s7+$0xFFFFFFF0] =	vst v8;
	v2 =	vshll.u32 v2, $0x1;
	v3 =	vadd.s32 v3, v6  }
0x13f: {  	[tilespmem:s7+$0x0] =	vst v7;
	v2 =	vadd.s32 v5, v2;
	v1 =	vadd.s32 v1, v3  }
0x140: {  	v2 =	vadd.s32 v4, v2;
	[tilespmem:s12+$0xFFFFFFF0] =	vst v1  }
0x141: {  	[tilespmem:s12+$0x0] =	vst v2  }
0x142: {  	v1 =	vld [tilespmem:$0x14910]  }
0x143: {  	v2 =	vld [tilespmem:$0x14140];
	_ =	sdelay $0x1  }
0x144: {  	v3 =	vld [tilespmem:$0x150E0];
	_ =	sdelay $0x1  }
0x145: {  	v1 =	vmul.u32 $0xC, v1  }
0x146: {  	v2 =	vshll.u32 v2, $0x1  }
0x147: {  	v1 =	vadd.s32 v1, v2  }
0x148: {  	s7 =	rddreg [dreg:$0x6];
	v1 =	vadd.s32 v3, v1  }
0x149: {  	s5 =	sadd.s32 s7, s5;
	[tilespmem:$0x14910] =	vst v1  }
0x14a: {  	[tilespmem:s18], [sflag:$0x12] =	stream.linear.gather [hbm4b:s5+s4], $0x7D0, $0x38;
	[tilespmem:$0x1F230] =	vst v63  }
0x14b: {  	_ =	swait.ge [sflag:s16], $0x7D0  }
0x14c: {  	[sflag:s16] =	ssyncset.done $0x0  }
0x14d: {  	[sflag:s16] =	ssyncadd.s32 $0xFFFFF830  }
.LBB2_14:
0x14e: {  	s5 =	sand.u32 $0x3, s25  }
0x14f: {  	p6 =	sgt.s32 s5, $0x1  }
.Ltmp12:
0x150: {  	_ = 	snop;
	(pc) =	sbr.rel @p6 .LBB2_40-.Ltmp12, $1  }
0x151: {  	_ =	sdelay $0x3  }
0x152: {  	p6 =	seq.s32 s5, $0x0  }
.Ltmp13:
0x153: {  	_ = 	snop;
	(pc) =	sbr.rel @!p6 .LBB2_24-.Ltmp13, $2  }
0x154: {  	_ =	sdelay $0x2  }
0x155: {  	p3 =	sne.s32 s25, $0x0  }
.Ltmp14:
0x156: {  	(pc) =	sbr.rel @!p3 .LBB2_17-.Ltmp14, $1  }
0x157: {  	_ =	sdelay $0x3  }
0x158: {  	s5 =	sadd.s32 @!p5 $0x1, s25  }
0x159: {  	s7 =	smulhi.u32 @!p5 $0x51EB851F, s5;
	_ =	sdelay $0x1  }
0x15a: {  	s8 =	simm.s32 @!p5 $0x50;
	s7 =	sshrl.u32 @!p5 s7, $0x3  }
0x15b: {  	s9 =	simm.s32 @!p5 $0x13980;
	s12 =	simm.s32 @!p5 $0x15230;
	s7 =	smul.u32 @!p5 $0x19, s7  }
0x15c: {  	[tilespmem:s12], [sflag:$0x2] =	stream.indirect.gather @!p5 [spmem:s2], $0x40, s9, s8, $0xb8;
	[tilespmem:$0x1F230] =	vst v63  }
0x15d: {  	p3 =	sgt.u32 s25, $0xF7;
	s5 =	ssub.s32 @!p5 s5, s7  }
0x15e: {  	s9 =	simm.s32 @!p5 $0x1A230;
	s7 =	simm.s32 @!p5 $0x14150;
	s5 =	smul.u32 @!p5 $0x50, s5  }
0x15f: {  	[tilespmem:s9], [sflag:$0x6] =	stream.indirect.gather @!p5 [spmem:s3], $0x40, s7, s8, $0xb8;
	[tilespmem:$0x1F230] =	vst v63  }
.Ltmp15:
0x160: {  	_ = 	snop;
	(pc) =	sbr.rel @p3 .LBB2_21-.Ltmp15, $4  }
0x161: {  	s9 =	simm.s32 @!p5 $0x16630;
	s7 =	sadd.s32 @!p5 $0x13980, s5  }
0x162: {  	[tilespmem:s9], [sflag:$0x3] =	stream.indirect.gather @!p5 [spmem:s2], $0x40, s7, s8, $0xb8;
	[tilespmem:$0x1F230] =	vst v63  }
0x163: {  	s5 =	sadd.s32 @!p5 $0x14150, s5;
	s7 =	simm.s32 @!p5 $0x1B630  }
0x164: {  	[tilespmem:s7], [sflag:$0x7] =	stream.indirect.gather @!p5 [spmem:s3], $0x40, s5, s8, $0xb8;
	[tilespmem:$0x1F230] =	vst v63  }
.Ltmp16:
0x165: {  	p3 =	seq.s32 s25, $0x1;
	(pc) =	sbr.rel .LBB2_20-.Ltmp16, $4  }
0x166: {  	s5 =	simm.s32 @!p3 $0xC  }
0x167: {  	_ =	swait.ge @!p3 [sflag:s5], $0x1400  }
0x168: {  	[sflag:s5] =	ssyncset.done @!p3 $0x0  }
0x169: {  	[sflag:s5] =	ssyncadd.s32 @!p3 $0xFFFFEC00  }
.LBB2_40:
0x16a: {  	p3 =	seq.s32 s5, $0x2  }
.Ltmp17:
0x16b: {  	_ = 	snop;
	(pc) =	sbr.rel @!p3 .LBB2_41-.Ltmp17, $2  }
0x16c: {  	_ =	sdelay $0x2  }
0x16d: {  	p6 =	sne.s32 s25, $0x0  }
.Ltmp18:
0x16e: {  	(pc) =	sbr.rel @!p6 .LBB2_33-.Ltmp18, $1  }
0x16f: {  	_ =	sdelay $0x3  }
0x170: {  	s5 =	sadd.s32 @!p5 $0x1, s25  }
0x171: {  	s7 =	smulhi.u32 @!p5 $0x51EB851F, s5;
	_ =	sdelay $0x1  }
0x172: {  	s8 =	simm.s32 @!p5 $0x50;
	s7 =	sshrl.u32 @!p5 s7, $0x3  }
0x173: {  	s9 =	simm.s32 @!p5 $0x13980;
	s12 =	simm.s32 @!p5 $0x17A30;
	s7 =	smul.u32 @!p5 $0x19, s7  }
0x174: {  	[tilespmem:s12], [sflag:$0x4] =	stream.indirect.gather @!p5 [spmem:s2], $0x40, s9, s8, $0xb8;
	[tilespmem:$0x1F230] =	vst v63  }
0x175: {  	p3 =	sgt.u32 s25, $0xF7;
	s5 =	ssub.s32 @!p5 s5, s7  }
0x176: {  	s9 =	simm.s32 @!p5 $0x1CA30;
	s7 =	simm.s32 @!p5 $0x14150;
	s5 =	smul.u32 @!p5 $0x50, s5  }
0x177: {  	[tilespmem:s9], [sflag:$0x8] =	stream.indirect.gather @!p5 [spmem:s3], $0x40, s7, s8, $0xb8;
	[tilespmem:$0x1F230] =	vst v63  }
.Ltmp19:
0x178: {  	_ = 	snop;
	(pc) =	sbr.rel @p3 .LBB2_37-.Ltmp19, $4  }
0x179: {  	s9 =	simm.s32 @!p5 $0x18E30;
	s7 =	sadd.s32 @!p5 $0x13980, s5  }
0x17a: {  	[tilespmem:s9], [sflag:$0x5] =	stream.indirect.gather @!p5 [spmem:s2], $0x40, s7, s8, $0xb8;
	[tilespmem:$0x1F230] =	vst v63  }
0x17b: {  	s5 =	sadd.s32 @!p5 $0x14150, s5;
	s7 =	simm.s32 @!p5 $0x1DE30  }
0x17c: {  	[tilespmem:s7], [sflag:$0x9] =	stream.indirect.gather @!p5 [spmem:s3], $0x40, s5, s8, $0xb8;
	[tilespmem:$0x1F230] =	vst v63  }
.Ltmp20:
0x17d: {  	p3 =	seq.s32 s25, $0x1;
	(pc) =	sbr.rel .LBB2_36-.Ltmp20, $4  }
0x17e: {  	s5 =	simm.s32 @!p3 $0xA  }
0x17f: {  	_ =	swait.ge @!p3 [sflag:s5], $0x1400  }
0x180: {  	[sflag:s5] =	ssyncset.done @!p3 $0x0  }
0x181: {  	[sflag:s5] =	ssyncadd.s32 @!p3 $0xFFFFEC00  }
.LBB2_24:
.Ltmp21:
0x182: {  	(pc) =	sbr.rel @!p3 .LBB2_25-.Ltmp21, $1  }
0x183: {  	_ =	sdelay $0x3  }
0x184: {  	s5 =	sadd.s32 @!p5 $0x1, s25  }
0x185: {  	s7 =	smulhi.u32 @!p5 $0x51EB851F, s5;
	_ =	sdelay $0x1  }
0x186: {  	s8 =	simm.s32 @!p5 $0x50;
	s7 =	sshrl.u32 @!p5 s7, $0x3  }
0x187: {  	s9 =	simm.s32 @!p5 $0x13980;
	s12 =	simm.s32 @!p5 $0x16630;
	s7 =	smul.u32 @!p5 $0x19, s7  }
0x188: {  	[tilespmem:s12], [sflag:$0x3] =	stream.indirect.gather @!p5 [spmem:s2], $0x40, s9, s8, $0xb8;
	[tilespmem:$0x1F230] =	vst v63  }
0x189: {  	p3 =	sgt.u32 s25, $0xF7;
	s5 =	ssub.s32 @!p5 s5, s7  }
0x18a: {  	s9 =	simm.s32 @!p5 $0x1B630;
	s7 =	simm.s32 @!p5 $0x14150;
	s5 =	smul.u32 @!p5 $0x50, s5  }
0x18b: {  	[tilespmem:s9], [sflag:$0x7] =	stream.indirect.gather @!p5 [spmem:s3], $0x40, s7, s8, $0xb8;
	[tilespmem:$0x1F230] =	vst v63  }
.Ltmp22:
0x18c: {  	_ = 	snop;
	(pc) =	sbr.rel @p3 .LBB2_29-.Ltmp22, $4  }
0x18d: {  	s9 =	simm.s32 @!p5 $0x17A30;
	s7 =	sadd.s32 @!p5 $0x13980, s5  }
0x18e: {  	[tilespmem:s9], [sflag:$0x4] =	stream.indirect.gather @!p5 [spmem:s2], $0x40, s7, s8, $0xb8;
	[tilespmem:$0x1F230] =	vst v63  }
0x18f: {  	s5 =	sadd.s32 @!p5 $0x14150, s5;
	s7 =	simm.s32 @!p5 $0x1CA30  }
0x190: {  	[tilespmem:s7], [sflag:$0x8] =	stream.indirect.gather @!p5 [spmem:s3], $0x40, s5, s8, $0xb8;
	[tilespmem:$0x1F230] =	vst v63  }
.Ltmp23:
0x191: {  	p3 =	seq.s32 s25, $0x1;
	(pc) =	sbr.rel .LBB2_28-.Ltmp23, $4  }
0x192: {  	s5 =	simm.s32 @!p3 $0xD  }
0x193: {  	_ =	swait.ge @!p3 [sflag:s5], $0x1400  }
0x194: {  	[sflag:s5] =	ssyncset.done @!p3 $0x0  }
0x195: {  	[sflag:s5] =	ssyncadd.s32 @!p3 $0xFFFFEC00  }
.LBB2_41:
.Ltmp24:
0x196: {  	(pc) =	sbr.rel @!p6 .LBB2_42-.Ltmp24, $1  }
0x197: {  	_ =	sdelay $0x3  }
0x198: {  	s5 =	sadd.s32 @!p5 $0x1, s25  }
0x199: {  	s7 =	smulhi.u32 @!p5 $0x51EB851F, s5;
	_ =	sdelay $0x1  }
0x19a: {  	s8 =	simm.s32 @!p5 $0x50;
	s7 =	sshrl.u32 @!p5 s7, $0x3  }
0x19b: {  	s9 =	simm.s32 @!p5 $0x13980;
	s12 =	simm.s32 @!p5 $0x18E30;
	s7 =	smul.u32 @!p5 $0x19, s7  }
0x19c: {  	[tilespmem:s12], [sflag:$0x5] =	stream.indirect.gather @!p5 [spmem:s2], $0x40, s9, s8, $0xb8;
	[tilespmem:$0x1F230] =	vst v63  }
0x19d: {  	p3 =	sgt.u32 s25, $0xF7;
	s5 =	ssub.s32 @!p5 s5, s7  }
0x19e: {  	s9 =	simm.s32 @!p5 $0x1DE30;
	s7 =	simm.s32 @!p5 $0x14150;
	s5 =	smul.u32 @!p5 $0x50, s5  }
0x19f: {  	[tilespmem:s9], [sflag:$0x9] =	stream.indirect.gather @!p5 [spmem:s3], $0x40, s7, s8, $0xb8;
	[tilespmem:$0x1F230] =	vst v63  }
.Ltmp25:
0x1a0: {  	_ = 	snop;
	(pc) =	sbr.rel @p3 .LBB2_46-.Ltmp25, $4  }
0x1a1: {  	s9 =	simm.s32 @!p5 $0x15230;
	s7 =	sadd.s32 @!p5 $0x13980, s5  }
0x1a2: {  	[tilespmem:s9], [sflag:$0x2] =	stream.indirect.gather @!p5 [spmem:s2], $0x40, s7, s8, $0xb8;
	[tilespmem:$0x1F230] =	vst v63  }
0x1a3: {  	s5 =	sadd.s32 @!p5 $0x14150, s5;
	s7 =	simm.s32 @!p5 $0x1A230  }
0x1a4: {  	[tilespmem:s7], [sflag:$0x6] =	stream.indirect.gather @!p5 [spmem:s3], $0x40, s5, s8, $0xb8;
	[tilespmem:$0x1F230] =	vst v63  }
.Ltmp26:
0x1a5: {  	p3 =	seq.s32 s25, $0x1;
	(pc) =	sbr.rel .LBB2_45-.Ltmp26, $4  }
0x1a6: {  	s5 =	simm.s32 @!p3 $0xB  }
0x1a7: {  	_ =	swait.ge @!p3 [sflag:s5], $0x1400  }
0x1a8: {  	[sflag:s5] =	ssyncset.done @!p3 $0x0  }
0x1a9: {  	[sflag:s5] =	ssyncadd.s32 @!p3 $0xFFFFEC00  }
.LBB2_17:
0x1aa: {  	s5 =	sld [smem:$0x7FC];
	_ =	sdelay $0x1  }
0x1ab: {  	s7 =	simm.s32 $0x150F0;
	s15 =	sld [smem:$0x7FD]  }
0x1ac: {  	[tilespmem:s7], [sflag:$0xE] =	stream.linear.gather [hbm4b:s5+s4], $0x50, $0x38;
	[tilespmem:$0x1F230] =	vst v63  }
0x1ad: {  	s17 =	simm.s32 $0x15140  }
0x1ae: {  	[tilespmem:s17], [sflag:$0xF] =	stream.linear.gather [hbm4b:s15+s4], $0x50, $0x38;
	[tilespmem:$0x1F230] =	vst v63  }
0x1af: {  	s7 =	simm.s32 $0x15230  }
0x1b0: {  	[tilespmem:s7], [sflag:$0x2] =	stream.indirect.gather [spmem:s2], $0x40, s18, s21, $0xb8;
	[tilespmem:$0x1F230] =	vst v63  }
0x1b1: {  	s8 =	simm.s32 $0x1A230;
	s9 =	simm.s32 $0x14150  }
0x1b2: {  	[tilespmem:s8], [sflag:$0x6] =	stream.indirect.gather [spmem:s3], $0x40, s9, s21, $0xb8;
	[tilespmem:$0x1F230] =	vst v63  }
0x1b3: {  	s12 =	simm.s32 $0x139D0;
	s14 =	simm.s32 $0x16630  }
0x1b4: {  	[tilespmem:s14], [sflag:$0x3] =	stream.indirect.gather [spmem:s2], $0x40, s12, s21, $0xb8;
	[tilespmem:$0x1F230] =	vst v63  }
0x1b5: {  	s15 =	simm.s32 $0x141A0;
	s17 =	simm.s32 $0x1B630  }
0x1b6: {  	[tilespmem:s17], [sflag:$0x7] =	stream.indirect.gather [spmem:s3], $0x40, s15, s21, $0xb8;
	[tilespmem:$0x1F230] =	vst v63  }
.LBB2_20:
0x1b7: {  	s5 =	sadd.s32 $0x2, s25  }
0x1b8: {  	s7 =	smul.u32 $0x29, s5;
	_ =	sdelay $0x1  }
0x1b9: {  	s7 =	sshrl.u32 s7, $0xA  }
0x1ba: {  	s7 =	sand.u32 $0x3F, s7  }
0x1bb: {  	s7 =	smul.u32 $0x19, s7;
	_ =	sdelay $0x1  }
0x1bc: {  	s8 =	smul.u32 $0x50, s5;
	s5 =	ssub.s32 s5, s7  }
0x1bd: {  	s7 =	sand.u32 $0xFF, s5  }
0x1be: {  	s8 =	sadd.s32 s30, s8;
	p3 =	slt.u32 s7, $0x2  }
0x1bf: {  	s15 =	sshrl.u32 s8, $0x3;
	s5 =	sand.u32 @!p3 $0xFF, s5  }
0x1c0: {  	s17 =	simm.s32 $0x15190;
	s7 =	sadd.s32 s6, s15;
	s5 =	smul.u32 @!p3 $0x50, s5  }
0x1c1: {  	[tilespmem:s17], [sflag:$0x10] =	stream.linear.gather [hbm4b:s7+s4], $0x50, $0x38;
	[tilespmem:$0x1F230] =	vst v63  }
0x1c2: {  	s8 =	simm.s32 @!p3 $0x50;
	s9 =	simm.s32 @!p3 $0x17A30;
	s7 =	sadd.s32 @!p3 $0x13980, s5  }
0x1c3: {  	[tilespmem:s9], [sflag:$0x4] =	stream.indirect.gather @!p3 [spmem:s2], $0x40, s7, s8, $0xb8;
	[tilespmem:$0x1F230] =	vst v63  }
0x1c4: {  	s5 =	sadd.s32 @!p3 $0x14150, s5;
	s7 =	simm.s32 @!p3 $0x1CA30  }
0x1c5: {  	[tilespmem:s7], [sflag:$0x8] =	stream.indirect.gather @!p3 [spmem:s3], $0x40, s5, s8, $0xb8;
	[tilespmem:$0x1F230] =	vst v63  }
.LBB2_21:
0x1c6: {  	_ =	swait.ge [sflag:s31], $0x1400  }
0x1c7: {  	[sflag:s31] =	ssyncset.done $0x0  }
0x1c8: {  	[sflag:s31] =	ssyncadd.s32 $0xFFFFEC00  }
0x1c9: {  	_ =	swait.ge [sflag:s11], $0x1400  }
0x1ca: {  	[sflag:s11] =	ssyncset.done $0x0  }
0x1cb: {  	s14 =	simm.s32 $0x15270;
	[sflag:s11] =	ssyncadd.s32 $0xFFFFEC00  }
0x1cc: {  	s15 =	simm.s32 $0x1A270;
	v1 =	vld [tilespmem:s14+$0x0]  }
0x1cd: {  	v2 =	vld [tilespmem:s15+$0x0];
	_ =	sdelay $0x4  }
0x1ce: {  	v1 =	vadd.f32 v2, v1  }
0x1cf: {  	v3 =	vld [tilespmem:s14+$0xFFFFFFC0]  }
0x1d0: {  	v2 =	vld [tilespmem:s15+$0xFFFFFFC0];
	v1 =	vmax.f32 v1, $0.0e+00  }
0x1d1: {  	[tilespmem:s14+$0x0] =	vst v1;
	v1 =	vld [tilespmem:s14+$0x10]  }
0x1d2: {  	v4 =	vld [tilespmem:s15+$0x10];
	_ =	sdelay $0x2  }
0x1d3: {  	s5 =	simm.s32 $0x152F0;
	v5 =	vld [tilespmem:s14+$0xFFFFFFD0]  }
0x1d4: {  	s7 =	simm.s32 $0x1A2F0;
	v2 =	vadd.f32 v2, v3;
	v3 =	vld [tilespmem:s5+$0x0]  }
0x1d5: {  	v1 =	vadd.f32 v4, v1;
	v4 =	vld [tilespmem:s7+$0x0]  }
0x1d6: {  	v6 =	vld [tilespmem:s14+$0xFFFFFFE0];
	v2 =	vmax.f32 v2, $0.0e+00  }
0x1d7: {  	v7 =	vld [tilespmem:s14+$0x20];
	[tilespmem:s14+$0xFFFFFFC0] =	vst v2;
	v1 =	vmax.f32 v1, $0.0e+00  }
0x1d8: {  	v2 =	vld [tilespmem:s15+$0xFFFFFFD0];
	[tilespmem:s14+$0x10] =	vst v1  }
0x1d9: {  	v8 =	vld [tilespmem:s15+$0x20]  }
0x1da: {  	v1 =	vadd.f32 v4, v3;
	v3 =	vld [tilespmem:s7+$0xFFFFFFC0]  }
0x1db: {  	v4 =	vld [tilespmem:s5+$0xFFFFFFC0]  }
0x1dc: {  	s8 =	simm.s32 $0x15370;
	v11 =	vld [tilespmem:s14+$0x30]  }
0x1dd: {  	v14 =	vld [tilespmem:s8+$0xFFFFFFC0];
	v2 =	vadd.f32 v2, v5  }
0x1de: {  	v5 =	vld [tilespmem:s5+$0x10];
	v9 =	vmax.f32 v1, $0.0e+00  }
0x1df: {  	v1 =	vld [tilespmem:s14+$0xFFFFFFF0];
	v2 =	vmax.f32 v2, $0.0e+00;
	[tilespmem:s5+$0x0] =	vst v9  }
0x1e0: {  	[tilespmem:s14+$0xFFFFFFD0] =	vst v2;
	v7 =	vadd.f32 v8, v7;
	v8 =	vld [tilespmem:s7+$0x10];
	v2 =	vadd.f32 v3, v4  }
0x1e1: {  	v9 =	vld [tilespmem:s5+$0xFFFFFFD0]  }
0x1e2: {  	v10 =	vld [tilespmem:s15+$0xFFFFFFE0];
	v2 =	vmax.f32 v2, $0.0e+00  }
0x1e3: {  	v4 =	vld [tilespmem:s8+$0x0];
	v3 =	vmax.f32 v7, $0.0e+00;
	[tilespmem:s5+$0xFFFFFFC0] =	vst v2  }
0x1e4: {  	[tilespmem:s14+$0x20] =	vst v3;
	v3 =	vld [tilespmem:s7+$0xFFFFFFD0]  }
0x1e5: {  	v7 =	vld [tilespmem:s5+$0xFFFFFFE0];
	v2 =	vadd.f32 v8, v5  }
0x1e6: {  	s9 =	simm.s32 $0x1A370;
	v12 =	vld [tilespmem:s15+$0x30]  }
0x1e7: {  	v5 =	vld [tilespmem:s9+$0x0];
	v2 =	vmax.f32 v2, $0.0e+00  }
0x1e8: {  	v8 =	vld [tilespmem:s5+$0x20];
	[tilespmem:s5+$0x10] =	vst v2  }
0x1e9: {  	v13 =	vld [tilespmem:s7+$0x20];
	v3 =	vadd.f32 v3, v9  }
0x1ea: {  	v2 =	vld [tilespmem:s5+$0xFFFFFFF0]  }
0x1eb: {  	v9 =	vld [tilespmem:s9+$0xFFFFFFC0];
	v3 =	vmax.f32 v3, $0.0e+00  }
0x1ec: {  	v5 =	vadd.f32 v5, v4;
	v4 =	vld [tilespmem:s8+$0xFFFFFFD0];
	[tilespmem:s5+$0xFFFFFFD0] =	vst v3  }
0x1ed: {  	v62 =	vld [tilespmem:s7+$0xFFFFFFE0]  }
0x1ee: {  	v3 =	vmax.f32 v5, $0.0e+00;
	v5 =	vadd.f32 v10, v6;
	v10 =	vld [tilespmem:s8+$0x10];
	v8 =	vadd.f32 v13, v8  }
0x1ef: {  	[tilespmem:s8+$0x0] =	vst v3;
	v3 =	vld [tilespmem:s8+$0xFFFFFFE0]  }
0x1f0: {  	v63 =	vld [tilespmem:s9+$0x10];
	v6 =	vmax.f32 v8, $0.0e+00;
	v8 =	vadd.f32 v9, v14  }
0x1f1: {  	v9 =	vadd.f32 v12, v11;
	[tilespmem:s5+$0x20] =	vst v6;
	v6 =	vmax.f32 v5, $0.0e+00;
	v5 =	vld [tilespmem:s5+$0x30]  }
0x1f2: {  	[tilespmem:s14+$0xFFFFFFE0] =	vst v6;
	v6 =	vmax.f32 v8, $0.0e+00;
	v11 =	vadd.f32 v62, v7;
	v7 =	vld [tilespmem:s7+$0x30]  }
0x1f3: {  	v9 =	vmax.f32 v9, $0.0e+00;
	[tilespmem:s8+$0xFFFFFFC0] =	vst v6;
	v8 =	vld [tilespmem:s15+$0xFFFFFFF0]  }
0x1f4: {  	[tilespmem:s14+$0x30] =	vst v9;
	v9 =	vld [tilespmem:s9+$0xFFFFFFD0];
	v11 =	vmax.f32 v11, $0.0e+00  }
0x1f5: {  	s12 =	simm.s32 $0x4;
	s17 =	simm.s32 $0x153F0;
	v6 =	vld [tilespmem:s8+$0xFFFFFFF0];
	s15 =	simm.s32 $0x1A370;
	v10 =	vadd.f32 v63, v10;
	[tilespmem:s5+$0xFFFFFFE0] =	vst v11  }
.LBB2_22:
0x1f6: {  	v11 =	vld [tilespmem:s17+$0x0];
	s9 =	sadd.s32 $0x80, s9  }
0x1f7: {  	s12 =	sadd.s32 $0x2, s12;
	v12 =	vld [tilespmem:s9+$0x0];
	v10 =	vmax.f32 v10, $0.0e+00;
	v5 =	vadd.f32 v7, v5  }
0x1f8: {  	p5 =	slt.u32 s12, $0x4E;
	[tilespmem:s8+$0x10] =	vst v10;
	v7 =	vld [tilespmem:s8+$0x20];
	v8 =	vadd.f32 v8, v1;
	v1 =	vmov v2  }
0x1f9: {  	v4 =	vadd.f32 v9, v4;
	v9 =	vld [tilespmem:s15+$0x20];
	v10 =	vmax.f32 v5, $0.0e+00  }
0x1fa: {  	v5 =	vld [tilespmem:s9+$0xFFFFFFC0];
	[tilespmem:s5+$0x30] =	vst v10;
	v8 =	vmax.f32 v8, $0.0e+00;
	v2 =	vmov v6  }
0x1fb: {  	v6 =	vld [tilespmem:s17+$0xFFFFFFC0];
	v10 =	vmax.f32 v4, $0.0e+00;
	[tilespmem:s14+$0xFFFFFFF0] =	vst v8;
	s14 =	smov.u32 s5;
	s5 =	smov.u32 s8;
	s8 =	smov.u32 s17  }
0x1fc: {  	v4 =	vld [tilespmem:s17+$0xFFFFFFD0];
	v8 =	vadd.f32 v12, v11;
	[tilespmem:s5+$0xFFFFFFD0] =	vst v10  }
0x1fd: {  	v10 =	vld [tilespmem:s15+$0xFFFFFFE0]  }
0x1fe: {  	v11 =	vld [tilespmem:s17+$0xFFFFFFE0];
	v8 =	vmax.f32 v8, $0.0e+00;
	v7 =	vadd.f32 v9, v7  }
0x1ff: {  	[tilespmem:s17+$0x0] =	vst v8;
	v12 =	vld [tilespmem:s17+$0x10]  }
0x200: {  	v6 =	vadd.f32 v5, v6;
	v13 =	vld [tilespmem:s9+$0x10];
	v5 =	vmax.f32 v7, $0.0e+00  }
.Ltmp27:
0x201: {  	[tilespmem:s5+$0x20] =	vst v5;
	v5 =	vld [tilespmem:s5+$0x30];
	(pc) =	sbr.rel @p5 .LBB2_22-.Ltmp27, $4  }
0x202: {  	v6 =	vmax.f32 v6, $0.0e+00;
	v10 =	vadd.f32 v10, v3;
	v7 =	vld [tilespmem:s15+$0x30]  }
0x203: {  	[tilespmem:s17+$0xFFFFFFC0] =	vst v6;
	v8 =	vld [tilespmem:s7+$0xFFFFFFF0];
	v3 =	vmov v11;
	s7 =	smov.u32 s15;
	s15 =	smov.u32 s9  }
0x204: {  	v9 =	vld [tilespmem:s9+$0xFFFFFFD0];
	v11 =	vmax.f32 v10, $0.0e+00  }
0x205: {  	s17 =	sadd.s32 $0x80, s17;
	v6 =	vld [tilespmem:s8+$0xFFFFFFF0];
	v10 =	vadd.f32 v13, v12;
	[tilespmem:s5+$0xFFFFFFE0] =	vst v11  }
0x206: {  	_ =	sdelay $0x2  }
0x207: {  	v10 =	vmax.f32 v10, $0.0e+00;
	v4 =	vadd.f32 v9, v4  }
0x208: {  	v60 =	vld [tilespmem:s8+$0x20];
	[tilespmem:s8+$0x10] =	vst v10  }
0x209: {  	v61 =	vld [tilespmem:s15+$0x20];
	v4 =	vmax.f32 v4, $0.0e+00  }
0x20a: {  	[tilespmem:s8+$0xFFFFFFD0] =	vst v4  }
0x20b: {  	v4 =	vld [tilespmem:s15+$0xFFFFFFE0];
	_ =	sdelay $0x2  }
0x20c: {  	v9 =	vadd.f32 v61, v60;
	_ =	sdelay $0x1  }
0x20d: {  	v9 =	vmax.f32 v9, $0.0e+00;
	v3 =	vadd.f32 v4, v3  }
0x20e: {  	v62 =	vld [tilespmem:s8+$0x30];
	[tilespmem:s8+$0x20] =	vst v9  }
0x20f: {  	v9 =	vld [tilespmem:s15+$0x30];
	v3 =	vmax.f32 v3, $0.0e+00  }
0x210: {  	v63 =	vld [tilespmem:s7+$0xFFFFFFF0];
	[tilespmem:s8+$0xFFFFFFE0] =	vst v3  }
0x211: {  	v3 =	vld [tilespmem:s15+$0xFFFFFFF0]  }
0x212: {  	v5 =	vadd.f32 v7, v5  }
0x213: {  	v1 =	vadd.f32 v8, v1  }
0x214: {  	v5 =	vmax.f32 v5, $0.0e+00;
	v4 =	vadd.f32 v9, v62  }
0x215: {  	[tilespmem:s5+$0x30] =	vst v5;
	v1 =	vmax.f32 v1, $0.0e+00;
	v2 =	vadd.f32 v63, v2  }
0x216: {  	[tilespmem:s14+$0xFFFFFFF0] =	vst v1;
	v1 =	vmax.f32 v4, $0.0e+00;
	v3 =	vadd.f32 v3, v6  }
0x217: {  	[tilespmem:s8+$0x30] =	vst v1;
	v1 =	vmax.f32 v2, $0.0e+00  }
0x218: {  	[tilespmem:s5+$0xFFFFFFF0] =	vst v1;
	v1 =	vmax.f32 v3, $0.0e+00  }
.Ltmp28:
0x219: {  	[tilespmem:s8+$0xFFFFFFF0] =	vst v1;
	(pc) =	sbr.rel .LBB2_49-.Ltmp28, $4  }
0x21a: {  	_ =	swait.ge [sflag:s29], $0x50  }
0x21b: {  	[sflag:s29] =	ssyncset.done $0x0  }
0x21c: {  	s17 =	simm.s32 $0x150F0;
	s15 =	simm.s32 $0x15230;
	[sflag:s29] =	ssyncadd.s32 $0xFFFFFFB0  }
0x21d: {  	[spmem:s1] =	stream.indirect.scatter.add.f32 [tilespmem:s15], [sflag:$0xA], $0x40, s17, s21, $0xb8;
	[tilespmem:$0x1F230] =	vst v63  }
.LBB2_33:
0x21e: {  	s5 =	sld [smem:$0x7FC];
	_ =	sdelay $0x1  }
0x21f: {  	s7 =	simm.s32 $0x15190;
	s15 =	sld [smem:$0x7FD]  }
0x220: {  	[tilespmem:s7], [sflag:$0x10] =	stream.linear.gather [hbm4b:s5+s4], $0x50, $0x38;
	[tilespmem:$0x1F230] =	vst v63  }
0x221: {  	s17 =	simm.s32 $0x151E0  }
0x222: {  	[tilespmem:s17], [sflag:$0x11] =	stream.linear.gather [hbm4b:s15+s4], $0x50, $0x38;
	[tilespmem:$0x1F230] =	vst v63  }
0x223: {  	s7 =	simm.s32 $0x17A30  }
0x224: {  	[tilespmem:s7], [sflag:$0x4] =	stream.indirect.gather [spmem:s2], $0x40, s18, s21, $0xb8;
	[tilespmem:$0x1F230] =	vst v63  }
0x225: {  	s8 =	simm.s32 $0x14150;
	s9 =	simm.s32 $0x1CA30  }
0x226: {  	[tilespmem:s9], [sflag:$0x8] =	stream.indirect.gather [spmem:s3], $0x40, s8, s21, $0xb8;
	[tilespmem:$0x1F230] =	vst v63  }
0x227: {  	s12 =	simm.s32 $0x139D0;
	s14 =	simm.s32 $0x18E30  }
0x228: {  	[tilespmem:s14], [sflag:$0x5] =	stream.indirect.gather [spmem:s2], $0x40, s12, s21, $0xb8;
	[tilespmem:$0x1F230] =	vst v63  }
0x229: {  	s15 =	simm.s32 $0x141A0;
	s17 =	simm.s32 $0x1DE30  }
0x22a: {  	[tilespmem:s17], [sflag:$0x9] =	stream.indirect.gather [spmem:s3], $0x40, s15, s21, $0xb8;
	[tilespmem:$0x1F230] =	vst v63  }
.LBB2_36:
0x22b: {  	s5 =	sadd.s32 $0x2, s25  }
0x22c: {  	s7 =	smul.u32 $0x29, s5;
	_ =	sdelay $0x1  }
0x22d: {  	s7 =	sshrl.u32 s7, $0xA  }
0x22e: {  	s7 =	sand.u32 $0x3F, s7  }
0x22f: {  	s7 =	smul.u32 $0x19, s7;
	_ =	sdelay $0x1  }
0x230: {  	s8 =	smul.u32 $0x50, s5;
	s5 =	ssub.s32 s5, s7  }
0x231: {  	s7 =	sand.u32 $0xFF, s5  }
0x232: {  	s8 =	sadd.s32 s30, s8;
	p3 =	slt.u32 s7, $0x2  }
0x233: {  	s15 =	sshrl.u32 s8, $0x3;
	s5 =	sand.u32 @!p3 $0xFF, s5  }
0x234: {  	s17 =	simm.s32 $0x150F0;
	s7 =	sadd.s32 s6, s15;
	s5 =	smul.u32 @!p3 $0x50, s5  }
0x235: {  	[tilespmem:s17], [sflag:$0xE] =	stream.linear.gather [hbm4b:s7+s4], $0x50, $0x38;
	[tilespmem:$0x1F230] =	vst v63  }
0x236: {  	s8 =	simm.s32 @!p3 $0x50;
	s9 =	simm.s32 @!p3 $0x15230;
	s7 =	sadd.s32 @!p3 $0x13980, s5  }
0x237: {  	[tilespmem:s9], [sflag:$0x2] =	stream.indirect.gather @!p3 [spmem:s2], $0x40, s7, s8, $0xb8;
	[tilespmem:$0x1F230] =	vst v63  }
0x238: {  	s5 =	sadd.s32 @!p3 $0x14150, s5;
	s7 =	simm.s32 @!p3 $0x1A230  }
0x239: {  	[tilespmem:s7], [sflag:$0x6] =	stream.indirect.gather @!p3 [spmem:s3], $0x40, s5, s8, $0xb8;
	[tilespmem:$0x1F230] =	vst v63  }
.LBB2_37:
0x23a: {  	_ =	swait.ge [sflag:s23], $0x1400  }
0x23b: {  	[sflag:s23] =	ssyncset.done $0x0  }
0x23c: {  	[sflag:s23] =	ssyncadd.s32 $0xFFFFEC00  }
0x23d: {  	_ =	swait.ge [sflag:s26], $0x1400  }
0x23e: {  	[sflag:s26] =	ssyncset.done $0x0  }
0x23f: {  	s14 =	simm.s32 $0x17A70;
	[sflag:s26] =	ssyncadd.s32 $0xFFFFEC00  }
0x240: {  	s15 =	simm.s32 $0x1CA70;
	v1 =	vld [tilespmem:s14+$0x0]  }
0x241: {  	v2 =	vld [tilespmem:s15+$0x0];
	_ =	sdelay $0x4  }
0x242: {  	v1 =	vadd.f32 v2, v1  }
0x243: {  	v3 =	vld [tilespmem:s14+$0xFFFFFFC0]  }
0x244: {  	v2 =	vld [tilespmem:s15+$0xFFFFFFC0];
	v1 =	vmax.f32 v1, $0.0e+00  }
0x245: {  	[tilespmem:s14+$0x0] =	vst v1;
	v1 =	vld [tilespmem:s14+$0x10]  }
0x246: {  	v4 =	vld [tilespmem:s15+$0x10];
	_ =	sdelay $0x2  }
0x247: {  	s5 =	simm.s32 $0x17AF0;
	v5 =	vld [tilespmem:s14+$0xFFFFFFD0]  }
0x248: {  	s7 =	simm.s32 $0x1CAF0;
	v2 =	vadd.f32 v2, v3;
	v3 =	vld [tilespmem:s5+$0x0]  }
0x249: {  	v1 =	vadd.f32 v4, v1;
	v4 =	vld [tilespmem:s7+$0x0]  }
0x24a: {  	v6 =	vld [tilespmem:s14+$0xFFFFFFE0];
	v2 =	vmax.f32 v2, $0.0e+00  }
0x24b: {  	v7 =	vld [tilespmem:s14+$0x20];
	[tilespmem:s14+$0xFFFFFFC0] =	vst v2;
	v1 =	vmax.f32 v1, $0.0e+00  }
0x24c: {  	v2 =	vld [tilespmem:s15+$0xFFFFFFD0];
	[tilespmem:s14+$0x10] =	vst v1  }
0x24d: {  	v8 =	vld [tilespmem:s15+$0x20]  }
0x24e: {  	v1 =	vadd.f32 v4, v3;
	v3 =	vld [tilespmem:s7+$0xFFFFFFC0]  }
0x24f: {  	v4 =	vld [tilespmem:s5+$0xFFFFFFC0]  }
0x250: {  	s8 =	simm.s32 $0x17B70;
	v11 =	vld [tilespmem:s14+$0x30]  }
0x251: {  	v14 =	vld [tilespmem:s8+$0xFFFFFFC0];
	v2 =	vadd.f32 v2, v5  }
0x252: {  	v5 =	vld [tilespmem:s5+$0x10];
	v9 =	vmax.f32 v1, $0.0e+00  }
0x253: {  	v1 =	vld [tilespmem:s14+$0xFFFFFFF0];
	v2 =	vmax.f32 v2, $0.0e+00;
	[tilespmem:s5+$0x0] =	vst v9  }
0x254: {  	[tilespmem:s14+$0xFFFFFFD0] =	vst v2;
	v7 =	vadd.f32 v8, v7;
	v8 =	vld [tilespmem:s7+$0x10];
	v2 =	vadd.f32 v3, v4  }
0x255: {  	v9 =	vld [tilespmem:s5+$0xFFFFFFD0]  }
0x256: {  	v10 =	vld [tilespmem:s15+$0xFFFFFFE0];
	v2 =	vmax.f32 v2, $0.0e+00  }
0x257: {  	v4 =	vld [tilespmem:s8+$0x0];
	v3 =	vmax.f32 v7, $0.0e+00;
	[tilespmem:s5+$0xFFFFFFC0] =	vst v2  }
0x258: {  	[tilespmem:s14+$0x20] =	vst v3;
	v3 =	vld [tilespmem:s7+$0xFFFFFFD0]  }
0x259: {  	v7 =	vld [tilespmem:s5+$0xFFFFFFE0];
	v2 =	vadd.f32 v8, v5  }
0x25a: {  	s9 =	simm.s32 $0x1CB70;
	v12 =	vld [tilespmem:s15+$0x30]  }
0x25b: {  	v5 =	vld [tilespmem:s9+$0x0];
	v2 =	vmax.f32 v2, $0.0e+00  }
0x25c: {  	v8 =	vld [tilespmem:s5+$0x20];
	[tilespmem:s5+$0x10] =	vst v2  }
0x25d: {  	v13 =	vld [tilespmem:s7+$0x20];
	v3 =	vadd.f32 v3, v9  }
0x25e: {  	v2 =	vld [tilespmem:s5+$0xFFFFFFF0]  }
0x25f: {  	v9 =	vld [tilespmem:s9+$0xFFFFFFC0];
	v3 =	vmax.f32 v3, $0.0e+00  }
0x260: {  	v5 =	vadd.f32 v5, v4;
	v4 =	vld [tilespmem:s8+$0xFFFFFFD0];
	[tilespmem:s5+$0xFFFFFFD0] =	vst v3  }
0x261: {  	v62 =	vld [tilespmem:s7+$0xFFFFFFE0]  }
0x262: {  	v3 =	vmax.f32 v5, $0.0e+00;
	v5 =	vadd.f32 v10, v6;
	v10 =	vld [tilespmem:s8+$0x10];
	v8 =	vadd.f32 v13, v8  }
0x263: {  	[tilespmem:s8+$0x0] =	vst v3;
	v3 =	vld [tilespmem:s8+$0xFFFFFFE0]  }
0x264: {  	v63 =	vld [tilespmem:s9+$0x10];
	v6 =	vmax.f32 v8, $0.0e+00;
	v8 =	vadd.f32 v9, v14  }
0x265: {  	v9 =	vadd.f32 v12, v11;
	[tilespmem:s5+$0x20] =	vst v6;
	v6 =	vmax.f32 v5, $0.0e+00;
	v5 =	vld [tilespmem:s5+$0x30]  }
0x266: {  	[tilespmem:s14+$0xFFFFFFE0] =	vst v6;
	v6 =	vmax.f32 v8, $0.0e+00;
	v11 =	vadd.f32 v62, v7;
	v7 =	vld [tilespmem:s7+$0x30]  }
0x267: {  	v9 =	vmax.f32 v9, $0.0e+00;
	[tilespmem:s8+$0xFFFFFFC0] =	vst v6;
	v8 =	vld [tilespmem:s15+$0xFFFFFFF0]  }
0x268: {  	[tilespmem:s14+$0x30] =	vst v9;
	v9 =	vld [tilespmem:s9+$0xFFFFFFD0];
	v11 =	vmax.f32 v11, $0.0e+00  }
0x269: {  	s12 =	simm.s32 $0x4;
	s17 =	simm.s32 $0x17BF0;
	v6 =	vld [tilespmem:s8+$0xFFFFFFF0];
	s15 =	simm.s32 $0x1CB70;
	v10 =	vadd.f32 v63, v10;
	[tilespmem:s5+$0xFFFFFFE0] =	vst v11  }
.LBB2_38:
0x26a: {  	v11 =	vld [tilespmem:s17+$0x0];
	s9 =	sadd.s32 $0x80, s9  }
0x26b: {  	s12 =	sadd.s32 $0x2, s12;
	v12 =	vld [tilespmem:s9+$0x0];
	v10 =	vmax.f32 v10, $0.0e+00;
	v5 =	vadd.f32 v7, v5  }
0x26c: {  	p5 =	slt.u32 s12, $0x4E;
	[tilespmem:s8+$0x10] =	vst v10;
	v7 =	vld [tilespmem:s8+$0x20];
	v8 =	vadd.f32 v8, v1;
	v1 =	vmov v2  }
0x26d: {  	v4 =	vadd.f32 v9, v4;
	v9 =	vld [tilespmem:s15+$0x20];
	v10 =	vmax.f32 v5, $0.0e+00  }
0x26e: {  	v5 =	vld [tilespmem:s9+$0xFFFFFFC0];
	[tilespmem:s5+$0x30] =	vst v10;
	v8 =	vmax.f32 v8, $0.0e+00;
	v2 =	vmov v6  }
0x26f: {  	v6 =	vld [tilespmem:s17+$0xFFFFFFC0];
	v10 =	vmax.f32 v4, $0.0e+00;
	[tilespmem:s14+$0xFFFFFFF0] =	vst v8;
	s14 =	smov.u32 s5;
	s5 =	smov.u32 s8;
	s8 =	smov.u32 s17  }
0x270: {  	v4 =	vld [tilespmem:s17+$0xFFFFFFD0];
	v8 =	vadd.f32 v12, v11;
	[tilespmem:s5+$0xFFFFFFD0] =	vst v10  }
0x271: {  	v10 =	vld [tilespmem:s15+$0xFFFFFFE0]  }
0x272: {  	v11 =	vld [tilespmem:s17+$0xFFFFFFE0];
	v8 =	vmax.f32 v8, $0.0e+00;
	v7 =	vadd.f32 v9, v7  }
0x273: {  	[tilespmem:s17+$0x0] =	vst v8;
	v12 =	vld [tilespmem:s17+$0x10]  }
0x274: {  	v6 =	vadd.f32 v5, v6;
	v13 =	vld [tilespmem:s9+$0x10];
	v5 =	vmax.f32 v7, $0.0e+00  }
.Ltmp29:
0x275: {  	[tilespmem:s5+$0x20] =	vst v5;
	v5 =	vld [tilespmem:s5+$0x30];
	(pc) =	sbr.rel @p5 .LBB2_38-.Ltmp29, $4  }
0x276: {  	v6 =	vmax.f32 v6, $0.0e+00;
	v10 =	vadd.f32 v10, v3;
	v7 =	vld [tilespmem:s15+$0x30]  }
0x277: {  	[tilespmem:s17+$0xFFFFFFC0] =	vst v6;
	v8 =	vld [tilespmem:s7+$0xFFFFFFF0];
	v3 =	vmov v11;
	s7 =	smov.u32 s15;
	s15 =	smov.u32 s9  }
0x278: {  	v9 =	vld [tilespmem:s9+$0xFFFFFFD0];
	v11 =	vmax.f32 v10, $0.0e+00  }
0x279: {  	s17 =	sadd.s32 $0x80, s17;
	v6 =	vld [tilespmem:s8+$0xFFFFFFF0];
	v10 =	vadd.f32 v13, v12;
	[tilespmem:s5+$0xFFFFFFE0] =	vst v11  }
0x27a: {  	_ =	sdelay $0x2  }
0x27b: {  	v10 =	vmax.f32 v10, $0.0e+00;
	v4 =	vadd.f32 v9, v4  }
0x27c: {  	v60 =	vld [tilespmem:s8+$0x20];
	[tilespmem:s8+$0x10] =	vst v10  }
0x27d: {  	v61 =	vld [tilespmem:s15+$0x20];
	v4 =	vmax.f32 v4, $0.0e+00  }
0x27e: {  	[tilespmem:s8+$0xFFFFFFD0] =	vst v4  }
0x27f: {  	v4 =	vld [tilespmem:s15+$0xFFFFFFE0];
	_ =	sdelay $0x2  }
0x280: {  	v9 =	vadd.f32 v61, v60;
	_ =	sdelay $0x1  }
0x281: {  	v9 =	vmax.f32 v9, $0.0e+00;
	v3 =	vadd.f32 v4, v3  }
0x282: {  	v62 =	vld [tilespmem:s8+$0x30];
	[tilespmem:s8+$0x20] =	vst v9  }
0x283: {  	v9 =	vld [tilespmem:s15+$0x30];
	v3 =	vmax.f32 v3, $0.0e+00  }
0x284: {  	v63 =	vld [tilespmem:s7+$0xFFFFFFF0];
	[tilespmem:s8+$0xFFFFFFE0] =	vst v3  }
0x285: {  	v3 =	vld [tilespmem:s15+$0xFFFFFFF0]  }
0x286: {  	v5 =	vadd.f32 v7, v5  }
0x287: {  	v1 =	vadd.f32 v8, v1  }
0x288: {  	v5 =	vmax.f32 v5, $0.0e+00;
	v4 =	vadd.f32 v9, v62  }
0x289: {  	[tilespmem:s5+$0x30] =	vst v5;
	v1 =	vmax.f32 v1, $0.0e+00;
	v2 =	vadd.f32 v63, v2  }
0x28a: {  	[tilespmem:s14+$0xFFFFFFF0] =	vst v1;
	v1 =	vmax.f32 v4, $0.0e+00;
	v3 =	vadd.f32 v3, v6  }
0x28b: {  	[tilespmem:s8+$0x30] =	vst v1;
	v1 =	vmax.f32 v2, $0.0e+00  }
0x28c: {  	[tilespmem:s5+$0xFFFFFFF0] =	vst v1;
	v1 =	vmax.f32 v3, $0.0e+00  }
.Ltmp30:
0x28d: {  	[tilespmem:s8+$0xFFFFFFF0] =	vst v1;
	(pc) =	sbr.rel .LBB2_49-.Ltmp30, $4  }
0x28e: {  	_ =	swait.ge [sflag:s24], $0x50  }
0x28f: {  	[sflag:s24] =	ssyncset.done $0x0  }
0x290: {  	s17 =	simm.s32 $0x17A30;
	s15 =	simm.s32 $0x15190;
	[sflag:s24] =	ssyncadd.s32 $0xFFFFFFB0  }
0x291: {  	[spmem:s1] =	stream.indirect.scatter.add.f32 [tilespmem:s17], [sflag:$0xC], $0x40, s15, s21, $0xb8;
	[tilespmem:$0x1F230] =	vst v63  }
.LBB2_25:
0x292: {  	s5 =	sld [smem:$0x7FC];
	_ =	sdelay $0x1  }
0x293: {  	s7 =	simm.s32 $0x15140;
	s15 =	sld [smem:$0x7FD]  }
0x294: {  	[tilespmem:s7], [sflag:$0xF] =	stream.linear.gather [hbm4b:s5+s4], $0x50, $0x38;
	[tilespmem:$0x1F230] =	vst v63  }
0x295: {  	s17 =	simm.s32 $0x15190  }
0x296: {  	[tilespmem:s17], [sflag:$0x10] =	stream.linear.gather [hbm4b:s15+s4], $0x50, $0x38;
	[tilespmem:$0x1F230] =	vst v63  }
0x297: {  	s7 =	simm.s32 $0x16630  }
0x298: {  	[tilespmem:s7], [sflag:$0x3] =	stream.indirect.gather [spmem:s2], $0x40, s18, s21, $0xb8;
	[tilespmem:$0x1F230] =	vst v63  }
0x299: {  	s8 =	simm.s32 $0x14150;
	s9 =	simm.s32 $0x1B630  }
0x29a: {  	[tilespmem:s9], [sflag:$0x7] =	stream.indirect.gather [spmem:s3], $0x40, s8, s21, $0xb8;
	[tilespmem:$0x1F230] =	vst v63  }
0x29b: {  	s12 =	simm.s32 $0x139D0;
	s14 =	simm.s32 $0x17A30  }
0x29c: {  	[tilespmem:s14], [sflag:$0x4] =	stream.indirect.gather [spmem:s2], $0x40, s12, s21, $0xb8;
	[tilespmem:$0x1F230] =	vst v63  }
0x29d: {  	s15 =	simm.s32 $0x141A0;
	s17 =	simm.s32 $0x1CA30  }
0x29e: {  	[tilespmem:s17], [sflag:$0x8] =	stream.indirect.gather [spmem:s3], $0x40, s15, s21, $0xb8;
	[tilespmem:$0x1F230] =	vst v63  }
.LBB2_28:
0x29f: {  	s5 =	sadd.s32 $0x2, s25  }
0x2a0: {  	s7 =	smul.u32 $0x29, s5;
	_ =	sdelay $0x1  }
0x2a1: {  	s7 =	sshrl.u32 s7, $0xA  }
0x2a2: {  	s7 =	sand.u32 $0x3F, s7  }
0x2a3: {  	s7 =	smul.u32 $0x19, s7;
	_ =	sdelay $0x1  }
0x2a4: {  	s8 =	smul.u32 $0x50, s5;
	s5 =	ssub.s32 s5, s7  }
0x2a5: {  	s7 =	sand.u32 $0xFF, s5  }
0x2a6: {  	s8 =	sadd.s32 s30, s8;
	p3 =	slt.u32 s7, $0x2  }
0x2a7: {  	s15 =	sshrl.u32 s8, $0x3;
	s5 =	sand.u32 @!p3 $0xFF, s5  }
0x2a8: {  	s17 =	simm.s32 $0x151E0;
	s7 =	sadd.s32 s6, s15;
	s5 =	smul.u32 @!p3 $0x50, s5  }
0x2a9: {  	[tilespmem:s17], [sflag:$0x11] =	stream.linear.gather [hbm4b:s7+s4], $0x50, $0x38;
	[tilespmem:$0x1F230] =	vst v63  }
0x2aa: {  	s8 =	simm.s32 @!p3 $0x50;
	s9 =	simm.s32 @!p3 $0x18E30;
	s7 =	sadd.s32 @!p3 $0x13980, s5  }
0x2ab: {  	[tilespmem:s9], [sflag:$0x5] =	stream.indirect.gather @!p3 [spmem:s2], $0x40, s7, s8, $0xb8;
	[tilespmem:$0x1F230] =	vst v63  }
0x2ac: {  	s5 =	sadd.s32 @!p3 $0x14150, s5;
	s7 =	simm.s32 @!p3 $0x1DE30  }
0x2ad: {  	[tilespmem:s7], [sflag:$0x9] =	stream.indirect.gather @!p3 [spmem:s3], $0x40, s5, s8, $0xb8;
	[tilespmem:$0x1F230] =	vst v63  }
.LBB2_29:
0x2ae: {  	_ =	swait.ge [sflag:s10], $0x1400  }
0x2af: {  	[sflag:s10] =	ssyncset.done $0x0  }
0x2b0: {  	[sflag:s10] =	ssyncadd.s32 $0xFFFFEC00  }
0x2b1: {  	_ =	swait.ge [sflag:s0], $0x1400  }
0x2b2: {  	[sflag:s0] =	ssyncset.done $0x0  }
0x2b3: {  	s14 =	simm.s32 $0x16670;
	[sflag:s0] =	ssyncadd.s32 $0xFFFFEC00  }
0x2b4: {  	s15 =	simm.s32 $0x1B670;
	v1 =	vld [tilespmem:s14+$0x0]  }
0x2b5: {  	v2 =	vld [tilespmem:s15+$0x0];
	_ =	sdelay $0x4  }
0x2b6: {  	v1 =	vadd.f32 v2, v1  }
0x2b7: {  	v3 =	vld [tilespmem:s14+$0xFFFFFFC0]  }
0x2b8: {  	v2 =	vld [tilespmem:s15+$0xFFFFFFC0];
	v1 =	vmax.f32 v1, $0.0e+00  }
0x2b9: {  	[tilespmem:s14+$0x0] =	vst v1;
	v1 =	vld [tilespmem:s14+$0x10]  }
0x2ba: {  	v4 =	vld [tilespmem:s15+$0x10];
	_ =	sdelay $0x2  }
0x2bb: {  	s5 =	simm.s32 $0x166F0;
	v5 =	vld [tilespmem:s14+$0xFFFFFFD0]  }
0x2bc: {  	s7 =	simm.s32 $0x1B6F0;
	v2 =	vadd.f32 v2, v3;
	v3 =	vld [tilespmem:s5+$0x0]  }
0x2bd: {  	v1 =	vadd.f32 v4, v1;
	v4 =	vld [tilespmem:s7+$0x0]  }
0x2be: {  	v6 =	vld [tilespmem:s14+$0xFFFFFFE0];
	v2 =	vmax.f32 v2, $0.0e+00  }
0x2bf: {  	v7 =	vld [tilespmem:s14+$0x20];
	[tilespmem:s14+$0xFFFFFFC0] =	vst v2;
	v1 =	vmax.f32 v1, $0.0e+00  }
0x2c0: {  	v2 =	vld [tilespmem:s15+$0xFFFFFFD0];
	[tilespmem:s14+$0x10] =	vst v1  }
0x2c1: {  	v8 =	vld [tilespmem:s15+$0x20]  }
0x2c2: {  	v1 =	vadd.f32 v4, v3;
	v3 =	vld [tilespmem:s7+$0xFFFFFFC0]  }
0x2c3: {  	v4 =	vld [tilespmem:s5+$0xFFFFFFC0]  }
0x2c4: {  	s8 =	simm.s32 $0x16770;
	v11 =	vld [tilespmem:s14+$0x30]  }
0x2c5: {  	v14 =	vld [tilespmem:s8+$0xFFFFFFC0];
	v2 =	vadd.f32 v2, v5  }
0x2c6: {  	v5 =	vld [tilespmem:s5+$0x10];
	v9 =	vmax.f32 v1, $0.0e+00  }
0x2c7: {  	v1 =	vld [tilespmem:s14+$0xFFFFFFF0];
	v2 =	vmax.f32 v2, $0.0e+00;
	[tilespmem:s5+$0x0] =	vst v9  }
0x2c8: {  	[tilespmem:s14+$0xFFFFFFD0] =	vst v2;
	v7 =	vadd.f32 v8, v7;
	v8 =	vld [tilespmem:s7+$0x10];
	v2 =	vadd.f32 v3, v4  }
0x2c9: {  	v9 =	vld [tilespmem:s5+$0xFFFFFFD0]  }
0x2ca: {  	v10 =	vld [tilespmem:s15+$0xFFFFFFE0];
	v2 =	vmax.f32 v2, $0.0e+00  }
0x2cb: {  	v4 =	vld [tilespmem:s8+$0x0];
	v3 =	vmax.f32 v7, $0.0e+00;
	[tilespmem:s5+$0xFFFFFFC0] =	vst v2  }
0x2cc: {  	[tilespmem:s14+$0x20] =	vst v3;
	v3 =	vld [tilespmem:s7+$0xFFFFFFD0]  }
0x2cd: {  	v7 =	vld [tilespmem:s5+$0xFFFFFFE0];
	v2 =	vadd.f32 v8, v5  }
0x2ce: {  	s9 =	simm.s32 $0x1B770;
	v12 =	vld [tilespmem:s15+$0x30]  }
0x2cf: {  	v5 =	vld [tilespmem:s9+$0x0];
	v2 =	vmax.f32 v2, $0.0e+00  }
0x2d0: {  	v8 =	vld [tilespmem:s5+$0x20];
	[tilespmem:s5+$0x10] =	vst v2  }
0x2d1: {  	v13 =	vld [tilespmem:s7+$0x20];
	v3 =	vadd.f32 v3, v9  }
0x2d2: {  	v2 =	vld [tilespmem:s5+$0xFFFFFFF0]  }
0x2d3: {  	v9 =	vld [tilespmem:s9+$0xFFFFFFC0];
	v3 =	vmax.f32 v3, $0.0e+00  }
0x2d4: {  	v5 =	vadd.f32 v5, v4;
	v4 =	vld [tilespmem:s8+$0xFFFFFFD0];
	[tilespmem:s5+$0xFFFFFFD0] =	vst v3  }
0x2d5: {  	v62 =	vld [tilespmem:s7+$0xFFFFFFE0]  }
0x2d6: {  	v3 =	vmax.f32 v5, $0.0e+00;
	v5 =	vadd.f32 v10, v6;
	v10 =	vld [tilespmem:s8+$0x10];
	v8 =	vadd.f32 v13, v8  }
0x2d7: {  	[tilespmem:s8+$0x0] =	vst v3;
	v3 =	vld [tilespmem:s8+$0xFFFFFFE0]  }
0x2d8: {  	v63 =	vld [tilespmem:s9+$0x10];
	v6 =	vmax.f32 v8, $0.0e+00;
	v8 =	vadd.f32 v9, v14  }
0x2d9: {  	v9 =	vadd.f32 v12, v11;
	[tilespmem:s5+$0x20] =	vst v6;
	v6 =	vmax.f32 v5, $0.0e+00;
	v5 =	vld [tilespmem:s5+$0x30]  }
0x2da: {  	[tilespmem:s14+$0xFFFFFFE0] =	vst v6;
	v6 =	vmax.f32 v8, $0.0e+00;
	v11 =	vadd.f32 v62, v7;
	v7 =	vld [tilespmem:s7+$0x30]  }
0x2db: {  	v9 =	vmax.f32 v9, $0.0e+00;
	[tilespmem:s8+$0xFFFFFFC0] =	vst v6;
	v8 =	vld [tilespmem:s15+$0xFFFFFFF0]  }
0x2dc: {  	[tilespmem:s14+$0x30] =	vst v9;
	v9 =	vld [tilespmem:s9+$0xFFFFFFD0];
	v11 =	vmax.f32 v11, $0.0e+00  }
0x2dd: {  	s12 =	simm.s32 $0x4;
	s17 =	simm.s32 $0x167F0;
	v6 =	vld [tilespmem:s8+$0xFFFFFFF0];
	s15 =	simm.s32 $0x1B770;
	v10 =	vadd.f32 v63, v10;
	[tilespmem:s5+$0xFFFFFFE0] =	vst v11  }
.LBB2_30:
0x2de: {  	v11 =	vld [tilespmem:s17+$0x0];
	s9 =	sadd.s32 $0x80, s9  }
0x2df: {  	s12 =	sadd.s32 $0x2, s12;
	v12 =	vld [tilespmem:s9+$0x0];
	v10 =	vmax.f32 v10, $0.0e+00;
	v5 =	vadd.f32 v7, v5  }
0x2e0: {  	p5 =	slt.u32 s12, $0x4E;
	[tilespmem:s8+$0x10] =	vst v10;
	v7 =	vld [tilespmem:s8+$0x20];
	v8 =	vadd.f32 v8, v1;
	v1 =	vmov v2  }
0x2e1: {  	v4 =	vadd.f32 v9, v4;
	v9 =	vld [tilespmem:s15+$0x20];
	v10 =	vmax.f32 v5, $0.0e+00  }
0x2e2: {  	v5 =	vld [tilespmem:s9+$0xFFFFFFC0];
	[tilespmem:s5+$0x30] =	vst v10;
	v8 =	vmax.f32 v8, $0.0e+00;
	v2 =	vmov v6  }
0x2e3: {  	v6 =	vld [tilespmem:s17+$0xFFFFFFC0];
	v10 =	vmax.f32 v4, $0.0e+00;
	[tilespmem:s14+$0xFFFFFFF0] =	vst v8;
	s14 =	smov.u32 s5;
	s5 =	smov.u32 s8;
	s8 =	smov.u32 s17  }
0x2e4: {  	v4 =	vld [tilespmem:s17+$0xFFFFFFD0];
	v8 =	vadd.f32 v12, v11;
	[tilespmem:s5+$0xFFFFFFD0] =	vst v10  }
0x2e5: {  	v10 =	vld [tilespmem:s15+$0xFFFFFFE0]  }
0x2e6: {  	v11 =	vld [tilespmem:s17+$0xFFFFFFE0];
	v8 =	vmax.f32 v8, $0.0e+00;
	v7 =	vadd.f32 v9, v7  }
0x2e7: {  	[tilespmem:s17+$0x0] =	vst v8;
	v12 =	vld [tilespmem:s17+$0x10]  }
0x2e8: {  	v6 =	vadd.f32 v5, v6;
	v13 =	vld [tilespmem:s9+$0x10];
	v5 =	vmax.f32 v7, $0.0e+00  }
.Ltmp31:
0x2e9: {  	[tilespmem:s5+$0x20] =	vst v5;
	v5 =	vld [tilespmem:s5+$0x30];
	(pc) =	sbr.rel @p5 .LBB2_30-.Ltmp31, $4  }
0x2ea: {  	v6 =	vmax.f32 v6, $0.0e+00;
	v10 =	vadd.f32 v10, v3;
	v7 =	vld [tilespmem:s15+$0x30]  }
0x2eb: {  	[tilespmem:s17+$0xFFFFFFC0] =	vst v6;
	v8 =	vld [tilespmem:s7+$0xFFFFFFF0];
	v3 =	vmov v11;
	s7 =	smov.u32 s15;
	s15 =	smov.u32 s9  }
0x2ec: {  	v9 =	vld [tilespmem:s9+$0xFFFFFFD0];
	v11 =	vmax.f32 v10, $0.0e+00  }
0x2ed: {  	s17 =	sadd.s32 $0x80, s17;
	v6 =	vld [tilespmem:s8+$0xFFFFFFF0];
	v10 =	vadd.f32 v13, v12;
	[tilespmem:s5+$0xFFFFFFE0] =	vst v11  }
0x2ee: {  	_ =	sdelay $0x2  }
0x2ef: {  	v10 =	vmax.f32 v10, $0.0e+00;
	v4 =	vadd.f32 v9, v4  }
0x2f0: {  	v60 =	vld [tilespmem:s8+$0x20];
	[tilespmem:s8+$0x10] =	vst v10  }
0x2f1: {  	v61 =	vld [tilespmem:s15+$0x20];
	v4 =	vmax.f32 v4, $0.0e+00  }
0x2f2: {  	[tilespmem:s8+$0xFFFFFFD0] =	vst v4  }
0x2f3: {  	v4 =	vld [tilespmem:s15+$0xFFFFFFE0];
	_ =	sdelay $0x2  }
0x2f4: {  	v9 =	vadd.f32 v61, v60;
	_ =	sdelay $0x1  }
0x2f5: {  	v9 =	vmax.f32 v9, $0.0e+00;
	v3 =	vadd.f32 v4, v3  }
0x2f6: {  	v62 =	vld [tilespmem:s8+$0x30];
	[tilespmem:s8+$0x20] =	vst v9  }
0x2f7: {  	v9 =	vld [tilespmem:s15+$0x30];
	v3 =	vmax.f32 v3, $0.0e+00  }
0x2f8: {  	v63 =	vld [tilespmem:s7+$0xFFFFFFF0];
	[tilespmem:s8+$0xFFFFFFE0] =	vst v3  }
0x2f9: {  	v3 =	vld [tilespmem:s15+$0xFFFFFFF0]  }
0x2fa: {  	v5 =	vadd.f32 v7, v5  }
0x2fb: {  	v1 =	vadd.f32 v8, v1  }
0x2fc: {  	v5 =	vmax.f32 v5, $0.0e+00;
	v4 =	vadd.f32 v9, v62  }
0x2fd: {  	[tilespmem:s5+$0x30] =	vst v5;
	v1 =	vmax.f32 v1, $0.0e+00;
	v2 =	vadd.f32 v63, v2  }
0x2fe: {  	[tilespmem:s14+$0xFFFFFFF0] =	vst v1;
	v1 =	vmax.f32 v4, $0.0e+00;
	v3 =	vadd.f32 v3, v6  }
0x2ff: {  	[tilespmem:s8+$0x30] =	vst v1;
	v1 =	vmax.f32 v2, $0.0e+00  }
0x300: {  	[tilespmem:s5+$0xFFFFFFF0] =	vst v1;
	v1 =	vmax.f32 v3, $0.0e+00  }
.Ltmp32:
0x301: {  	[tilespmem:s8+$0xFFFFFFF0] =	vst v1;
	(pc) =	sbr.rel .LBB2_49-.Ltmp32, $4  }
0x302: {  	_ =	swait.ge [sflag:s22], $0x50  }
0x303: {  	[sflag:s22] =	ssyncset.done $0x0  }
0x304: {  	s17 =	simm.s32 $0x16630;
	s15 =	simm.s32 $0x15140;
	[sflag:s22] =	ssyncadd.s32 $0xFFFFFFB0  }
0x305: {  	[spmem:s1] =	stream.indirect.scatter.add.f32 [tilespmem:s17], [sflag:$0xB], $0x40, s15, s21, $0xb8;
	[tilespmem:$0x1F230] =	vst v63  }
.LBB2_42:
0x306: {  	s5 =	sld [smem:$0x7FC];
	_ =	sdelay $0x1  }
0x307: {  	s7 =	simm.s32 $0x151E0;
	s15 =	sld [smem:$0x7FD]  }
0x308: {  	[tilespmem:s7], [sflag:$0x11] =	stream.linear.gather [hbm4b:s5+s4], $0x50, $0x38;
	[tilespmem:$0x1F230] =	vst v63  }
0x309: {  	s17 =	simm.s32 $0x150F0  }
0x30a: {  	[tilespmem:s17], [sflag:$0xE] =	stream.linear.gather [hbm4b:s15+s4], $0x50, $0x38;
	[tilespmem:$0x1F230] =	vst v63  }
0x30b: {  	s7 =	simm.s32 $0x18E30  }
0x30c: {  	[tilespmem:s7], [sflag:$0x5] =	stream.indirect.gather [spmem:s2], $0x40, s18, s21, $0xb8;
	[tilespmem:$0x1F230] =	vst v63  }
0x30d: {  	s8 =	simm.s32 $0x14150;
	s9 =	simm.s32 $0x1DE30  }
0x30e: {  	[tilespmem:s9], [sflag:$0x9] =	stream.indirect.gather [spmem:s3], $0x40, s8, s21, $0xb8;
	[tilespmem:$0x1F230] =	vst v63  }
0x30f: {  	s12 =	simm.s32 $0x15230;
	s14 =	simm.s32 $0x139D0  }
0x310: {  	[tilespmem:s12], [sflag:$0x2] =	stream.indirect.gather [spmem:s2], $0x40, s14, s21, $0xb8;
	[tilespmem:$0x1F230] =	vst v63  }
0x311: {  	s15 =	simm.s32 $0x1A230;
	s17 =	simm.s32 $0x141A0  }
0x312: {  	[tilespmem:s15], [sflag:$0x6] =	stream.indirect.gather [spmem:s3], $0x40, s17, s21, $0xb8;
	[tilespmem:$0x1F230] =	vst v63  }
.LBB2_45:
0x313: {  	s5 =	sadd.s32 $0x2, s25  }
0x314: {  	s7 =	smul.u32 $0x29, s5;
	_ =	sdelay $0x1  }
0x315: {  	s7 =	sshrl.u32 s7, $0xA  }
0x316: {  	s7 =	sand.u32 $0x3F, s7  }
0x317: {  	s7 =	smul.u32 $0x19, s7;
	_ =	sdelay $0x1  }
0x318: {  	s8 =	smul.u32 $0x50, s5;
	s5 =	ssub.s32 s5, s7  }
0x319: {  	s7 =	sand.u32 $0xFF, s5  }
0x31a: {  	s8 =	sadd.s32 s30, s8;
	p3 =	slt.u32 s7, $0x2  }
0x31b: {  	s15 =	sshrl.u32 s8, $0x3;
	s5 =	sand.u32 @!p3 $0xFF, s5  }
0x31c: {  	s17 =	simm.s32 $0x15140;
	s7 =	sadd.s32 s6, s15;
	s5 =	smul.u32 @!p3 $0x50, s5  }
0x31d: {  	[tilespmem:s17], [sflag:$0xF] =	stream.linear.gather [hbm4b:s7+s4], $0x50, $0x38;
	[tilespmem:$0x1F230] =	vst v63  }
0x31e: {  	s8 =	simm.s32 @!p3 $0x50;
	s9 =	simm.s32 @!p3 $0x16630;
	s7 =	sadd.s32 @!p3 $0x13980, s5  }
0x31f: {  	[tilespmem:s9], [sflag:$0x3] =	stream.indirect.gather @!p3 [spmem:s2], $0x40, s7, s8, $0xb8;
	[tilespmem:$0x1F230] =	vst v63  }
0x320: {  	s5 =	sadd.s32 @!p3 $0x14150, s5;
	s7 =	simm.s32 @!p3 $0x1B630  }
0x321: {  	[tilespmem:s7], [sflag:$0x7] =	stream.indirect.gather @!p3 [spmem:s3], $0x40, s5, s8, $0xb8;
	[tilespmem:$0x1F230] =	vst v63  }
.LBB2_46:
0x322: {  	_ =	swait.ge [sflag:s19], $0x1400  }
0x323: {  	[sflag:s19] =	ssyncset.done $0x0  }
0x324: {  	[sflag:s19] =	ssyncadd.s32 $0xFFFFEC00  }
0x325: {  	_ =	swait.ge [sflag:s20], $0x1400  }
0x326: {  	[sflag:s20] =	ssyncset.done $0x0  }
0x327: {  	s14 =	simm.s32 $0x18E70;
	[sflag:s20] =	ssyncadd.s32 $0xFFFFEC00  }
0x328: {  	s15 =	simm.s32 $0x1DE70;
	v1 =	vld [tilespmem:s14+$0x0]  }
0x329: {  	v2 =	vld [tilespmem:s15+$0x0];
	_ =	sdelay $0x4  }
0x32a: {  	v1 =	vadd.f32 v2, v1  }
0x32b: {  	v3 =	vld [tilespmem:s14+$0xFFFFFFC0]  }
0x32c: {  	v2 =	vld [tilespmem:s15+$0xFFFFFFC0];
	v1 =	vmax.f32 v1, $0.0e+00  }
0x32d: {  	[tilespmem:s14+$0x0] =	vst v1;
	v1 =	vld [tilespmem:s14+$0x10]  }
0x32e: {  	v4 =	vld [tilespmem:s15+$0x10];
	_ =	sdelay $0x2  }
0x32f: {  	s5 =	simm.s32 $0x18EF0;
	v5 =	vld [tilespmem:s14+$0xFFFFFFD0]  }
0x330: {  	s7 =	simm.s32 $0x1DEF0;
	v2 =	vadd.f32 v2, v3;
	v3 =	vld [tilespmem:s5+$0x0]  }
0x331: {  	v1 =	vadd.f32 v4, v1;
	v4 =	vld [tilespmem:s7+$0x0]  }
0x332: {  	v6 =	vld [tilespmem:s14+$0xFFFFFFE0];
	v2 =	vmax.f32 v2, $0.0e+00  }
0x333: {  	v7 =	vld [tilespmem:s14+$0x20];
	[tilespmem:s14+$0xFFFFFFC0] =	vst v2;
	v1 =	vmax.f32 v1, $0.0e+00  }
0x334: {  	v2 =	vld [tilespmem:s15+$0xFFFFFFD0];
	[tilespmem:s14+$0x10] =	vst v1  }
0x335: {  	v8 =	vld [tilespmem:s15+$0x20]  }
0x336: {  	v1 =	vadd.f32 v4, v3;
	v3 =	vld [tilespmem:s7+$0xFFFFFFC0]  }
0x337: {  	v4 =	vld [tilespmem:s5+$0xFFFFFFC0]  }
0x338: {  	s8 =	simm.s32 $0x18F70;
	v11 =	vld [tilespmem:s14+$0x30]  }
0x339: {  	v14 =	vld [tilespmem:s8+$0xFFFFFFC0];
	v2 =	vadd.f32 v2, v5  }
0x33a: {  	v5 =	vld [tilespmem:s5+$0x10];
	v9 =	vmax.f32 v1, $0.0e+00  }
0x33b: {  	v1 =	vld [tilespmem:s14+$0xFFFFFFF0];
	v2 =	vmax.f32 v2, $0.0e+00;
	[tilespmem:s5+$0x0] =	vst v9  }
0x33c: {  	[tilespmem:s14+$0xFFFFFFD0] =	vst v2;
	v7 =	vadd.f32 v8, v7;
	v8 =	vld [tilespmem:s7+$0x10];
	v2 =	vadd.f32 v3, v4  }
0x33d: {  	v9 =	vld [tilespmem:s5+$0xFFFFFFD0]  }
0x33e: {  	v10 =	vld [tilespmem:s15+$0xFFFFFFE0];
	v2 =	vmax.f32 v2, $0.0e+00  }
0x33f: {  	v4 =	vld [tilespmem:s8+$0x0];
	v3 =	vmax.f32 v7, $0.0e+00;
	[tilespmem:s5+$0xFFFFFFC0] =	vst v2  }
0x340: {  	[tilespmem:s14+$0x20] =	vst v3;
	v3 =	vld [tilespmem:s7+$0xFFFFFFD0]  }
0x341: {  	v7 =	vld [tilespmem:s5+$0xFFFFFFE0];
	v2 =	vadd.f32 v8, v5  }
0x342: {  	s9 =	simm.s32 $0x1DF70;
	v12 =	vld [tilespmem:s15+$0x30]  }
0x343: {  	v5 =	vld [tilespmem:s9+$0x0];
	v2 =	vmax.f32 v2, $0.0e+00  }
0x344: {  	v8 =	vld [tilespmem:s5+$0x20];
	[tilespmem:s5+$0x10] =	vst v2  }
0x345: {  	v13 =	vld [tilespmem:s7+$0x20];
	v3 =	vadd.f32 v3, v9  }
0x346: {  	v2 =	vld [tilespmem:s5+$0xFFFFFFF0]  }
0x347: {  	v9 =	vld [tilespmem:s9+$0xFFFFFFC0];
	v3 =	vmax.f32 v3, $0.0e+00  }
0x348: {  	v5 =	vadd.f32 v5, v4;
	v4 =	vld [tilespmem:s8+$0xFFFFFFD0];
	[tilespmem:s5+$0xFFFFFFD0] =	vst v3  }
0x349: {  	v62 =	vld [tilespmem:s7+$0xFFFFFFE0]  }
0x34a: {  	v3 =	vmax.f32 v5, $0.0e+00;
	v5 =	vadd.f32 v10, v6;
	v10 =	vld [tilespmem:s8+$0x10];
	v8 =	vadd.f32 v13, v8  }
0x34b: {  	[tilespmem:s8+$0x0] =	vst v3;
	v3 =	vld [tilespmem:s8+$0xFFFFFFE0]  }
0x34c: {  	v63 =	vld [tilespmem:s9+$0x10];
	v6 =	vmax.f32 v8, $0.0e+00;
	v8 =	vadd.f32 v9, v14  }
0x34d: {  	v9 =	vadd.f32 v12, v11;
	[tilespmem:s5+$0x20] =	vst v6;
	v6 =	vmax.f32 v5, $0.0e+00;
	v5 =	vld [tilespmem:s5+$0x30]  }
0x34e: {  	[tilespmem:s14+$0xFFFFFFE0] =	vst v6;
	v6 =	vmax.f32 v8, $0.0e+00;
	v11 =	vadd.f32 v62, v7;
	v7 =	vld [tilespmem:s7+$0x30]  }
0x34f: {  	v9 =	vmax.f32 v9, $0.0e+00;
	[tilespmem:s8+$0xFFFFFFC0] =	vst v6;
	v8 =	vld [tilespmem:s15+$0xFFFFFFF0]  }
0x350: {  	[tilespmem:s14+$0x30] =	vst v9;
	v9 =	vld [tilespmem:s9+$0xFFFFFFD0];
	v11 =	vmax.f32 v11, $0.0e+00  }
0x351: {  	s12 =	simm.s32 $0x4;
	s17 =	simm.s32 $0x18FF0;
	v6 =	vld [tilespmem:s8+$0xFFFFFFF0];
	s15 =	simm.s32 $0x1DF70;
	v10 =	vadd.f32 v63, v10;
	[tilespmem:s5+$0xFFFFFFE0] =	vst v11  }
.LBB2_47:
0x352: {  	v11 =	vld [tilespmem:s17+$0x0];
	s9 =	sadd.s32 $0x80, s9  }
0x353: {  	s12 =	sadd.s32 $0x2, s12;
	v10 =	vmax.f32 v10, $0.0e+00;
	v5 =	vadd.f32 v7, v5;
	v12 =	vld [tilespmem:s9+$0x0]  }
0x354: {  	v8 =	vadd.f32 v8, v1;
	v1 =	vmov v2;
	p5 =	slt.u32 s12, $0x4E;
	[tilespmem:s8+$0x10] =	vst v10;
	v7 =	vld [tilespmem:s8+$0x20]  }
0x355: {  	v4 =	vadd.f32 v9, v4;
	v10 =	vmax.f32 v5, $0.0e+00;
	v9 =	vld [tilespmem:s15+$0x20]  }
0x356: {  	v2 =	vmov v6;
	v8 =	vmax.f32 v8, $0.0e+00;
	v5 =	vld [tilespmem:s9+$0xFFFFFFC0];
	[tilespmem:s5+$0x30] =	vst v10  }
0x357: {  	v10 =	vmax.f32 v4, $0.0e+00;
	v6 =	vld [tilespmem:s17+$0xFFFFFFC0];
	[tilespmem:s14+$0xFFFFFFF0] =	vst v8;
	s14 =	smov.u32 s5;
	s5 =	smov.u32 s8;
	s8 =	smov.u32 s17  }
0x358: {  	v4 =	vld [tilespmem:s17+$0xFFFFFFD0];
	v8 =	vadd.f32 v12, v11;
	[tilespmem:s5+$0xFFFFFFD0] =	vst v10  }
0x359: {  	v10 =	vld [tilespmem:s15+$0xFFFFFFE0]  }
0x35a: {  	v11 =	vld [tilespmem:s17+$0xFFFFFFE0];
	v8 =	vmax.f32 v8, $0.0e+00;
	v7 =	vadd.f32 v9, v7  }
0x35b: {  	[tilespmem:s17+$0x0] =	vst v8;
	v12 =	vld [tilespmem:s17+$0x10]  }
0x35c: {  	v6 =	vadd.f32 v5, v6;
	v13 =	vld [tilespmem:s9+$0x10];
	v5 =	vmax.f32 v7, $0.0e+00  }
.Ltmp33:
0x35d: {  	[tilespmem:s5+$0x20] =	vst v5;
	v5 =	vld [tilespmem:s5+$0x30];
	(pc) =	sbr.rel @p5 .LBB2_47-.Ltmp33, $4  }
0x35e: {  	v6 =	vmax.f32 v6, $0.0e+00;
	v10 =	vadd.f32 v10, v3;
	v7 =	vld [tilespmem:s15+$0x30]  }
0x35f: {  	[tilespmem:s17+$0xFFFFFFC0] =	vst v6;
	v8 =	vld [tilespmem:s7+$0xFFFFFFF0];
	v3 =	vmov v11;
	s7 =	smov.u32 s15;
	s15 =	smov.u32 s9  }
0x360: {  	v9 =	vld [tilespmem:s9+$0xFFFFFFD0];
	v11 =	vmax.f32 v10, $0.0e+00  }
0x361: {  	s17 =	sadd.s32 $0x80, s17;
	v6 =	vld [tilespmem:s8+$0xFFFFFFF0];
	v10 =	vadd.f32 v13, v12;
	[tilespmem:s5+$0xFFFFFFE0] =	vst v11  }
.Ltmp34:
0x362: {  	_ = 	snop;
	(pc) =	sbr.rel .LBB2_48-.Ltmp34, $1  }
0x363: {  	_ =	sdelay $0x3  }
.LBB2_50:
0x364: {  	s5 =	simm.s32 $0xA  }
0x365: {  	_ =	swait.ge [sflag:s5], $0x1400  }
0x366: {  	[sflag:s5] =	ssyncset.done $0x0  }
0x367: {  	s15 =	simm.s32 $0xB;
	[sflag:s5] =	ssyncadd.s32 $0xFFFFEC00  }
0x368: {  	_ =	swait.ge [sflag:s15], $0x1400  }
0x369: {  	[sflag:s15] =	ssyncset.done $0x0  }
0x36a: {  	s17 =	simm.s32 $0xC;
	[sflag:s15] =	ssyncadd.s32 $0xFFFFEC00  }
0x36b: {  	_ =	swait.ge [sflag:s17], $0x1400  }
0x36c: {  	[sflag:s17] =	ssyncset.done $0x0  }
0x36d: {  	s25 =	simm.s32 $0xD;
	[sflag:s17] =	ssyncadd.s32 $0xFFFFEC00  }
0x36e: {  	_ =	swait.ge [sflag:s25], $0x1400  }
.Ltmp35:
0x36f: {  	[sflag:s25] =	ssyncset.done $0x0;
	(pc) =	sbr.rel @p0 .LBB2_52-.Ltmp35, $4  }
0x370: {  	[sflag:s25] =	ssyncadd.s32 $0xFFFFEC00  }
0x371: {  	[bflag:$0x0] =	sbarrier.arrive $0xFFFF  }
0x372: {  	s15 =	rddreg [dreg:$0x19]  }
0x373: {  	s5 =	sshrl.u32 s15, $0x3  }
0x374: {  	s7 =	sld [smem:$0x7F4]  }
0x375: {  	s25 =	sld [smem:$0x7F9];
	_ =	sdelay $0x1  }
0x376: {  	s9 =	sor.u32 $0x1C12, s7  }
0x377: {  	[hbm:s25], [sflag:s9] =	dma.local [spmem:s5], $0x1380  }
.Ltmp36:
0x378: {  	_ = 	snop;
	(pc) =	sbr.rel @p1 .LBB2_53-.Ltmp36, $4  }
.Ltmp37:
0x379: {  	_ = 	snop;
	(pc) =	sbr.rel @!p1 .LBB2_54-.Ltmp37, $4  }
0x37a: {  	_ =	swait.ge [sflag:s16], $0x1380  }
0x37b: {  	[sflag:s16] =	ssyncset.done $0x0;
	s5 =	rddreg [dreg:$0x10]  }
0x37c: {  	s8 =	sld [smem:$0x7F5];
	[sflag:s16] =	ssyncadd.s32 $0xFFFFEC80  }
0x37d: {  	_ = 	snop  }
.LBB2_52:
0x37e: {  	s7 =	sld [smem:$0x7F8]  }
0x37f: {  	s9 =	sld [smem:$0x7F3];
	_ =	sdelay $0x2  }
0x380: {  	[hbm:s7], [sflag:s9] =	dma.local [spmem:s5], $0x1380  }
.Ltmp38:
0x381: {  	_ = 	snop;
	(pc) =	sbr.rel @p2 .LBB2_54-.Ltmp38, $4  }
.Ltmp39:
0x382: {  	_ = 	snop;
	(pc) =	sbr.rel @!p2 .LBB2_53-.Ltmp39, $4  }
0x383: {  	_ =	swait.ge [sflag:s16], $0x1380  }
0x384: {  	[sflag:s16] =	ssyncset.done $0x0;
	s5 =	rddreg [dreg:$0x11]  }
0x385: {  	s8 =	sld [smem:$0x7F5];
	[sflag:s16] =	ssyncadd.s32 $0xFFFFEC80  }
0x386: {  	_ = 	snop  }
.LBB2_55:
0x387: {  	_ =	sfence.sel $0x180000  }
0x388: {  	[bflag:$0x0] =	sbarrier.arrive $0xFFFF  }
0x389: {  	_ =	strace $0x90000047  }
0x38a: {  	s0 =	stileid.u32;
	[bflag:$0x2] =	sbarrier.arrive $0xFFFF  }
0x38b: {  	p0 =	sne.s32 s0, $0x0;
	s0 =	rddreg [dreg:$0x5]  }
0x38c: {  	s0 =	sadd.s32 @!p0 $0x100000, s0  }
0x38d: {  	[sflag:s0] =	ssyncadd.tile.s32 @!p0 $0x1;
	_ =	shalt  }
.Lfunc_end2:
_tile_overlayer_lowered:
.L_overlay_start_2:
0x38e: {  	(tag) =	ssettag $0x2  }
0x38f: {  	s0 =	rddreg [dreg:$0x0];
	s2 =	stileid.u32  }
0x390: {  	s1 =	rddreg [dreg:$0x1];
	p0 =	sne.s32 s2, $0x0  }
0x391: {  	s3 =	rddreg [dreg:$0x2];
	[bflag:$0x3] =	sbarrier.arrive $0xFFFF;
	s2 =	simm.s32 @!p0 $0x1C12  }
0x392: {  	[timem:s3], [sflag:s2] =	dma.local @!p0 [hbm:s0], s1  }
0x393: {  	s0 =	simm.s32 @!p0 $0x12  }
0x394: {  	_ =	swait.ge @!p0 [sflag:s0], s1  }
0x395: {  	s1 =	ssub.s32 @!p0 $0x0, s1;
	[sflag:s0] =	ssyncset.done @!p0 $0x0  }
0x396: {  	[sflag:s0] =	ssyncadd.s32 @!p0 s1  }
0x397: {  	[bflag:$0x3] =	sbarrier.arrive $0xFFFF  }
0x398: {  	_ =	shalt  }

</sc_bundles>
